<compile_context>
chip_gen: v7x
topology: tpu7x:2x2x1
jax: 0.10.2.dev20260603
libtpu: 0.0.44.dev20260713+nightly
codegen_flags: <defaults>
</compile_context>

<pallas_src>
import jax
import jax.numpy as jnp
from jax import lax
from jax.experimental import pallas as pl
from jax.experimental.pallas import tpu as pltpu
from jax.experimental.pallas import tpu_sc as plsc

MARGIN = 1.0
N_TOTAL = 16 * 3 * 512 * 512
NW = 32
L = 16
PER_W = N_TOTAL // NW
CHUNK = 8192
VECS = CHUNK // L
NCHUNK = PER_W // CHUNK
NGRP = NCHUNK // 2
UNROLL = 8
NB = 1024
HSZ = NB * L
B1_SHIFT = 22
B2_SHIFT = 12

_mesh = plsc.VectorSubcoreMesh(core_axis_name="c", subcore_axis_name="s")
_params = pltpu.CompilerParams(needs_layout_passes=False)


def _key_of(d):
    bits = plsc.bitcast(d, jnp.int32)
    key = bits ^ ((bits >> 31) | jnp.int32(-(2**31)))
    return plsc.bitcast(key, jnp.uint32)


def _zero_hist(hist):
    zero = jnp.zeros((L,), jnp.float32)

    def zbody(i, carry):
        for u in range(8):
            hist[pl.ds((i * 8 + u) * L, L)] = zero
        return carry

    lax.fori_loop(0, 4 * HSZ // (8 * L), zbody, 0)


def _make_pass(refine):

    def body(data_hbm, labels_hbm, *rest):
        if refine:
            (thr_hbm, hist_out,
             d0, d1, l0, l1, hist, tbuf,
             sd0, sd1, sl0, sl1) = rest
        else:
            (hist_out,
             d0, d1, l0, l1, hist,
             sd0, sd1, sl0, sl1) = rest
        dbufs, lbufs = (d0, d1), (l0, l1)
        dsems, lsems = (sd0, sd1), (sl0, sl1)

        wid = lax.axis_index("s") * 2 + lax.axis_index("c")
        base = wid * PER_W
        _zero_hist(hist)
        if refine:
            pltpu.sync_copy(thr_hbm, tbuf)
            thrp = plsc.bitcast(tbuf[pl.ds(0, L)], jnp.uint32)
            thrn = plsc.bitcast(tbuf[pl.ds(L, L)], jnp.uint32)
        laneu = plsc.bitcast(lax.iota(jnp.int32, L), jnp.uint32)
        ones = jnp.ones((L,), jnp.float32)
        off_neg = jnp.full((L,), 2 * HSZ, jnp.int32)

        def issue(c, b):
            start = base + c * CHUNK
            pltpu.async_copy(data_hbm.at[pl.ds(start, CHUNK)], dbufs[b], dsems[b])
            pltpu.async_copy(labels_hbm.at[pl.ds(start, CHUNK)], lbufs[b], lsems[b])

        def drain(b):
            pltpu.make_async_copy(
                data_hbm.at[pl.ds(0, CHUNK)], dbufs[b], dsems[b]).wait()
            pltpu.make_async_copy(
                labels_hbm.at[pl.ds(0, CHUNK)], lbufs[b], lsems[b]).wait()

        def consume(b):
            dbuf, lbuf = dbufs[b], lbufs[b]

            @plsc.parallel_loop(0, VECS, step=1, unroll=UNROLL)
            def _(v):
                off = v * L
                d = dbuf[pl.ds(off, L)]
                lab = lbuf[pl.ds(off, L)]
                pos = lab != 0
                keyu = _key_of(d)
                t = MARGIN - d
                if refine:
                    valid = jnp.logical_or(pos, d <= MARGIN)
                    thr_b = jnp.where(pos, thrp, thrn)
                    any_m = jnp.logical_and(valid, (keyu >> jnp.uint32(B1_SHIFT)) == thr_b)
                    idxu = ((keyu >> jnp.uint32(B2_SHIFT - 4)) & jnp.uint32((NB - 1) * L)) | laneu
                else:
                    any_m = jnp.logical_or(pos, d <= MARGIN)
                    idxu = ((keyu >> jnp.uint32(B1_SHIFT - 4)) & jnp.uint32((NB - 1) * L)) | laneu
                idx = plsc.bitcast(idxu, jnp.int32)
                mp = pos
                base_v = jnp.where(mp, d, t)
                val = base_v * base_v
                idx_c = idx + jnp.where(mp, 0, off_neg)
                plsc.addupdate_scatter(hist, (idx_c,), ones, mask=any_m)
                plsc.addupdate_scatter(hist, (idx_c + HSZ,), val, mask=any_m)

        issue(0, 0)
        issue(1, 1)

        def group_body(g, carry):
            for b in range(2):
                drain(b)
                consume(b)
                issue(g * 2 + b + 2, b)
            return carry

        lax.fori_loop(0, NGRP - 1, group_body, 0)
        for b in range(2):
            drain(b)
            consume(b)

        pltpu.sync_copy(hist, hist_out.at[wid])

    return body


_scratch_common = (
    pltpu.VMEM((CHUNK,), jnp.float32),
    pltpu.VMEM((CHUNK,), jnp.float32),
    pltpu.VMEM((CHUNK,), jnp.int32),
    pltpu.VMEM((CHUNK,), jnp.int32),
    pltpu.VMEM((4 * HSZ,), jnp.float32),
)
_sems = (
    pltpu.SemaphoreType.DMA,
    pltpu.SemaphoreType.DMA,
    pltpu.SemaphoreType.DMA,
    pltpu.SemaphoreType.DMA,
)

_pass1 = pl.kernel(
    _make_pass(False),
    out_type=jax.ShapeDtypeStruct((NW, 4 * HSZ), jnp.float32),
    mesh=_mesh,
    compiler_params=_params,
    scratch_types=_scratch_common + _sems,
)

_pass2 = pl.kernel(
    _make_pass(True),
    out_type=jax.ShapeDtypeStruct((NW, 4 * HSZ), jnp.float32),
    mesh=_mesh,
    compiler_params=_params,
    scratch_types=_scratch_common + (pltpu.VMEM((2 * L,), jnp.int32),) + _sems,
)


def _select_desc(cnt, ssum, m):
    suf_c = jnp.cumsum(cnt[::-1])[::-1]
    ok = suf_c >= m
    b = NB - 1 - jnp.argmax(ok[::-1])
    above_c = suf_c[b] - cnt[b]
    suf_s = jnp.cumsum(ssum[::-1])[::-1]
    above_s = suf_s[b] - ssum[b]
    return above_s, b, m - above_c


def _select_asc(cnt, ssum, m):
    pre_c = jnp.cumsum(cnt)
    ok = pre_c >= m
    b = jnp.argmax(ok)
    below_c = pre_c[b] - cnt[b]
    pre_s = jnp.cumsum(ssum)
    below_s = pre_s[b] - ssum[b]
    return below_s, b, m - below_c


def _frac_part(cnt_b, sum_b, r):
    safe = jnp.maximum(cnt_b, 1.0)
    return jnp.where(cnt_b > 0.0, (r / safe) * sum_b, 0.0)


def kernel(data, labels):
    d = data.reshape(-1)
    lab = labels.reshape(-1)

    hist1 = _pass1(d, lab)
    h1 = hist1.reshape(NW, 4, NB, L).sum(axis=(0, 3))
    pc, ps, nc, ns = h1[0], h1[1], h1[2], h1[3]
    n_pos = jnp.sum(pc)
    n_neg = jnp.sum(nc)
    m = jnp.minimum(n_pos, n_neg)

    ps_above, bp, need_p = _select_desc(pc, ps, m)
    ns_below, bn, need_n = _select_asc(nc, ns, m)

    thr = jnp.concatenate(
        [jnp.full((L,), bp, jnp.int32), jnp.full((L,), bn, jnp.int32)]
    )
    hist2 = _pass2(d, lab, thr)
    h2 = hist2.reshape(NW, 4, NB, L).sum(axis=(0, 3))
    pc2, ps2, nc2, ns2 = h2[0], h2[1], h2[2], h2[3]

    ps2_above, sp, r_p = _select_desc(pc2, ps2, need_p)
    ns2_below, sn, r_n = _select_asc(nc2, ns2, need_n)

    sum_pos = ps_above + ps2_above + _frac_part(pc2[sp], ps2[sp], r_p)
    sum_neg = ns_below + ns2_below + _frac_part(nc2[sn], ns2[sn], r_n)

    mined = (sum_pos + sum_neg) / (2.0 * m)
    loss_all = (jnp.sum(ps) + jnp.sum(ns)) / jnp.float32(N_TOTAL)
    return jnp.where(n_neg == 0, loss_all, mined)

# --- scband reference (transcript-rebuilt; emitter-appended) ---
"""Pipeline reference for scband-contrastive-loss-17463337025730 (READ-ONLY COPY).

The authoritative reference and input builder live on the scoring server;
editing this copy changes nothing except your own understanding.
"""

import jax, jax.numpy as jnp
import numpy as np

MARGIN = 1.0


def _miner(data, labels, margin):
    # data, labels are flat 1D arrays; fixed-shape masked formulation.
    labels_b = labels.astype(bool)
    hard_neg = jnp.logical_and(jnp.logical_not(labels_b), data <= margin)
    n_pos = jnp.sum(labels_b)
    n_neg = jnp.sum(hard_neg)
    m = jnp.minimum(n_pos, n_neg)
    n = data.shape[0]
    ranks = jnp.arange(n)
    sel = ranks < m
    # largest-m positive values: sort descending with -inf sentinel for non-positives
    pos_sorted = jnp.sort(jnp.where(labels_b, data, -jnp.inf))[::-1]
    sum_pos = jnp.sum(jnp.where(sel, jnp.power(pos_sorted, 2), 0.0))
    # smallest-m hard-negative values: sort ascending with +inf sentinel
    neg_sorted = jnp.sort(jnp.where(hard_neg, data, jnp.inf))
    neg_terms = jnp.power(jnp.clip(margin - neg_sorted, 0.0, None), 2)
    sum_neg = jnp.sum(jnp.where(sel, neg_terms, 0.0))
    denom = (2 * m).astype(jnp.float32)
    mined_loss = (sum_neg + sum_pos) / denom
    return mined_loss, n_neg


def setup_inputs(seed: int = 0) -> dict:
    key = jax.random.key(seed)
    k1, k2 = jax.random.split(key)
    data = jax.random.normal(k1, (16, 3, 512, 512), dtype=jnp.float32)
    labels = jax.random.randint(k2, (16 * 3 * 512 * 512,), 0, 2, dtype=jnp.int32)
    return {"data": data, "labels": labels}


def reference(data, labels):
    if data.ndim == 4:
        data = data.reshape(-1)
    if labels.ndim == 3:
        labels = labels.reshape(-1)
    mined_loss, n_neg = _miner(data, labels, MARGIN)
    lab_all = labels.astype(jnp.float32)
    loss_all = jnp.mean(lab_all * jnp.power(data, 2) + (1.0 - lab_all) * jnp.power(jnp.clip(MARGIN - data, 0.0, None), 2))
    loss = jnp.where(n_neg == 0, loss_all, mined_loss)
    return loss

if __name__ == "__main__":
    import jax
    _d = setup_inputs()
    print(jax.jit(kernel)(*tuple(_d.values())))

</pallas_src>

<mosaic_0001>
#map = affine_map<(d0, d1) -> (0)>
#map1 = affine_map<(d0, d1) -> (0, 0)>
module attributes {stable_mosaic.version = 14 : i64} {
  func.func @body(%arg0: i32, %arg1: i32, %arg2: memref<12582912xf32, #tpu.memory_space<hbm>>, %arg3: memref<12582912xi32, #tpu.memory_space<hbm>>, %arg4: memref<32x65536xf32, #tpu.memory_space<hbm>>, %arg5: memref<8192xf32, #tpu.memory_space<vmem>>, %arg6: memref<8192xf32, #tpu.memory_space<vmem>>, %arg7: memref<8192xi32, #tpu.memory_space<vmem>>, %arg8: memref<8192xi32, #tpu.memory_space<vmem>>, %arg9: memref<65536xf32, #tpu.memory_space<vmem>>, %arg10: memref<!tpu.dma_semaphore, #tpu.memory_space<semaphore_mem>>, %arg11: memref<!tpu.dma_semaphore, #tpu.memory_space<semaphore_mem>>, %arg12: memref<!tpu.dma_semaphore, #tpu.memory_space<semaphore_mem>>, %arg13: memref<!tpu.dma_semaphore, #tpu.memory_space<semaphore_mem>>) attributes {dimension_semantics = [#tpu.dimension_semantics<core_parallel>, #tpu.dimension_semantics<subcore_parallel>], iteration_bounds = array<i64: 2, 16>, scalar_prefetch = 0 : i64, scratch_operands = 9 : i64, tpu.core_type = #tpu.core_type<sc_vector_subcore>, window_params = [{transform_indices = #map}, {transform_indices = #map}, {transform_indices = #map1}]} {
    %mul3A = arith.constant 2 : i32
    %mul3A_0 = arith.muli %arg1, %mul3A : i32
    %add3A = arith.addi %mul3A_0, %arg0 : i32
    %mul3A_1 = arith.constant 393216 : i32
    %mul3A_2 = arith.muli %add3A, %mul3A_1 : i32
    %broadcast_in_dim3A = arith.constant 0.000000e+00 : f32
    %broadcast_in_dim3A_3 = vector.broadcast %broadcast_in_dim3A : f32 to vector<16xf32>
    %scan3A = arith.constant 0 : i32
    %scan3A_4 = arith.constant 0 : i32
    %scan3A_5 = arith.constant 512 : i32
    %scan3A_6 = arith.addi %scan3A_4, %scan3A_5 : i32
    %scan3A_7 = arith.constant 1 : i32
    scf.for %scan3A_50 = %scan3A_4 to %scan3A_6 step %scan3A_7  : i32 {
      %mul3A_51 = arith.constant 8 : i32
      %mul3A_52 = arith.muli %scan3A_50, %mul3A_51 : i32
      %add3A_53 = arith.constant 0 : i32
      %add3A_54 = arith.addi %mul3A_52, %add3A_53 : i32
      %mul3A_55 = arith.constant 16 : i32
      %mul3A_56 = arith.muli %add3A_54, %mul3A_55 : i32
      %swap3A = arith.index_cast %mul3A_56 : i32 to index
      %swap3A_57 = tpu.vector_load %arg9[%swap3A] {strides = array<i32>} : memref<65536xf32, #tpu.memory_space<vmem>>, vector<16xf32>,
      tpu.vector_store %arg9[%swap3A], %broadcast_in_dim3A_3 {strides = array<i32>} : memref<65536xf32, #tpu.memory_space<vmem>>, vector<16xf32>,
      %mul3A_58 = arith.constant 8 : i32
      %mul3A_59 = arith.muli %scan3A_50, %mul3A_58 : i32
      %add3A_60 = arith.constant 1 : i32
      %add3A_61 = arith.addi %mul3A_59, %add3A_60 : i32
      %mul3A_62 = arith.constant 16 : i32
      %mul3A_63 = arith.muli %add3A_61, %mul3A_62 : i32
      %swap3A_64 = arith.index_cast %mul3A_63 : i32 to index
      %swap3A_65 = tpu.vector_load %arg9[%swap3A_64] {strides = array<i32>} : memref<65536xf32, #tpu.memory_space<vmem>>, vector<16xf32>,
      tpu.vector_store %arg9[%swap3A_64], %broadcast_in_dim3A_3 {strides = array<i32>} : memref<65536xf32, #tpu.memory_space<vmem>>, vector<16xf32>,
      %mul3A_66 = arith.constant 8 : i32
      %mul3A_67 = arith.muli %scan3A_50, %mul3A_66 : i32
      %add3A_68 = arith.constant 2 : i32
      %add3A_69 = arith.addi %mul3A_67, %add3A_68 : i32
      %mul3A_70 = arith.constant 16 : i32
      %mul3A_71 = arith.muli %add3A_69, %mul3A_70 : i32
      %swap3A_72 = arith.index_cast %mul3A_71 : i32 to index
      %swap3A_73 = tpu.vector_load %arg9[%swap3A_72] {strides = array<i32>} : memref<65536xf32, #tpu.memory_space<vmem>>, vector<16xf32>,
      tpu.vector_store %arg9[%swap3A_72], %broadcast_in_dim3A_3 {strides = array<i32>} : memref<65536xf32, #tpu.memory_space<vmem>>, vector<16xf32>,
      %mul3A_74 = arith.constant 8 : i32
      %mul3A_75 = arith.muli %scan3A_50, %mul3A_74 : i32
      %add3A_76 = arith.constant 3 : i32
      %add3A_77 = arith.addi %mul3A_75, %add3A_76 : i32
      %mul3A_78 = arith.constant 16 : i32
      %mul3A_79 = arith.muli %add3A_77, %mul3A_78 : i32
      %swap3A_80 = arith.index_cast %mul3A_79 : i32 to index
      %swap3A_81 = tpu.vector_load %arg9[%swap3A_80] {strides = array<i32>} : memref<65536xf32, #tpu.memory_space<vmem>>, vector<16xf32>,
      tpu.vector_store %arg9[%swap3A_80], %broadcast_in_dim3A_3 {strides = array<i32>} : memref<65536xf32, #tpu.memory_space<vmem>>, vector<16xf32>,
      %mul3A_82 = arith.constant 8 : i32
      %mul3A_83 = arith.muli %scan3A_50, %mul3A_82 : i32
      %add3A_84 = arith.constant 4 : i32
      %add3A_85 = arith.addi %mul3A_83, %add3A_84 : i32
      %mul3A_86 = arith.constant 16 : i32
      %mul3A_87 = arith.muli %add3A_85, %mul3A_86 : i32
      %swap3A_88 = arith.index_cast %mul3A_87 : i32 to index
      %swap3A_89 = tpu.vector_load %arg9[%swap3A_88] {strides = array<i32>} : memref<65536xf32, #tpu.memory_space<vmem>>, vector<16xf32>,
      tpu.vector_store %arg9[%swap3A_88], %broadcast_in_dim3A_3 {strides = array<i32>} : memref<65536xf32, #tpu.memory_space<vmem>>, vector<16xf32>,
      %mul3A_90 = arith.constant 8 : i32
      %mul3A_91 = arith.muli %scan3A_50, %mul3A_90 : i32
      %add3A_92 = arith.constant 5 : i32
      %add3A_93 = arith.addi %mul3A_91, %add3A_92 : i32
      %mul3A_94 = arith.constant 16 : i32
      %mul3A_95 = arith.muli %add3A_93, %mul3A_94 : i32
      %swap3A_96 = arith.index_cast %mul3A_95 : i32 to index
      %swap3A_97 = tpu.vector_load %arg9[%swap3A_96] {strides = array<i32>} : memref<65536xf32, #tpu.memory_space<vmem>>, vector<16xf32>,
      tpu.vector_store %arg9[%swap3A_96], %broadcast_in_dim3A_3 {strides = array<i32>} : memref<65536xf32, #tpu.memory_space<vmem>>, vector<16xf32>,
      %mul3A_98 = arith.constant 8 : i32
      %mul3A_99 = arith.muli %scan3A_50, %mul3A_98 : i32
      %add3A_100 = arith.constant 6 : i32
      %add3A_101 = arith.addi %mul3A_99, %add3A_100 : i32
      %mul3A_102 = arith.constant 16 : i32
      %mul3A_103 = arith.muli %add3A_101, %mul3A_102 : i32
      %swap3A_104 = arith.index_cast %mul3A_103 : i32 to index
      %swap3A_105 = tpu.vector_load %arg9[%swap3A_104] {strides = array<i32>} : memref<65536xf32, #tpu.memory_space<vmem>>, vector<16xf32>,
      tpu.vector_store %arg9[%swap3A_104], %broadcast_in_dim3A_3 {strides = array<i32>} : memref<65536xf32, #tpu.memory_space<vmem>>, vector<16xf32>,
      %mul3A_106 = arith.constant 8 : i32
      %mul3A_107 = arith.muli %scan3A_50, %mul3A_106 : i32
      %add3A_108 = arith.constant 7 : i32
      %add3A_109 = arith.addi %mul3A_107, %add3A_108 : i32
      %mul3A_110 = arith.constant 16 : i32
      %mul3A_111 = arith.muli %add3A_109, %mul3A_110 : i32
      %swap3A_112 = arith.index_cast %mul3A_111 : i32 to index
      %swap3A_113 = tpu.vector_load %arg9[%swap3A_112] {strides = array<i32>} : memref<65536xf32, #tpu.memory_space<vmem>>, vector<16xf32>,
      tpu.vector_store %arg9[%swap3A_112], %broadcast_in_dim3A_3 {strides = array<i32>} : memref<65536xf32, #tpu.memory_space<vmem>>, vector<16xf32>,
    }
    %scan3A_8 = arith.constant 512 : i32
    %iota3A = tpu.iota {dimensions = array<i32: 0>} : vector<16xi32>
    %bitcast3A = vector.bitcast %iota3A : vector<16xi32> to vector<16xi32>
    %broadcast_in_dim3A_9 = arith.constant 1.000000e+00 : f32
    %broadcast_in_dim3A_10 = vector.broadcast %broadcast_in_dim3A_9 : f32 to vector<16xf32>
    %broadcast_in_dim3A_11 = arith.constant 32768 : i32
    %broadcast_in_dim3A_12 = vector.broadcast %broadcast_in_dim3A_11 : i32 to vector<16xi32>
    %add3A_13 = arith.constant 0 : i32
    %add3A_14 = arith.addi %mul3A_2, %add3A_13 : i32
    %dma_start3A = tpu.memref_slice %arg2[%add3A_14] : memref<12582912xf32, #tpu.memory_space<hbm>> -> memref<8192xf32, #tpu.memory_space<hbm>>
    %dma_start3A_15 = tpu.memref_slice %arg2[%add3A_14] : memref<12582912xf32, #tpu.memory_space<hbm>> -> memref<8192xf32, #tpu.memory_space<hbm>>
    tpu.enqueue_dma source(%dma_start3A_15 : memref<8192xf32, #tpu.memory_space<hbm>>) target(%arg5 : memref<8192xf32, #tpu.memory_space<vmem>>) target_semaphore(%arg10 : memref<!tpu.dma_semaphore, #tpu.memory_space<semaphore_mem>>)
    %dma_start3A_16 = tpu.memref_slice %arg3[%add3A_14] : memref<12582912xi32, #tpu.memory_space<hbm>> -> memref<8192xi32, #tpu.memory_space<hbm>>
    %dma_start3A_17 = tpu.memref_slice %arg3[%add3A_14] : memref<12582912xi32, #tpu.memory_space<hbm>> -> memref<8192xi32, #tpu.memory_space<hbm>>
    tpu.enqueue_dma source(%dma_start3A_17 : memref<8192xi32, #tpu.memory_space<hbm>>) target(%arg7 : memref<8192xi32, #tpu.memory_space<vmem>>) target_semaphore(%arg12 : memref<!tpu.dma_semaphore, #tpu.memory_space<semaphore_mem>>)
    %add3A_18 = arith.constant 8192 : i32
    %add3A_19 = arith.addi %mul3A_2, %add3A_18 : i32
    %dma_start3A_20 = tpu.memref_slice %arg2[%add3A_19] : memref<12582912xf32, #tpu.memory_space<hbm>> -> memref<8192xf32, #tpu.memory_space<hbm>>
    %dma_start3A_21 = tpu.memref_slice %arg2[%add3A_19] : memref<12582912xf32, #tpu.memory_space<hbm>> -> memref<8192xf32, #tpu.memory_space<hbm>>
    tpu.enqueue_dma source(%dma_start3A_21 : memref<8192xf32, #tpu.memory_space<hbm>>) target(%arg6 : memref<8192xf32, #tpu.memory_space<vmem>>) target_semaphore(%arg11 : memref<!tpu.dma_semaphore, #tpu.memory_space<semaphore_mem>>)
    %dma_start3A_22 = tpu.memref_slice %arg3[%add3A_19] : memref<12582912xi32, #tpu.memory_space<hbm>> -> memref<8192xi32, #tpu.memory_space<hbm>>
    %dma_start3A_23 = tpu.memref_slice %arg3[%add3A_19] : memref<12582912xi32, #tpu.memory_space<hbm>> -> memref<8192xi32, #tpu.memory_space<hbm>>
    tpu.enqueue_dma source(%dma_start3A_23 : memref<8192xi32, #tpu.memory_space<hbm>>) target(%arg8 : memref<8192xi32, #tpu.memory_space<vmem>>) target_semaphore(%arg13 : memref<!tpu.dma_semaphore, #tpu.memory_space<semaphore_mem>>)
    %scan3A_24 = arith.constant 0 : i32
    %scan3A_25 = arith.constant 0 : i32
    %scan3A_26 = arith.constant 23 : i32
    %scan3A_27 = arith.addi %scan3A_25, %scan3A_26 : i32
    %scan3A_28 = arith.constant 1 : i32
    scf.for %scan3A_50 = %scan3A_25 to %scan3A_27 step %scan3A_28  : i32 {
      %dma_wait3A_51 = arith.constant 0 : i32
      %dma_wait3A_52 = tpu.memref_slice %arg2[%dma_wait3A_51] : memref<12582912xf32, #tpu.memory_space<hbm>> -> memref<8192xf32, #tpu.memory_space<hbm>>
      %dma_wait3A_53 = arith.constant 0 : i32
      %dma_wait3A_54 = tpu.memref_slice %arg2[%dma_wait3A_53] : memref<12582912xf32, #tpu.memory_space<hbm>> -> memref<8192xf32, #tpu.memory_space<hbm>>
      tpu.wait_dma2 semaphore(%arg10 : memref<!tpu.dma_semaphore, #tpu.memory_space<semaphore_mem>>) src(%dma_wait3A_54 : memref<8192xf32, #tpu.memory_space<hbm>>) dst(%arg5 : memref<8192xf32, #tpu.memory_space<vmem>>)
      %dma_wait3A_55 = arith.constant 0 : i32
      %dma_wait3A_56 = tpu.memref_slice %arg3[%dma_wait3A_55] : memref<12582912xi32, #tpu.memory_space<hbm>> -> memref<8192xi32, #tpu.memory_space<hbm>>
      %dma_wait3A_57 = arith.constant 0 : i32
      %dma_wait3A_58 = tpu.memref_slice %arg3[%dma_wait3A_57] : memref<12582912xi32, #tpu.memory_space<hbm>> -> memref<8192xi32, #tpu.memory_space<hbm>>
      tpu.wait_dma2 semaphore(%arg12 : memref<!tpu.dma_semaphore, #tpu.memory_space<semaphore_mem>>) src(%dma_wait3A_58 : memref<8192xi32, #tpu.memory_space<hbm>>) dst(%arg7 : memref<8192xi32, #tpu.memory_space<vmem>>)
      %parallel_loop3A_59 = arith.constant 0 : i32
      %parallel_loop3A_60 = arith.constant 512 : i32
      %parallel_loop3A_61 = arith.constant 1 : i32
      scf.for %parallel_loop3A_99 = %parallel_loop3A_59 to %parallel_loop3A_60 step %parallel_loop3A_61  : i32 {
        %parallel_loop3A_100 = arith.constant 16 : i32
        %parallel_loop3A_101 = arith.muli %parallel_loop3A_99, %parallel_loop3A_100 : i32
        %parallel_loop3A_102 = arith.index_cast %parallel_loop3A_101 : i32 to index
        %parallel_loop3A_103 = tpu.vector_load %arg5[%parallel_loop3A_102] {strides = array<i32>} : memref<8192xf32, #tpu.memory_space<vmem>>, vector<16xf32>,
        %parallel_loop3A_104 = arith.index_cast %parallel_loop3A_101 : i32 to index
        %parallel_loop3A_105 = tpu.vector_load %arg7[%parallel_loop3A_104] {strides = array<i32>} : memref<8192xi32, #tpu.memory_space<vmem>>, vector<16xi32>,
        %parallel_loop3A_106 = arith.constant 0 : i32
        %parallel_loop3A_107 = vector.broadcast %parallel_loop3A_106 : i32 to vector<16xi32>
        %parallel_loop3A_108 = arith.cmpi ne, %parallel_loop3A_105, %parallel_loop3A_107 : vector<16xi32>
        %parallel_loop3A_109 = vector.bitcast %parallel_loop3A_103 : vector<16xf32> to vector<16xi32>
        %parallel_loop3A_110 = arith.constant 31 : i32
        %parallel_loop3A_111 = vector.broadcast %parallel_loop3A_110 : i32 to vector<16xi32>
        %parallel_loop3A_112 = arith.shrsi %parallel_loop3A_109, %parallel_loop3A_111 : vector<16xi32>
        %parallel_loop3A_113 = arith.constant -2147483648 : i32
        %parallel_loop3A_114 = vector.broadcast %parallel_loop3A_113 : i32 to vector<16xi32>
        %parallel_loop3A_115 = arith.ori %parallel_loop3A_112, %parallel_loop3A_114 : vector<16xi32>
        %parallel_loop3A_116 = arith.xori %parallel_loop3A_109, %parallel_loop3A_115 : vector<16xi32>
        %parallel_loop3A_117 = vector.bitcast %parallel_loop3A_116 : vector<16xi32> to vector<16xi32>
        %parallel_loop3A_118 = arith.constant 1.000000e+00 : f32
        %parallel_loop3A_119 = vector.broadcast %parallel_loop3A_118 : f32 to vector<16xf32>
        %parallel_loop3A_120 = arith.subf %parallel_loop3A_119, %parallel_loop3A_103 : vector<16xf32>
        %parallel_loop3A_121 = arith.constant 1.000000e+00 : f32
        %parallel_loop3A_122 = vector.broadcast %parallel_loop3A_121 : f32 to vector<16xf32>
        %parallel_loop3A_123 = arith.cmpf ole, %parallel_loop3A_103, %parallel_loop3A_122 : vector<16xf32>
        %parallel_loop3A_124 = arith.ori %parallel_loop3A_108, %parallel_loop3A_123 : vector<16xi1>
        %parallel_loop3A_125 = arith.constant 18 : i32
        %parallel_loop3A_126 = vector.broadcast %parallel_loop3A_125 : i32 to vector<16xi32>
        %parallel_loop3A_127 = arith.shrui %parallel_loop3A_117, %parallel_loop3A_126 : vector<16xi32>
        %parallel_loop3A_128 = arith.constant 16368 : i32
        %parallel_loop3A_129 = vector.broadcast %parallel_loop3A_128 : i32 to vector<16xi32>
        %parallel_loop3A_130 = arith.andi %parallel_loop3A_127, %parallel_loop3A_129 : vector<16xi32>
        %parallel_loop3A_131 = arith.ori %parallel_loop3A_130, %bitcast3A : vector<16xi32>
        %parallel_loop3A_132 = vector.bitcast %parallel_loop3A_131 : vector<16xi32> to vector<16xi32>
        %parallel_loop3A_133 = arith.select %parallel_loop3A_108, %parallel_loop3A_103, %parallel_loop3A_120 : vector<16xi1>, vector<16xf32>
        %parallel_loop3A_134 = arith.mulf %parallel_loop3A_133, %parallel_loop3A_133 : vector<16xf32>
        %parallel_loop3A_135 = arith.constant 0 : i32
        %parallel_loop3A_136 = vector.broadcast %parallel_loop3A_135 : i32 to vector<16xi32>
        %parallel_loop3A_137 = arith.select %parallel_loop3A_108, %parallel_loop3A_136, %broadcast_in_dim3A_12 : vector<16xi1>, vector<16xi32>
        %parallel_loop3A_138 = arith.addi %parallel_loop3A_132, %parallel_loop3A_137 : vector<16xi32>
        tpu.vector_store_idx %arg9[%parallel_loop3A_138], %broadcast_in_dim3A_10 masked %parallel_loop3A_124 {add = true} : memref<65536xf32, #tpu.memory_space<vmem>>[vector<16xi32>], vector<16xf32>, vector<16xi1>
        %parallel_loop3A_139 = arith.constant 16384 : i32
        %parallel_loop3A_140 = vector.broadcast %parallel_loop3A_139 : i32 to vector<16xi32>
        %parallel_loop3A_141 = arith.addi %parallel_loop3A_138, %parallel_loop3A_140 : vector<16xi32>
        tpu.vector_store_idx %arg9[%parallel_loop3A_141], %parallel_loop3A_134 masked %parallel_loop3A_124 {add = true} : memref<65536xf32, #tpu.memory_space<vmem>>[vector<16xi32>], vector<16xf32>, vector<16xi1>
      } {sc.loop_unroll_factor = 8 : i64, sc.parallel_access}
      %mul3A_62 = arith.constant 2 : i32
      %mul3A_63 = arith.muli %scan3A_50, %mul3A_62 : i32
      %add3A_64 = arith.constant 0 : i32
      %add3A_65 = arith.addi %mul3A_63, %add3A_64 : i32
      %add3A_66 = arith.constant 2 : i32
      %add3A_67 = arith.addi %add3A_65, %add3A_66 : i32
      %mul3A_68 = arith.constant 8192 : i32
      %mul3A_69 = arith.muli %add3A_67, %mul3A_68 : i32
      %add3A_70 = arith.addi %mul3A_2, %mul3A_69 : i32
      %dma_start3A_71 = tpu.memref_slice %arg2[%add3A_70] : memref<12582912xf32, #tpu.memory_space<hbm>> -> memref<8192xf32, #tpu.memory_space<hbm>>
      %dma_start3A_72 = tpu.memref_slice %arg2[%add3A_70] : memref<12582912xf32, #tpu.memory_space<hbm>> -> memref<8192xf32, #tpu.memory_space<hbm>>
      tpu.enqueue_dma source(%dma_start3A_72 : memref<8192xf32, #tpu.memory_space<hbm>>) target(%arg5 : memref<8192xf32, #tpu.memory_space<vmem>>) target_semaphore(%arg10 : memref<!tpu.dma_semaphore, #tpu.memory_space<semaphore_mem>>)
      %dma_start3A_73 = tpu.memref_slice %arg3[%add3A_70] : memref<12582912xi32, #tpu.memory_space<hbm>> -> memref<8192xi32, #tpu.memory_space<hbm>>
      %dma_start3A_74 = tpu.memref_slice %arg3[%add3A_70] : memref<12582912xi32, #tpu.memory_space<hbm>> -> memref<8192xi32, #tpu.memory_space<hbm>>
      tpu.enqueue_dma source(%dma_start3A_74 : memref<8192xi32, #tpu.memory_space<hbm>>) target(%arg7 : memref<8192xi32, #tpu.memory_space<vmem>>) target_semaphore(%arg12 : memref<!tpu.dma_semaphore, #tpu.memory_space<semaphore_mem>>)
      %dma_wait3A_75 = arith.constant 0 : i32
      %dma_wait3A_76 = tpu.memref_slice %arg2[%dma_wait3A_75] : memref<12582912xf32, #tpu.memory_space<hbm>> -> memref<8192xf32, #tpu.memory_space<hbm>>
      %dma_wait3A_77 = arith.constant 0 : i32
      %dma_wait3A_78 = tpu.memref_slice %arg2[%dma_wait3A_77] : memref<12582912xf32, #tpu.memory_space<hbm>> -> memref<8192xf32, #tpu.memory_space<hbm>>
      tpu.wait_dma2 semaphore(%arg11 : memref<!tpu.dma_semaphore, #tpu.memory_space<semaphore_mem>>) src(%dma_wait3A_78 : memref<8192xf32, #tpu.memory_space<hbm>>) dst(%arg6 : memref<8192xf32, #tpu.memory_space<vmem>>)
      %dma_wait3A_79 = arith.constant 0 : i32
      %dma_wait3A_80 = tpu.memref_slice %arg3[%dma_wait3A_79] : memref<12582912xi32, #tpu.memory_space<hbm>> -> memref<8192xi32, #tpu.memory_space<hbm>>
      %dma_wait3A_81 = arith.constant 0 : i32
      %dma_wait3A_82 = tpu.memref_slice %arg3[%dma_wait3A_81] : memref<12582912xi32, #tpu.memory_space<hbm>> -> memref<8192xi32, #tpu.memory_space<hbm>>
      tpu.wait_dma2 semaphore(%arg13 : memref<!tpu.dma_semaphore, #tpu.memory_space<semaphore_mem>>) src(%dma_wait3A_82 : memref<8192xi32, #tpu.memory_space<hbm>>) dst(%arg8 : memref<8192xi32, #tpu.memory_space<vmem>>)
      %parallel_loop3A_83 = arith.constant 0 : i32
      %parallel_loop3A_84 = arith.constant 512 : i32
      %parallel_loop3A_85 = arith.constant 1 : i32
      scf.for %parallel_loop3A_99 = %parallel_loop3A_83 to %parallel_loop3A_84 step %parallel_loop3A_85  : i32 {
        %parallel_loop3A_100 = arith.constant 16 : i32
        %parallel_loop3A_101 = arith.muli %parallel_loop3A_99, %parallel_loop3A_100 : i32
        %parallel_loop3A_102 = arith.index_cast %parallel_loop3A_101 : i32 to index
        %parallel_loop3A_103 = tpu.vector_load %arg6[%parallel_loop3A_102] {strides = array<i32>} : memref<8192xf32, #tpu.memory_space<vmem>>, vector<16xf32>,
        %parallel_loop3A_104 = arith.index_cast %parallel_loop3A_101 : i32 to index
        %parallel_loop3A_105 = tpu.vector_load %arg8[%parallel_loop3A_104] {strides = array<i32>} : memref<8192xi32, #tpu.memory_space<vmem>>, vector<16xi32>,
        %parallel_loop3A_106 = arith.constant 0 : i32
        %parallel_loop3A_107 = vector.broadcast %parallel_loop3A_106 : i32 to vector<16xi32>
        %parallel_loop3A_108 = arith.cmpi ne, %parallel_loop3A_105, %parallel_loop3A_107 : vector<16xi32>
        %parallel_loop3A_109 = vector.bitcast %parallel_loop3A_103 : vector<16xf32> to vector<16xi32>
        %parallel_loop3A_110 = arith.constant 31 : i32
        %parallel_loop3A_111 = vector.broadcast %parallel_loop3A_110 : i32 to vector<16xi32>
        %parallel_loop3A_112 = arith.shrsi %parallel_loop3A_109, %parallel_loop3A_111 : vector<16xi32>
        %parallel_loop3A_113 = arith.constant -2147483648 : i32
        %parallel_loop3A_114 = vector.broadcast %parallel_loop3A_113 : i32 to vector<16xi32>
        %parallel_loop3A_115 = arith.ori %parallel_loop3A_112, %parallel_loop3A_114 : vector<16xi32>
        %parallel_loop3A_116 = arith.xori %parallel_loop3A_109, %parallel_loop3A_115 : vector<16xi32>
        %parallel_loop3A_117 = vector.bitcast %parallel_loop3A_116 : vector<16xi32> to vector<16xi32>
        %parallel_loop3A_118 = arith.constant 1.000000e+00 : f32
        %parallel_loop3A_119 = vector.broadcast %parallel_loop3A_118 : f32 to vector<16xf32>
        %parallel_loop3A_120 = arith.subf %parallel_loop3A_119, %parallel_loop3A_103 : vector<16xf32>
        %parallel_loop3A_121 = arith.constant 1.000000e+00 : f32
        %parallel_loop3A_122 = vector.broadcast %parallel_loop3A_121 : f32 to vector<16xf32>
        %parallel_loop3A_123 = arith.cmpf ole, %parallel_loop3A_103, %parallel_loop3A_122 : vector<16xf32>
        %parallel_loop3A_124 = arith.ori %parallel_loop3A_108, %parallel_loop3A_123 : vector<16xi1>
        %parallel_loop3A_125 = arith.constant 18 : i32
        %parallel_loop3A_126 = vector.broadcast %parallel_loop3A_125 : i32 to vector<16xi32>
        %parallel_loop3A_127 = arith.shrui %parallel_loop3A_117, %parallel_loop3A_126 : vector<16xi32>
        %parallel_loop3A_128 = arith.constant 16368 : i32
        %parallel_loop3A_129 = vector.broadcast %parallel_loop3A_128 : i32 to vector<16xi32>
        %parallel_loop3A_130 = arith.andi %parallel_loop3A_127, %parallel_loop3A_129 : vector<16xi32>
        %parallel_loop3A_131 = arith.ori %parallel_loop3A_130, %bitcast3A : vector<16xi32>
        %parallel_loop3A_132 = vector.bitcast %parallel_loop3A_131 : vector<16xi32> to vector<16xi32>
        %parallel_loop3A_133 = arith.select %parallel_loop3A_108, %parallel_loop3A_103, %parallel_loop3A_120 : vector<16xi1>, vector<16xf32>
        %parallel_loop3A_134 = arith.mulf %parallel_loop3A_133, %parallel_loop3A_133 : vector<16xf32>
        %parallel_loop3A_135 = arith.constant 0 : i32
        %parallel_loop3A_136 = vector.broadcast %parallel_loop3A_135 : i32 to vector<16xi32>
        %parallel_loop3A_137 = arith.select %parallel_loop3A_108, %parallel_loop3A_136, %broadcast_in_dim3A_12 : vector<16xi1>, vector<16xi32>
        %parallel_loop3A_138 = arith.addi %parallel_loop3A_132, %parallel_loop3A_137 : vector<16xi32>
        tpu.vector_store_idx %arg9[%parallel_loop3A_138], %broadcast_in_dim3A_10 masked %parallel_loop3A_124 {add = true} : memref<65536xf32, #tpu.memory_space<vmem>>[vector<16xi32>], vector<16xf32>, vector<16xi1>
        %parallel_loop3A_139 = arith.constant 16384 : i32
        %parallel_loop3A_140 = vector.broadcast %parallel_loop3A_139 : i32 to vector<16xi32>
        %parallel_loop3A_141 = arith.addi %parallel_loop3A_138, %parallel_loop3A_140 : vector<16xi32>
        tpu.vector_store_idx %arg9[%parallel_loop3A_141], %parallel_loop3A_134 masked %parallel_loop3A_124 {add = true} : memref<65536xf32, #tpu.memory_space<vmem>>[vector<16xi32>], vector<16xf32>, vector<16xi1>
      } {sc.loop_unroll_factor = 8 : i64, sc.parallel_access}
      %mul3A_86 = arith.constant 2 : i32
      %mul3A_87 = arith.muli %scan3A_50, %mul3A_86 : i32
      %add3A_88 = arith.constant 1 : i32
      %add3A_89 = arith.addi %mul3A_87, %add3A_88 : i32
      %add3A_90 = arith.constant 2 : i32
      %add3A_91 = arith.addi %add3A_89, %add3A_90 : i32
      %mul3A_92 = arith.constant 8192 : i32
      %mul3A_93 = arith.muli %add3A_91, %mul3A_92 : i32
      %add3A_94 = arith.addi %mul3A_2, %mul3A_93 : i32
      %dma_start3A_95 = tpu.memref_slice %arg2[%add3A_94] : memref<12582912xf32, #tpu.memory_space<hbm>> -> memref<8192xf32, #tpu.memory_space<hbm>>
      %dma_start3A_96 = tpu.memref_slice %arg2[%add3A_94] : memref<12582912xf32, #tpu.memory_space<hbm>> -> memref<8192xf32, #tpu.memory_space<hbm>>
      tpu.enqueue_dma source(%dma_start3A_96 : memref<8192xf32, #tpu.memory_space<hbm>>) target(%arg6 : memref<8192xf32, #tpu.memory_space<vmem>>) target_semaphore(%arg11 : memref<!tpu.dma_semaphore, #tpu.memory_space<semaphore_mem>>)
      %dma_start3A_97 = tpu.memref_slice %arg3[%add3A_94] : memref<12582912xi32, #tpu.memory_space<hbm>> -> memref<8192xi32, #tpu.memory_space<hbm>>
      %dma_start3A_98 = tpu.memref_slice %arg3[%add3A_94] : memref<12582912xi32, #tpu.memory_space<hbm>> -> memref<8192xi32, #tpu.memory_space<hbm>>
      tpu.enqueue_dma source(%dma_start3A_98 : memref<8192xi32, #tpu.memory_space<hbm>>) target(%arg8 : memref<8192xi32, #tpu.memory_space<vmem>>) target_semaphore(%arg13 : memref<!tpu.dma_semaphore, #tpu.memory_space<semaphore_mem>>)
    }
    %scan3A_29 = arith.constant 23 : i32
    %dma_wait3A = arith.constant 0 : i32
    %dma_wait3A_30 = tpu.memref_slice %arg2[%dma_wait3A] : memref<12582912xf32, #tpu.memory_space<hbm>> -> memref<8192xf32, #tpu.memory_space<hbm>>
    %dma_wait3A_31 = arith.constant 0 : i32
    %dma_wait3A_32 = tpu.memref_slice %arg2[%dma_wait3A_31] : memref<12582912xf32, #tpu.memory_space<hbm>> -> memref<8192xf32, #tpu.memory_space<hbm>>
    tpu.wait_dma2 semaphore(%arg10 : memref<!tpu.dma_semaphore, #tpu.memory_space<semaphore_mem>>) src(%dma_wait3A_32 : memref<8192xf32, #tpu.memory_space<hbm>>) dst(%arg5 : memref<8192xf32, #tpu.memory_space<vmem>>)
    %dma_wait3A_33 = arith.constant 0 : i32
    %dma_wait3A_34 = tpu.memref_slice %arg3[%dma_wait3A_33] : memref<12582912xi32, #tpu.memory_space<hbm>> -> memref<8192xi32, #tpu.memory_space<hbm>>
    %dma_wait3A_35 = arith.constant 0 : i32
    %dma_wait3A_36 = tpu.memref_slice %arg3[%dma_wait3A_35] : memref<12582912xi32, #tpu.memory_space<hbm>> -> memref<8192xi32, #tpu.memory_space<hbm>>
    tpu.wait_dma2 semaphore(%arg12 : memref<!tpu.dma_semaphore, #tpu.memory_space<semaphore_mem>>) src(%dma_wait3A_36 : memref<8192xi32, #tpu.memory_space<hbm>>) dst(%arg7 : memref<8192xi32, #tpu.memory_space<vmem>>)
    %parallel_loop3A = arith.constant 0 : i32
    %parallel_loop3A_37 = arith.constant 512 : i32
    %parallel_loop3A_38 = arith.constant 1 : i32
    scf.for %parallel_loop3A_50 = %parallel_loop3A to %parallel_loop3A_37 step %parallel_loop3A_38  : i32 {
      %parallel_loop3A_51 = arith.constant 16 : i32
      %parallel_loop3A_52 = arith.muli %parallel_loop3A_50, %parallel_loop3A_51 : i32
      %parallel_loop3A_53 = arith.index_cast %parallel_loop3A_52 : i32 to index
      %parallel_loop3A_54 = tpu.vector_load %arg5[%parallel_loop3A_53] {strides = array<i32>} : memref<8192xf32, #tpu.memory_space<vmem>>, vector<16xf32>,
      %parallel_loop3A_55 = arith.index_cast %parallel_loop3A_52 : i32 to index
      %parallel_loop3A_56 = tpu.vector_load %arg7[%parallel_loop3A_55] {strides = array<i32>} : memref<8192xi32, #tpu.memory_space<vmem>>, vector<16xi32>,
      %parallel_loop3A_57 = arith.constant 0 : i32
      %parallel_loop3A_58 = vector.broadcast %parallel_loop3A_57 : i32 to vector<16xi32>
      %parallel_loop3A_59 = arith.cmpi ne, %parallel_loop3A_56, %parallel_loop3A_58 : vector<16xi32>
      %parallel_loop3A_60 = vector.bitcast %parallel_loop3A_54 : vector<16xf32> to vector<16xi32>
      %parallel_loop3A_61 = arith.constant 31 : i32
      %parallel_loop3A_62 = vector.broadcast %parallel_loop3A_61 : i32 to vector<16xi32>
      %parallel_loop3A_63 = arith.shrsi %parallel_loop3A_60, %parallel_loop3A_62 : vector<16xi32>
      %parallel_loop3A_64 = arith.constant -2147483648 : i32
      %parallel_loop3A_65 = vector.broadcast %parallel_loop3A_64 : i32 to vector<16xi32>
      %parallel_loop3A_66 = arith.ori %parallel_loop3A_63, %parallel_loop3A_65 : vector<16xi32>
      %parallel_loop3A_67 = arith.xori %parallel_loop3A_60, %parallel_loop3A_66 : vector<16xi32>
      %parallel_loop3A_68 = vector.bitcast %parallel_loop3A_67 : vector<16xi32> to vector<16xi32>
      %parallel_loop3A_69 = arith.constant 1.000000e+00 : f32
      %parallel_loop3A_70 = vector.broadcast %parallel_loop3A_69 : f32 to vector<16xf32>
      %parallel_loop3A_71 = arith.subf %parallel_loop3A_70, %parallel_loop3A_54 : vector<16xf32>
      %parallel_loop3A_72 = arith.constant 1.000000e+00 : f32
      %parallel_loop3A_73 = vector.broadcast %parallel_loop3A_72 : f32 to vector<16xf32>
      %parallel_loop3A_74 = arith.cmpf ole, %parallel_loop3A_54, %parallel_loop3A_73 : vector<16xf32>
      %parallel_loop3A_75 = arith.ori %parallel_loop3A_59, %parallel_loop3A_74 : vector<16xi1>
      %parallel_loop3A_76 = arith.constant 18 : i32
      %parallel_loop3A_77 = vector.broadcast %parallel_loop3A_76 : i32 to vector<16xi32>
      %parallel_loop3A_78 = arith.shrui %parallel_loop3A_68, %parallel_loop3A_77 : vector<16xi32>
      %parallel_loop3A_79 = arith.constant 16368 : i32
      %parallel_loop3A_80 = vector.broadcast %parallel_loop3A_79 : i32 to vector<16xi32>
      %parallel_loop3A_81 = arith.andi %parallel_loop3A_78, %parallel_loop3A_80 : vector<16xi32>
      %parallel_loop3A_82 = arith.ori %parallel_loop3A_81, %bitcast3A : vector<16xi32>
      %parallel_loop3A_83 = vector.bitcast %parallel_loop3A_82 : vector<16xi32> to vector<16xi32>
      %parallel_loop3A_84 = arith.select %parallel_loop3A_59, %parallel_loop3A_54, %parallel_loop3A_71 : vector<16xi1>, vector<16xf32>
      %parallel_loop3A_85 = arith.mulf %parallel_loop3A_84, %parallel_loop3A_84 : vector<16xf32>
      %parallel_loop3A_86 = arith.constant 0 : i32
      %parallel_loop3A_87 = vector.broadcast %parallel_loop3A_86 : i32 to vector<16xi32>
      %parallel_loop3A_88 = arith.select %parallel_loop3A_59, %parallel_loop3A_87, %broadcast_in_dim3A_12 : vector<16xi1>, vector<16xi32>
      %parallel_loop3A_89 = arith.addi %parallel_loop3A_83, %parallel_loop3A_88 : vector<16xi32>
      tpu.vector_store_idx %arg9[%parallel_loop3A_89], %broadcast_in_dim3A_10 masked %parallel_loop3A_75 {add = true} : memref<65536xf32, #tpu.memory_space<vmem>>[vector<16xi32>], vector<16xf32>, vector<16xi1>
      %parallel_loop3A_90 = arith.constant 16384 : i32
      %parallel_loop3A_91 = vector.broadcast %parallel_loop3A_90 : i32 to vector<16xi32>
      %parallel_loop3A_92 = arith.addi %parallel_loop3A_89, %parallel_loop3A_91 : vector<16xi32>
      tpu.vector_store_idx %arg9[%parallel_loop3A_92], %parallel_loop3A_85 masked %parallel_loop3A_75 {add = true} : memref<65536xf32, #tpu.memory_space<vmem>>[vector<16xi32>], vector<16xf32>, vector<16xi1>
    } {sc.loop_unroll_factor = 8 : i64, sc.parallel_access}
    %dma_wait3A_39 = arith.constant 0 : i32
    %dma_wait3A_40 = tpu.memref_slice %arg2[%dma_wait3A_39] : memref<12582912xf32, #tpu.memory_space<hbm>> -> memref<8192xf32, #tpu.memory_space<hbm>>
    %dma_wait3A_41 = arith.constant 0 : i32
    %dma_wait3A_42 = tpu.memref_slice %arg2[%dma_wait3A_41] : memref<12582912xf32, #tpu.memory_space<hbm>> -> memref<8192xf32, #tpu.memory_space<hbm>>
    tpu.wait_dma2 semaphore(%arg11 : memref<!tpu.dma_semaphore, #tpu.memory_space<semaphore_mem>>) src(%dma_wait3A_42 : memref<8192xf32, #tpu.memory_space<hbm>>) dst(%arg6 : memref<8192xf32, #tpu.memory_space<vmem>>)
    %dma_wait3A_43 = arith.constant 0 : i32
    %dma_wait3A_44 = tpu.memref_slice %arg3[%dma_wait3A_43] : memref<12582912xi32, #tpu.memory_space<hbm>> -> memref<8192xi32, #tpu.memory_space<hbm>>
    %dma_wait3A_45 = arith.constant 0 : i32
    %dma_wait3A_46 = tpu.memref_slice %arg3[%dma_wait3A_45] : memref<12582912xi32, #tpu.memory_space<hbm>> -> memref<8192xi32, #tpu.memory_space<hbm>>
    tpu.wait_dma2 semaphore(%arg13 : memref<!tpu.dma_semaphore, #tpu.memory_space<semaphore_mem>>) src(%dma_wait3A_46 : memref<8192xi32, #tpu.memory_space<hbm>>) dst(%arg8 : memref<8192xi32, #tpu.memory_space<vmem>>)
    %parallel_loop3A_47 = arith.constant 0 : i32
    %parallel_loop3A_48 = arith.constant 512 : i32
    %parallel_loop3A_49 = arith.constant 1 : i32
    scf.for %parallel_loop3A_50 = %parallel_loop3A_47 to %parallel_loop3A_48 step %parallel_loop3A_49  : i32 {
      %parallel_loop3A_51 = arith.constant 16 : i32
      %parallel_loop3A_52 = arith.muli %parallel_loop3A_50, %parallel_loop3A_51 : i32
      %parallel_loop3A_53 = arith.index_cast %parallel_loop3A_52 : i32 to index
      %parallel_loop3A_54 = tpu.vector_load %arg6[%parallel_loop3A_53] {strides = array<i32>} : memref<8192xf32, #tpu.memory_space<vmem>>, vector<16xf32>,
      %parallel_loop3A_55 = arith.index_cast %parallel_loop3A_52 : i32 to index
      %parallel_loop3A_56 = tpu.vector_load %arg8[%parallel_loop3A_55] {strides = array<i32>} : memref<8192xi32, #tpu.memory_space<vmem>>, vector<16xi32>,
      %parallel_loop3A_57 = arith.constant 0 : i32
      %parallel_loop3A_58 = vector.broadcast %parallel_loop3A_57 : i32 to vector<16xi32>
      %parallel_loop3A_59 = arith.cmpi ne, %parallel_loop3A_56, %parallel_loop3A_58 : vector<16xi32>
      %parallel_loop3A_60 = vector.bitcast %parallel_loop3A_54 : vector<16xf32> to vector<16xi32>
      %parallel_loop3A_61 = arith.constant 31 : i32
      %parallel_loop3A_62 = vector.broadcast %parallel_loop3A_61 : i32 to vector<16xi32>
      %parallel_loop3A_63 = arith.shrsi %parallel_loop3A_60, %parallel_loop3A_62 : vector<16xi32>
      %parallel_loop3A_64 = arith.constant -2147483648 : i32
      %parallel_loop3A_65 = vector.broadcast %parallel_loop3A_64 : i32 to vector<16xi32>
      %parallel_loop3A_66 = arith.ori %parallel_loop3A_63, %parallel_loop3A_65 : vector<16xi32>
      %parallel_loop3A_67 = arith.xori %parallel_loop3A_60, %parallel_loop3A_66 : vector<16xi32>
      %parallel_loop3A_68 = vector.bitcast %parallel_loop3A_67 : vector<16xi32> to vector<16xi32>
      %parallel_loop3A_69 = arith.constant 1.000000e+00 : f32
      %parallel_loop3A_70 = vector.broadcast %parallel_loop3A_69 : f32 to vector<16xf32>
      %parallel_loop3A_71 = arith.subf %parallel_loop3A_70, %parallel_loop3A_54 : vector<16xf32>
      %parallel_loop3A_72 = arith.constant 1.000000e+00 : f32
      %parallel_loop3A_73 = vector.broadcast %parallel_loop3A_72 : f32 to vector<16xf32>
      %parallel_loop3A_74 = arith.cmpf ole, %parallel_loop3A_54, %parallel_loop3A_73 : vector<16xf32>
      %parallel_loop3A_75 = arith.ori %parallel_loop3A_59, %parallel_loop3A_74 : vector<16xi1>
      %parallel_loop3A_76 = arith.constant 18 : i32
      %parallel_loop3A_77 = vector.broadcast %parallel_loop3A_76 : i32 to vector<16xi32>
      %parallel_loop3A_78 = arith.shrui %parallel_loop3A_68, %parallel_loop3A_77 : vector<16xi32>
      %parallel_loop3A_79 = arith.constant 16368 : i32
      %parallel_loop3A_80 = vector.broadcast %parallel_loop3A_79 : i32 to vector<16xi32>
      %parallel_loop3A_81 = arith.andi %parallel_loop3A_78, %parallel_loop3A_80 : vector<16xi32>
      %parallel_loop3A_82 = arith.ori %parallel_loop3A_81, %bitcast3A : vector<16xi32>
      %parallel_loop3A_83 = vector.bitcast %parallel_loop3A_82 : vector<16xi32> to vector<16xi32>
      %parallel_loop3A_84 = arith.select %parallel_loop3A_59, %parallel_loop3A_54, %parallel_loop3A_71 : vector<16xi1>, vector<16xf32>
      %parallel_loop3A_85 = arith.mulf %parallel_loop3A_84, %parallel_loop3A_84 : vector<16xf32>
      %parallel_loop3A_86 = arith.constant 0 : i32
      %parallel_loop3A_87 = vector.broadcast %parallel_loop3A_86 : i32 to vector<16xi32>
      %parallel_loop3A_88 = arith.select %parallel_loop3A_59, %parallel_loop3A_87, %broadcast_in_dim3A_12 : vector<16xi1>, vector<16xi32>
      %parallel_loop3A_89 = arith.addi %parallel_loop3A_83, %parallel_loop3A_88 : vector<16xi32>
      tpu.vector_store_idx %arg9[%parallel_loop3A_89], %broadcast_in_dim3A_10 masked %parallel_loop3A_75 {add = true} : memref<65536xf32, #tpu.memory_space<vmem>>[vector<16xi32>], vector<16xf32>, vector<16xi1>
      %parallel_loop3A_90 = arith.constant 16384 : i32
      %parallel_loop3A_91 = vector.broadcast %parallel_loop3A_90 : i32 to vector<16xi32>
      %parallel_loop3A_92 = arith.addi %parallel_loop3A_89, %parallel_loop3A_91 : vector<16xi32>
      tpu.vector_store_idx %arg9[%parallel_loop3A_92], %parallel_loop3A_85 masked %parallel_loop3A_75 {add = true} : memref<65536xf32, #tpu.memory_space<vmem>>[vector<16xi32>], vector<16xf32>, vector<16xi1>
    } {sc.loop_unroll_factor = 8 : i64, sc.parallel_access}
    "tpu.region"() ({
      %run_scoped3A = tpu.sem_alloc : memref<!tpu.dma_semaphore, #tpu.memory_space<semaphore_mem>>
      %dma_start3A_50 = arith.constant 0 : i32
      %dma_start3A_51 = tpu.memref_slice %arg4[%add3A, %dma_start3A_50] : memref<32x65536xf32, #tpu.memory_space<hbm>> -> memref<1x65536xf32, #tpu.memory_space<hbm>>
      %dma_start3A_52 = tpu.memref_squeeze %dma_start3A_51 : memref<1x65536xf32, #tpu.memory_space<hbm>> -> memref<65536xf32, #tpu.memory_space<hbm>>
      %dma_start3A_53 = arith.constant 0 : i32
      %dma_start3A_54 = tpu.memref_slice %arg4[%add3A, %dma_start3A_53] : memref<32x65536xf32, #tpu.memory_space<hbm>> -> memref<1x65536xf32, #tpu.memory_space<hbm>>
      %dma_start3A_55 = tpu.memref_squeeze %dma_start3A_54 : memref<1x65536xf32, #tpu.memory_space<hbm>> -> memref<65536xf32, #tpu.memory_space<hbm>>
      tpu.enqueue_dma source(%arg9 : memref<65536xf32, #tpu.memory_space<vmem>>) target(%dma_start3A_55 : memref<65536xf32, #tpu.memory_space<hbm>>) target_semaphore(%run_scoped3A : memref<!tpu.dma_semaphore, #tpu.memory_space<semaphore_mem>>)
      %dma_wait3A_56 = arith.constant 0 : i32
      %dma_wait3A_57 = tpu.memref_slice %arg4[%add3A, %dma_wait3A_56] : memref<32x65536xf32, #tpu.memory_space<hbm>> -> memref<1x65536xf32, #tpu.memory_space<hbm>>
      %dma_wait3A_58 = tpu.memref_squeeze %dma_wait3A_57 : memref<1x65536xf32, #tpu.memory_space<hbm>> -> memref<65536xf32, #tpu.memory_space<hbm>>
      %dma_wait3A_59 = arith.constant 0 : i32
      %dma_wait3A_60 = tpu.memref_slice %arg4[%add3A, %dma_wait3A_59] : memref<32x65536xf32, #tpu.memory_space<hbm>> -> memref<1x65536xf32, #tpu.memory_space<hbm>>
      %dma_wait3A_61 = tpu.memref_squeeze %dma_wait3A_60 : memref<1x65536xf32, #tpu.memory_space<hbm>> -> memref<65536xf32, #tpu.memory_space<hbm>>
      tpu.wait_dma2 semaphore(%run_scoped3A : memref<!tpu.dma_semaphore, #tpu.memory_space<semaphore_mem>>) src(%arg9 : memref<65536xf32, #tpu.memory_space<vmem>>) dst(%dma_wait3A_61 : memref<65536xf32, #tpu.memory_space<hbm>>)
      tpu.yield
    }) : () -> ()
    return
  }
}

#map = affine_map<(d0, d1) -> (0)>
#map1 = affine_map<(d0, d1) -> (0, 0)>
module attributes {stable_mosaic.version = 14 : i64} {
  func.func @body(%arg0: i32, %arg1: i32, %arg2: memref<12582912xf32, #tpu.memory_space<hbm>>, %arg3: memref<12582912xi32, #tpu.memory_space<hbm>>, %arg4: memref<32xi32, #tpu.memory_space<hbm>>, %arg5: memref<32x65536xf32, #tpu.memory_space<hbm>>, %arg6: memref<8192xf32, #tpu.memory_space<vmem>>, %arg7: memref<8192xf32, #tpu.memory_space<vmem>>, %arg8: memref<8192xi32, #tpu.memory_space<vmem>>, %arg9: memref<8192xi32, #tpu.memory_space<vmem>>, %arg10: memref<65536xf32, #tpu.memory_space<vmem>>, %arg11: memref<32xi32, #tpu.memory_space<vmem>>, %arg12: memref<!tpu.dma_semaphore, #tpu.memory_space<semaphore_mem>>, %arg13: memref<!tpu.dma_semaphore, #tpu.memory_space<semaphore_mem>>, %arg14: memref<!tpu.dma_semaphore, #tpu.memory_space<semaphore_mem>>, %arg15: memref<!tpu.dma_semaphore, #tpu.memory_space<semaphore_mem>>) attributes {dimension_semantics = [#tpu.dimension_semantics<core_parallel>, #tpu.dimension_semantics<subcore_parallel>], iteration_bounds = array<i64: 2, 16>, scalar_prefetch = 0 : i64, scratch_operands = 10 : i64, tpu.core_type = #tpu.core_type<sc_vector_subcore>, window_params = [{transform_indices = #map}, {transform_indices = #map}, {transform_indices = #map}, {transform_indices = #map1}]} {
    %mul3A = arith.constant 2 : i32
    %mul3A_0 = arith.muli %arg1, %mul3A : i32
    %add3A = arith.addi %mul3A_0, %arg0 : i32
    %mul3A_1 = arith.constant 393216 : i32
    %mul3A_2 = arith.muli %add3A, %mul3A_1 : i32
    %broadcast_in_dim3A = arith.constant 0.000000e+00 : f32
    %broadcast_in_dim3A_3 = vector.broadcast %broadcast_in_dim3A : f32 to vector<16xf32>
    %scan3A = arith.constant 0 : i32
    %scan3A_4 = arith.constant 0 : i32
    %scan3A_5 = arith.constant 512 : i32
    %scan3A_6 = arith.addi %scan3A_4, %scan3A_5 : i32
    %scan3A_7 = arith.constant 1 : i32
    scf.for %scan3A_55 = %scan3A_4 to %scan3A_6 step %scan3A_7  : i32 {
      %mul3A_56 = arith.constant 8 : i32
      %mul3A_57 = arith.muli %scan3A_55, %mul3A_56 : i32
      %add3A_58 = arith.constant 0 : i32
      %add3A_59 = arith.addi %mul3A_57, %add3A_58 : i32
      %mul3A_60 = arith.constant 16 : i32
      %mul3A_61 = arith.muli %add3A_59, %mul3A_60 : i32
      %swap3A = arith.index_cast %mul3A_61 : i32 to index
      %swap3A_62 = tpu.vector_load %arg10[%swap3A] {strides = array<i32>} : memref<65536xf32, #tpu.memory_space<vmem>>, vector<16xf32>,
      tpu.vector_store %arg10[%swap3A], %broadcast_in_dim3A_3 {strides = array<i32>} : memref<65536xf32, #tpu.memory_space<vmem>>, vector<16xf32>,
      %mul3A_63 = arith.constant 8 : i32
      %mul3A_64 = arith.muli %scan3A_55, %mul3A_63 : i32
      %add3A_65 = arith.constant 1 : i32
      %add3A_66 = arith.addi %mul3A_64, %add3A_65 : i32
      %mul3A_67 = arith.constant 16 : i32
      %mul3A_68 = arith.muli %add3A_66, %mul3A_67 : i32
      %swap3A_69 = arith.index_cast %mul3A_68 : i32 to index
      %swap3A_70 = tpu.vector_load %arg10[%swap3A_69] {strides = array<i32>} : memref<65536xf32, #tpu.memory_space<vmem>>, vector<16xf32>,
      tpu.vector_store %arg10[%swap3A_69], %broadcast_in_dim3A_3 {strides = array<i32>} : memref<65536xf32, #tpu.memory_space<vmem>>, vector<16xf32>,
      %mul3A_71 = arith.constant 8 : i32
      %mul3A_72 = arith.muli %scan3A_55, %mul3A_71 : i32
      %add3A_73 = arith.constant 2 : i32
      %add3A_74 = arith.addi %mul3A_72, %add3A_73 : i32
      %mul3A_75 = arith.constant 16 : i32
      %mul3A_76 = arith.muli %add3A_74, %mul3A_75 : i32
      %swap3A_77 = arith.index_cast %mul3A_76 : i32 to index
      %swap3A_78 = tpu.vector_load %arg10[%swap3A_77] {strides = array<i32>} : memref<65536xf32, #tpu.memory_space<vmem>>, vector<16xf32>,
      tpu.vector_store %arg10[%swap3A_77], %broadcast_in_dim3A_3 {strides = array<i32>} : memref<65536xf32, #tpu.memory_space<vmem>>, vector<16xf32>,
      %mul3A_79 = arith.constant 8 : i32
      %mul3A_80 = arith.muli %scan3A_55, %mul3A_79 : i32
      %add3A_81 = arith.constant 3 : i32
      %add3A_82 = arith.addi %mul3A_80, %add3A_81 : i32
      %mul3A_83 = arith.constant 16 : i32
      %mul3A_84 = arith.muli %add3A_82, %mul3A_83 : i32
      %swap3A_85 = arith.index_cast %mul3A_84 : i32 to index
      %swap3A_86 = tpu.vector_load %arg10[%swap3A_85] {strides = array<i32>} : memref<65536xf32, #tpu.memory_space<vmem>>, vector<16xf32>,
      tpu.vector_store %arg10[%swap3A_85], %broadcast_in_dim3A_3 {strides = array<i32>} : memref<65536xf32, #tpu.memory_space<vmem>>, vector<16xf32>,
      %mul3A_87 = arith.constant 8 : i32
      %mul3A_88 = arith.muli %scan3A_55, %mul3A_87 : i32
      %add3A_89 = arith.constant 4 : i32
      %add3A_90 = arith.addi %mul3A_88, %add3A_89 : i32
      %mul3A_91 = arith.constant 16 : i32
      %mul3A_92 = arith.muli %add3A_90, %mul3A_91 : i32
      %swap3A_93 = arith.index_cast %mul3A_92 : i32 to index
      %swap3A_94 = tpu.vector_load %arg10[%swap3A_93] {strides = array<i32>} : memref<65536xf32, #tpu.memory_space<vmem>>, vector<16xf32>,
      tpu.vector_store %arg10[%swap3A_93], %broadcast_in_dim3A_3 {strides = array<i32>} : memref<65536xf32, #tpu.memory_space<vmem>>, vector<16xf32>,
      %mul3A_95 = arith.constant 8 : i32
      %mul3A_96 = arith.muli %scan3A_55, %mul3A_95 : i32
      %add3A_97 = arith.constant 5 : i32
      %add3A_98 = arith.addi %mul3A_96, %add3A_97 : i32
      %mul3A_99 = arith.constant 16 : i32
      %mul3A_100 = arith.muli %add3A_98, %mul3A_99 : i32
      %swap3A_101 = arith.index_cast %mul3A_100 : i32 to index
      %swap3A_102 = tpu.vector_load %arg10[%swap3A_101] {strides = array<i32>} : memref<65536xf32, #tpu.memory_space<vmem>>, vector<16xf32>,
      tpu.vector_store %arg10[%swap3A_101], %broadcast_in_dim3A_3 {strides = array<i32>} : memref<65536xf32, #tpu.memory_space<vmem>>, vector<16xf32>,
      %mul3A_103 = arith.constant 8 : i32
      %mul3A_104 = arith.muli %scan3A_55, %mul3A_103 : i32
      %add3A_105 = arith.constant 6 : i32
      %add3A_106 = arith.addi %mul3A_104, %add3A_105 : i32
      %mul3A_107 = arith.constant 16 : i32
      %mul3A_108 = arith.muli %add3A_106, %mul3A_107 : i32
      %swap3A_109 = arith.index_cast %mul3A_108 : i32 to index
      %swap3A_110 = tpu.vector_load %arg10[%swap3A_109] {strides = array<i32>} : memref<65536xf32, #tpu.memory_space<vmem>>, vector<16xf32>,
      tpu.vector_store %arg10[%swap3A_109], %broadcast_in_dim3A_3 {strides = array<i32>} : memref<65536xf32, #tpu.memory_space<vmem>>, vector<16xf32>,
      %mul3A_111 = arith.constant 8 : i32
      %mul3A_112 = arith.muli %scan3A_55, %mul3A_111 : i32
      %add3A_113 = arith.constant 7 : i32
      %add3A_114 = arith.addi %mul3A_112, %add3A_113 : i32
      %mul3A_115 = arith.constant 16 : i32
      %mul3A_116 = arith.muli %add3A_114, %mul3A_115 : i32
      %swap3A_117 = arith.index_cast %mul3A_116 : i32 to index
      %swap3A_118 = tpu.vector_load %arg10[%swap3A_117] {strides = array<i32>} : memref<65536xf32, #tpu.memory_space<vmem>>, vector<16xf32>,
      tpu.vector_store %arg10[%swap3A_117], %broadcast_in_dim3A_3 {strides = array<i32>} : memref<65536xf32, #tpu.memory_space<vmem>>, vector<16xf32>,
    }
    %scan3A_8 = arith.constant 512 : i32
    "tpu.region"() ({
      %run_scoped3A = tpu.sem_alloc : memref<!tpu.dma_semaphore, #tpu.memory_space<semaphore_mem>>
      tpu.enqueue_dma source(%arg4 : memref<32xi32, #tpu.memory_space<hbm>>) target(%arg11 : memref<32xi32, #tpu.memory_space<vmem>>) target_semaphore(%run_scoped3A : memref<!tpu.dma_semaphore, #tpu.memory_space<semaphore_mem>>)
      tpu.wait_dma2 semaphore(%run_scoped3A : memref<!tpu.dma_semaphore, #tpu.memory_space<semaphore_mem>>) src(%arg4 : memref<32xi32, #tpu.memory_space<hbm>>) dst(%arg11 : memref<32xi32, #tpu.memory_space<vmem>>)
      tpu.yield
    }) : () -> ()
    %get3A = arith.constant 0 : index
    %get3A_9 = tpu.vector_load %arg11[%get3A] {strides = array<i32>} : memref<32xi32, #tpu.memory_space<vmem>>, vector<16xi32>,
    %bitcast3A = vector.bitcast %get3A_9 : vector<16xi32> to vector<16xi32>
    %get3A_10 = arith.constant 16 : index
    %get3A_11 = tpu.vector_load %arg11[%get3A_10] {strides = array<i32>} : memref<32xi32, #tpu.memory_space<vmem>>, vector<16xi32>,
    %bitcast3A_12 = vector.bitcast %get3A_11 : vector<16xi32> to vector<16xi32>
    %iota3A = tpu.iota {dimensions = array<i32: 0>} : vector<16xi32>
    %bitcast3A_13 = vector.bitcast %iota3A : vector<16xi32> to vector<16xi32>
    %broadcast_in_dim3A_14 = arith.constant 1.000000e+00 : f32
    %broadcast_in_dim3A_15 = vector.broadcast %broadcast_in_dim3A_14 : f32 to vector<16xf32>
    %broadcast_in_dim3A_16 = arith.constant 32768 : i32
    %broadcast_in_dim3A_17 = vector.broadcast %broadcast_in_dim3A_16 : i32 to vector<16xi32>
    %add3A_18 = arith.constant 0 : i32
    %add3A_19 = arith.addi %mul3A_2, %add3A_18 : i32
    %dma_start3A = tpu.memref_slice %arg2[%add3A_19] : memref<12582912xf32, #tpu.memory_space<hbm>> -> memref<8192xf32, #tpu.memory_space<hbm>>
    %dma_start3A_20 = tpu.memref_slice %arg2[%add3A_19] : memref<12582912xf32, #tpu.memory_space<hbm>> -> memref<8192xf32, #tpu.memory_space<hbm>>
    tpu.enqueue_dma source(%dma_start3A_20 : memref<8192xf32, #tpu.memory_space<hbm>>) target(%arg6 : memref<8192xf32, #tpu.memory_space<vmem>>) target_semaphore(%arg12 : memref<!tpu.dma_semaphore, #tpu.memory_space<semaphore_mem>>)
    %dma_start3A_21 = tpu.memref_slice %arg3[%add3A_19] : memref<12582912xi32, #tpu.memory_space<hbm>> -> memref<8192xi32, #tpu.memory_space<hbm>>
    %dma_start3A_22 = tpu.memref_slice %arg3[%add3A_19] : memref<12582912xi32, #tpu.memory_space<hbm>> -> memref<8192xi32, #tpu.memory_space<hbm>>
    tpu.enqueue_dma source(%dma_start3A_22 : memref<8192xi32, #tpu.memory_space<hbm>>) target(%arg8 : memref<8192xi32, #tpu.memory_space<vmem>>) target_semaphore(%arg14 : memref<!tpu.dma_semaphore, #tpu.memory_space<semaphore_mem>>)
    %add3A_23 = arith.constant 8192 : i32
    %add3A_24 = arith.addi %mul3A_2, %add3A_23 : i32
    %dma_start3A_25 = tpu.memref_slice %arg2[%add3A_24] : memref<12582912xf32, #tpu.memory_space<hbm>> -> memref<8192xf32, #tpu.memory_space<hbm>>
    %dma_start3A_26 = tpu.memref_slice %arg2[%add3A_24] : memref<12582912xf32, #tpu.memory_space<hbm>> -> memref<8192xf32, #tpu.memory_space<hbm>>
    tpu.enqueue_dma source(%dma_start3A_26 : memref<8192xf32, #tpu.memory_space<hbm>>) target(%arg7 : memref<8192xf32, #tpu.memory_space<vmem>>) target_semaphore(%arg13 : memref<!tpu.dma_semaphore, #tpu.memory_space<semaphore_mem>>)
    %dma_start3A_27 = tpu.memref_slice %arg3[%add3A_24] : memref<12582912xi32, #tpu.memory_space<hbm>> -> memref<8192xi32, #tpu.memory_space<hbm>>
    %dma_start3A_28 = tpu.memref_slice %arg3[%add3A_24] : memref<12582912xi32, #tpu.memory_space<hbm>> -> memref<8192xi32, #tpu.memory_space<hbm>>
    tpu.enqueue_dma source(%dma_start3A_28 : memref<8192xi32, #tpu.memory_space<hbm>>) target(%arg9 : memref<8192xi32, #tpu.memory_space<vmem>>) target_semaphore(%arg15 : memref<!tpu.dma_semaphore, #tpu.memory_space<semaphore_mem>>)
    %scan3A_29 = arith.constant 0 : i32
    %scan3A_30 = arith.constant 0 : i32
    %scan3A_31 = arith.constant 23 : i32
    %scan3A_32 = arith.addi %scan3A_30, %scan3A_31 : i32
    %scan3A_33 = arith.constant 1 : i32
    scf.for %scan3A_55 = %scan3A_30 to %scan3A_32 step %scan3A_33  : i32 {
      %dma_wait3A_56 = arith.constant 0 : i32
      %dma_wait3A_57 = tpu.memref_slice %arg2[%dma_wait3A_56] : memref<12582912xf32, #tpu.memory_space<hbm>> -> memref<8192xf32, #tpu.memory_space<hbm>>
      %dma_wait3A_58 = arith.constant 0 : i32
      %dma_wait3A_59 = tpu.memref_slice %arg2[%dma_wait3A_58] : memref<12582912xf32, #tpu.memory_space<hbm>> -> memref<8192xf32, #tpu.memory_space<hbm>>
      tpu.wait_dma2 semaphore(%arg12 : memref<!tpu.dma_semaphore, #tpu.memory_space<semaphore_mem>>) src(%dma_wait3A_59 : memref<8192xf32, #tpu.memory_space<hbm>>) dst(%arg6 : memref<8192xf32, #tpu.memory_space<vmem>>)
      %dma_wait3A_60 = arith.constant 0 : i32
      %dma_wait3A_61 = tpu.memref_slice %arg3[%dma_wait3A_60] : memref<12582912xi32, #tpu.memory_space<hbm>> -> memref<8192xi32, #tpu.memory_space<hbm>>
      %dma_wait3A_62 = arith.constant 0 : i32
      %dma_wait3A_63 = tpu.memref_slice %arg3[%dma_wait3A_62] : memref<12582912xi32, #tpu.memory_space<hbm>> -> memref<8192xi32, #tpu.memory_space<hbm>>
      tpu.wait_dma2 semaphore(%arg14 : memref<!tpu.dma_semaphore, #tpu.memory_space<semaphore_mem>>) src(%dma_wait3A_63 : memref<8192xi32, #tpu.memory_space<hbm>>) dst(%arg8 : memref<8192xi32, #tpu.memory_space<vmem>>)
      %parallel_loop3A_64 = arith.constant 0 : i32
      %parallel_loop3A_65 = arith.constant 512 : i32
      %parallel_loop3A_66 = arith.constant 1 : i32
      scf.for %parallel_loop3A_104 = %parallel_loop3A_64 to %parallel_loop3A_65 step %parallel_loop3A_66  : i32 {
        %parallel_loop3A_105 = arith.constant 16 : i32
        %parallel_loop3A_106 = arith.muli %parallel_loop3A_104, %parallel_loop3A_105 : i32
        %parallel_loop3A_107 = arith.index_cast %parallel_loop3A_106 : i32 to index
        %parallel_loop3A_108 = tpu.vector_load %arg6[%parallel_loop3A_107] {strides = array<i32>} : memref<8192xf32, #tpu.memory_space<vmem>>, vector<16xf32>,
        %parallel_loop3A_109 = arith.index_cast %parallel_loop3A_106 : i32 to index
        %parallel_loop3A_110 = tpu.vector_load %arg8[%parallel_loop3A_109] {strides = array<i32>} : memref<8192xi32, #tpu.memory_space<vmem>>, vector<16xi32>,
        %parallel_loop3A_111 = arith.constant 0 : i32
        %parallel_loop3A_112 = vector.broadcast %parallel_loop3A_111 : i32 to vector<16xi32>
        %parallel_loop3A_113 = arith.cmpi ne, %parallel_loop3A_110, %parallel_loop3A_112 : vector<16xi32>
        %parallel_loop3A_114 = vector.bitcast %parallel_loop3A_108 : vector<16xf32> to vector<16xi32>
        %parallel_loop3A_115 = arith.constant 31 : i32
        %parallel_loop3A_116 = vector.broadcast %parallel_loop3A_115 : i32 to vector<16xi32>
        %parallel_loop3A_117 = arith.shrsi %parallel_loop3A_114, %parallel_loop3A_116 : vector<16xi32>
        %parallel_loop3A_118 = arith.constant -2147483648 : i32
        %parallel_loop3A_119 = vector.broadcast %parallel_loop3A_118 : i32 to vector<16xi32>
        %parallel_loop3A_120 = arith.ori %parallel_loop3A_117, %parallel_loop3A_119 : vector<16xi32>
        %parallel_loop3A_121 = arith.xori %parallel_loop3A_114, %parallel_loop3A_120 : vector<16xi32>
        %parallel_loop3A_122 = vector.bitcast %parallel_loop3A_121 : vector<16xi32> to vector<16xi32>
        %parallel_loop3A_123 = arith.constant 1.000000e+00 : f32
        %parallel_loop3A_124 = vector.broadcast %parallel_loop3A_123 : f32 to vector<16xf32>
        %parallel_loop3A_125 = arith.subf %parallel_loop3A_124, %parallel_loop3A_108 : vector<16xf32>
        %parallel_loop3A_126 = arith.constant 1.000000e+00 : f32
        %parallel_loop3A_127 = vector.broadcast %parallel_loop3A_126 : f32 to vector<16xf32>
        %parallel_loop3A_128 = arith.cmpf ole, %parallel_loop3A_108, %parallel_loop3A_127 : vector<16xf32>
        %parallel_loop3A_129 = arith.ori %parallel_loop3A_113, %parallel_loop3A_128 : vector<16xi1>
        %parallel_loop3A_130 = arith.select %parallel_loop3A_113, %bitcast3A, %bitcast3A_12 : vector<16xi1>, vector<16xi32>
        %parallel_loop3A_131 = arith.constant 22 : i32
        %parallel_loop3A_132 = vector.broadcast %parallel_loop3A_131 : i32 to vector<16xi32>
        %parallel_loop3A_133 = arith.shrui %parallel_loop3A_122, %parallel_loop3A_132 : vector<16xi32>
        %parallel_loop3A_134 = arith.cmpi eq, %parallel_loop3A_133, %parallel_loop3A_130 : vector<16xi32>
        %parallel_loop3A_135 = arith.andi %parallel_loop3A_129, %parallel_loop3A_134 : vector<16xi1>
        %parallel_loop3A_136 = arith.constant 8 : i32
        %parallel_loop3A_137 = vector.broadcast %parallel_loop3A_136 : i32 to vector<16xi32>
        %parallel_loop3A_138 = arith.shrui %parallel_loop3A_122, %parallel_loop3A_137 : vector<16xi32>
        %parallel_loop3A_139 = arith.constant 16368 : i32
        %parallel_loop3A_140 = vector.broadcast %parallel_loop3A_139 : i32 to vector<16xi32>
        %parallel_loop3A_141 = arith.andi %parallel_loop3A_138, %parallel_loop3A_140 : vector<16xi32>
        %parallel_loop3A_142 = arith.ori %parallel_loop3A_141, %bitcast3A_13 : vector<16xi32>
        %parallel_loop3A_143 = vector.bitcast %parallel_loop3A_142 : vector<16xi32> to vector<16xi32>
        %parallel_loop3A_144 = arith.select %parallel_loop3A_113, %parallel_loop3A_108, %parallel_loop3A_125 : vector<16xi1>, vector<16xf32>
        %parallel_loop3A_145 = arith.mulf %parallel_loop3A_144, %parallel_loop3A_144 : vector<16xf32>
        %parallel_loop3A_146 = arith.constant 0 : i32
        %parallel_loop3A_147 = vector.broadcast %parallel_loop3A_146 : i32 to vector<16xi32>
        %parallel_loop3A_148 = arith.select %parallel_loop3A_113, %parallel_loop3A_147, %broadcast_in_dim3A_17 : vector<16xi1>, vector<16xi32>
        %parallel_loop3A_149 = arith.addi %parallel_loop3A_143, %parallel_loop3A_148 : vector<16xi32>
        tpu.vector_store_idx %arg10[%parallel_loop3A_149], %broadcast_in_dim3A_15 masked %parallel_loop3A_135 {add = true} : memref<65536xf32, #tpu.memory_space<vmem>>[vector<16xi32>], vector<16xf32>, vector<16xi1>
        %parallel_loop3A_150 = arith.constant 16384 : i32
        %parallel_loop3A_151 = vector.broadcast %parallel_loop3A_150 : i32 to vector<16xi32>
        %parallel_loop3A_152 = arith.addi %parallel_loop3A_149, %parallel_loop3A_151 : vector<16xi32>
        tpu.vector_store_idx %arg10[%parallel_loop3A_152], %parallel_loop3A_145 masked %parallel_loop3A_135 {add = true} : memref<65536xf32, #tpu.memory_space<vmem>>[vector<16xi32>], vector<16xf32>, vector<16xi1>
      } {sc.loop_unroll_factor = 8 : i64, sc.parallel_access}
      %mul3A_67 = arith.constant 2 : i32
      %mul3A_68 = arith.muli %scan3A_55, %mul3A_67 : i32
      %add3A_69 = arith.constant 0 : i32
      %add3A_70 = arith.addi %mul3A_68, %add3A_69 : i32
      %add3A_71 = arith.constant 2 : i32
      %add3A_72 = arith.addi %add3A_70, %add3A_71 : i32
      %mul3A_73 = arith.constant 8192 : i32
      %mul3A_74 = arith.muli %add3A_72, %mul3A_73 : i32
      %add3A_75 = arith.addi %mul3A_2, %mul3A_74 : i32
      %dma_start3A_76 = tpu.memref_slice %arg2[%add3A_75] : memref<12582912xf32, #tpu.memory_space<hbm>> -> memref<8192xf32, #tpu.memory_space<hbm>>
      %dma_start3A_77 = tpu.memref_slice %arg2[%add3A_75] : memref<12582912xf32, #tpu.memory_space<hbm>> -> memref<8192xf32, #tpu.memory_space<hbm>>
      tpu.enqueue_dma source(%dma_start3A_77 : memref<8192xf32, #tpu.memory_space<hbm>>) target(%arg6 : memref<8192xf32, #tpu.memory_space<vmem>>) target_semaphore(%arg12 : memref<!tpu.dma_semaphore, #tpu.memory_space<semaphore_mem>>)
      %dma_start3A_78 = tpu.memref_slice %arg3[%add3A_75] : memref<12582912xi32, #tpu.memory_space<hbm>> -> memref<8192xi32, #tpu.memory_space<hbm>>
      %dma_start3A_79 = tpu.memref_slice %arg3[%add3A_75] : memref<12582912xi32, #tpu.memory_space<hbm>> -> memref<8192xi32, #tpu.memory_space<hbm>>
      tpu.enqueue_dma source(%dma_start3A_79 : memref<8192xi32, #tpu.memory_space<hbm>>) target(%arg8 : memref<8192xi32, #tpu.memory_space<vmem>>) target_semaphore(%arg14 : memref<!tpu.dma_semaphore, #tpu.memory_space<semaphore_mem>>)
      %dma_wait3A_80 = arith.constant 0 : i32
      %dma_wait3A_81 = tpu.memref_slice %arg2[%dma_wait3A_80] : memref<12582912xf32, #tpu.memory_space<hbm>> -> memref<8192xf32, #tpu.memory_space<hbm>>
      %dma_wait3A_82 = arith.constant 0 : i32
      %dma_wait3A_83 = tpu.memref_slice %arg2[%dma_wait3A_82] : memref<12582912xf32, #tpu.memory_space<hbm>> -> memref<8192xf32, #tpu.memory_space<hbm>>
      tpu.wait_dma2 semaphore(%arg13 : memref<!tpu.dma_semaphore, #tpu.memory_space<semaphore_mem>>) src(%dma_wait3A_83 : memref<8192xf32, #tpu.memory_space<hbm>>) dst(%arg7 : memref<8192xf32, #tpu.memory_space<vmem>>)
      %dma_wait3A_84 = arith.constant 0 : i32
      %dma_wait3A_85 = tpu.memref_slice %arg3[%dma_wait3A_84] : memref<12582912xi32, #tpu.memory_space<hbm>> -> memref<8192xi32, #tpu.memory_space<hbm>>
      %dma_wait3A_86 = arith.constant 0 : i32
      %dma_wait3A_87 = tpu.memref_slice %arg3[%dma_wait3A_86] : memref<12582912xi32, #tpu.memory_space<hbm>> -> memref<8192xi32, #tpu.memory_space<hbm>>
      tpu.wait_dma2 semaphore(%arg15 : memref<!tpu.dma_semaphore, #tpu.memory_space<semaphore_mem>>) src(%dma_wait3A_87 : memref<8192xi32, #tpu.memory_space<hbm>>) dst(%arg9 : memref<8192xi32, #tpu.memory_space<vmem>>)
      %parallel_loop3A_88 = arith.constant 0 : i32
      %parallel_loop3A_89 = arith.constant 512 : i32
      %parallel_loop3A_90 = arith.constant 1 : i32
      scf.for %parallel_loop3A_104 = %parallel_loop3A_88 to %parallel_loop3A_89 step %parallel_loop3A_90  : i32 {
        %parallel_loop3A_105 = arith.constant 16 : i32
        %parallel_loop3A_106 = arith.muli %parallel_loop3A_104, %parallel_loop3A_105 : i32
        %parallel_loop3A_107 = arith.index_cast %parallel_loop3A_106 : i32 to index
        %parallel_loop3A_108 = tpu.vector_load %arg7[%parallel_loop3A_107] {strides = array<i32>} : memref<8192xf32, #tpu.memory_space<vmem>>, vector<16xf32>,
        %parallel_loop3A_109 = arith.index_cast %parallel_loop3A_106 : i32 to index
        %parallel_loop3A_110 = tpu.vector_load %arg9[%parallel_loop3A_109] {strides = array<i32>} : memref<8192xi32, #tpu.memory_space<vmem>>, vector<16xi32>,
        %parallel_loop3A_111 = arith.constant 0 : i32
        %parallel_loop3A_112 = vector.broadcast %parallel_loop3A_111 : i32 to vector<16xi32>
        %parallel_loop3A_113 = arith.cmpi ne, %parallel_loop3A_110, %parallel_loop3A_112 : vector<16xi32>
        %parallel_loop3A_114 = vector.bitcast %parallel_loop3A_108 : vector<16xf32> to vector<16xi32>
        %parallel_loop3A_115 = arith.constant 31 : i32
        %parallel_loop3A_116 = vector.broadcast %parallel_loop3A_115 : i32 to vector<16xi32>
        %parallel_loop3A_117 = arith.shrsi %parallel_loop3A_114, %parallel_loop3A_116 : vector<16xi32>
        %parallel_loop3A_118 = arith.constant -2147483648 : i32
        %parallel_loop3A_119 = vector.broadcast %parallel_loop3A_118 : i32 to vector<16xi32>
        %parallel_loop3A_120 = arith.ori %parallel_loop3A_117, %parallel_loop3A_119 : vector<16xi32>
        %parallel_loop3A_121 = arith.xori %parallel_loop3A_114, %parallel_loop3A_120 : vector<16xi32>
        %parallel_loop3A_122 = vector.bitcast %parallel_loop3A_121 : vector<16xi32> to vector<16xi32>
        %parallel_loop3A_123 = arith.constant 1.000000e+00 : f32
        %parallel_loop3A_124 = vector.broadcast %parallel_loop3A_123 : f32 to vector<16xf32>
        %parallel_loop3A_125 = arith.subf %parallel_loop3A_124, %parallel_loop3A_108 : vector<16xf32>
        %parallel_loop3A_126 = arith.constant 1.000000e+00 : f32
        %parallel_loop3A_127 = vector.broadcast %parallel_loop3A_126 : f32 to vector<16xf32>
        %parallel_loop3A_128 = arith.cmpf ole, %parallel_loop3A_108, %parallel_loop3A_127 : vector<16xf32>
        %parallel_loop3A_129 = arith.ori %parallel_loop3A_113, %parallel_loop3A_128 : vector<16xi1>
        %parallel_loop3A_130 = arith.select %parallel_loop3A_113, %bitcast3A, %bitcast3A_12 : vector<16xi1>, vector<16xi32>
        %parallel_loop3A_131 = arith.constant 22 : i32
        %parallel_loop3A_132 = vector.broadcast %parallel_loop3A_131 : i32 to vector<16xi32>
        %parallel_loop3A_133 = arith.shrui %parallel_loop3A_122, %parallel_loop3A_132 : vector<16xi32>
        %parallel_loop3A_134 = arith.cmpi eq, %parallel_loop3A_133, %parallel_loop3A_130 : vector<16xi32>
        %parallel_loop3A_135 = arith.andi %parallel_loop3A_129, %parallel_loop3A_134 : vector<16xi1>
        %parallel_loop3A_136 = arith.constant 8 : i32
        %parallel_loop3A_137 = vector.broadcast %parallel_loop3A_136 : i32 to vector<16xi32>
        %parallel_loop3A_138 = arith.shrui %parallel_loop3A_122, %parallel_loop3A_137 : vector<16xi32>
        %parallel_loop3A_139 = arith.constant 16368 : i32
        %parallel_loop3A_140 = vector.broadcast %parallel_loop3A_139 : i32 to vector<16xi32>
        %parallel_loop3A_141 = arith.andi %parallel_loop3A_138, %parallel_loop3A_140 : vector<16xi32>
        %parallel_loop3A_142 = arith.ori %parallel_loop3A_141, %bitcast3A_13 : vector<16xi32>
        %parallel_loop3A_143 = vector.bitcast %parallel_loop3A_142 : vector<16xi32> to vector<16xi32>
        %parallel_loop3A_144 = arith.select %parallel_loop3A_113, %parallel_loop3A_108, %parallel_loop3A_125 : vector<16xi1>, vector<16xf32>
        %parallel_loop3A_145 = arith.mulf %parallel_loop3A_144, %parallel_loop3A_144 : vector<16xf32>
        %parallel_loop3A_146 = arith.constant 0 : i32
        %parallel_loop3A_147 = vector.broadcast %parallel_loop3A_146 : i32 to vector<16xi32>
        %parallel_loop3A_148 = arith.select %parallel_loop3A_113, %parallel_loop3A_147, %broadcast_in_dim3A_17 : vector<16xi1>, vector<16xi32>
        %parallel_loop3A_149 = arith.addi %parallel_loop3A_143, %parallel_loop3A_148 : vector<16xi32>
        tpu.vector_store_idx %arg10[%parallel_loop3A_149], %broadcast_in_dim3A_15 masked %parallel_loop3A_135 {add = true} : memref<65536xf32, #tpu.memory_space<vmem>>[vector<16xi32>], vector<16xf32>, vector<16xi1>
        %parallel_loop3A_150 = arith.constant 16384 : i32
        %parallel_loop3A_151 = vector.broadcast %parallel_loop3A_150 : i32 to vector<16xi32>
        %parallel_loop3A_152 = arith.addi %parallel_loop3A_149, %parallel_loop3A_151 : vector<16xi32>
        tpu.vector_store_idx %arg10[%parallel_loop3A_152], %parallel_loop3A_145 masked %parallel_loop3A_135 {add = true} : memref<65536xf32, #tpu.memory_space<vmem>>[vector<16xi32>], vector<16xf32>, vector<16xi1>
      } {sc.loop_unroll_factor = 8 : i64, sc.parallel_access}
      %mul3A_91 = arith.constant 2 : i32
      %mul3A_92 = arith.muli %scan3A_55, %mul3A_91 : i32
      %add3A_93 = arith.constant 1 : i32
      %add3A_94 = arith.addi %mul3A_92, %add3A_93 : i32
      %add3A_95 = arith.constant 2 : i32
      %add3A_96 = arith.addi %add3A_94, %add3A_95 : i32
      %mul3A_97 = arith.constant 8192 : i32
      %mul3A_98 = arith.muli %add3A_96, %mul3A_97 : i32
      %add3A_99 = arith.addi %mul3A_2, %mul3A_98 : i32
      %dma_start3A_100 = tpu.memref_slice %arg2[%add3A_99] : memref<12582912xf32, #tpu.memory_space<hbm>> -> memref<8192xf32, #tpu.memory_space<hbm>>
      %dma_start3A_101 = tpu.memref_slice %arg2[%add3A_99] : memref<12582912xf32, #tpu.memory_space<hbm>> -> memref<8192xf32, #tpu.memory_space<hbm>>
      tpu.enqueue_dma source(%dma_start3A_101 : memref<8192xf32, #tpu.memory_space<hbm>>) target(%arg7 : memref<8192xf32, #tpu.memory_space<vmem>>) target_semaphore(%arg13 : memref<!tpu.dma_semaphore, #tpu.memory_space<semaphore_mem>>)
      %dma_start3A_102 = tpu.memref_slice %arg3[%add3A_99] : memref<12582912xi32, #tpu.memory_space<hbm>> -> memref<8192xi32, #tpu.memory_space<hbm>>
      %dma_start3A_103 = tpu.memref_slice %arg3[%add3A_99] : memref<12582912xi32, #tpu.memory_space<hbm>> -> memref<8192xi32, #tpu.memory_space<hbm>>
      tpu.enqueue_dma source(%dma_start3A_103 : memref<8192xi32, #tpu.memory_space<hbm>>) target(%arg9 : memref<8192xi32, #tpu.memory_space<vmem>>) target_semaphore(%arg15 : memref<!tpu.dma_semaphore, #tpu.memory_space<semaphore_mem>>)
    }
    %scan3A_34 = arith.constant 23 : i32
    %dma_wait3A = arith.constant 0 : i32
    %dma_wait3A_35 = tpu.memref_slice %arg2[%dma_wait3A] : memref<12582912xf32, #tpu.memory_space<hbm>> -> memref<8192xf32, #tpu.memory_space<hbm>>
    %dma_wait3A_36 = arith.constant 0 : i32
    %dma_wait3A_37 = tpu.memref_slice %arg2[%dma_wait3A_36] : memref<12582912xf32, #tpu.memory_space<hbm>> -> memref<8192xf32, #tpu.memory_space<hbm>>
    tpu.wait_dma2 semaphore(%arg12 : memref<!tpu.dma_semaphore, #tpu.memory_space<semaphore_mem>>) src(%dma_wait3A_37 : memref<8192xf32, #tpu.memory_space<hbm>>) dst(%arg6 : memref<8192xf32, #tpu.memory_space<vmem>>)
    %dma_wait3A_38 = arith.constant 0 : i32
    %dma_wait3A_39 = tpu.memref_slice %arg3[%dma_wait3A_38] : memref<12582912xi32, #tpu.memory_space<hbm>> -> memref<8192xi32, #tpu.memory_space<hbm>>
    %dma_wait3A_40 = arith.constant 0 : i32
    %dma_wait3A_41 = tpu.memref_slice %arg3[%dma_wait3A_40] : memref<12582912xi32, #tpu.memory_space<hbm>> -> memref<8192xi32, #tpu.memory_space<hbm>>
    tpu.wait_dma2 semaphore(%arg14 : memref<!tpu.dma_semaphore, #tpu.memory_space<semaphore_mem>>) src(%dma_wait3A_41 : memref<8192xi32, #tpu.memory_space<hbm>>) dst(%arg8 : memref<8192xi32, #tpu.memory_space<vmem>>)
    %parallel_loop3A = arith.constant 0 : i32
    %parallel_loop3A_42 = arith.constant 512 : i32
    %parallel_loop3A_43 = arith.constant 1 : i32
    scf.for %parallel_loop3A_55 = %parallel_loop3A to %parallel_loop3A_42 step %parallel_loop3A_43  : i32 {
      %parallel_loop3A_56 = arith.constant 16 : i32
      %parallel_loop3A_57 = arith.muli %parallel_loop3A_55, %parallel_loop3A_56 : i32
      %parallel_loop3A_58 = arith.index_cast %parallel_loop3A_57 : i32 to index
      %parallel_loop3A_59 = tpu.vector_load %arg6[%parallel_loop3A_58] {strides = array<i32>} : memref<8192xf32, #tpu.memory_space<vmem>>, vector<16xf32>,
      %parallel_loop3A_60 = arith.index_cast %parallel_loop3A_57 : i32 to index
      %parallel_loop3A_61 = tpu.vector_load %arg8[%parallel_loop3A_60] {strides = array<i32>} : memref<8192xi32, #tpu.memory_space<vmem>>, vector<16xi32>,
      %parallel_loop3A_62 = arith.constant 0 : i32
      %parallel_loop3A_63 = vector.broadcast %parallel_loop3A_62 : i32 to vector<16xi32>
      %parallel_loop3A_64 = arith.cmpi ne, %parallel_loop3A_61, %parallel_loop3A_63 : vector<16xi32>
      %parallel_loop3A_65 = vector.bitcast %parallel_loop3A_59 : vector<16xf32> to vector<16xi32>
      %parallel_loop3A_66 = arith.constant 31 : i32
      %parallel_loop3A_67 = vector.broadcast %parallel_loop3A_66 : i32 to vector<16xi32>
      %parallel_loop3A_68 = arith.shrsi %parallel_loop3A_65, %parallel_loop3A_67 : vector<16xi32>
      %parallel_loop3A_69 = arith.constant -2147483648 : i32
      %parallel_loop3A_70 = vector.broadcast %parallel_loop3A_69 : i32 to vector<16xi32>
      %parallel_loop3A_71 = arith.ori %parallel_loop3A_68, %parallel_loop3A_70 : vector<16xi32>
      %parallel_loop3A_72 = arith.xori %parallel_loop3A_65, %parallel_loop3A_71 : vector<16xi32>
      %parallel_loop3A_73 = vector.bitcast %parallel_loop3A_72 : vector<16xi32> to vector<16xi32>
      %parallel_loop3A_74 = arith.constant 1.000000e+00 : f32
      %parallel_loop3A_75 = vector.broadcast %parallel_loop3A_74 : f32 to vector<16xf32>
      %parallel_loop3A_76 = arith.subf %parallel_loop3A_75, %parallel_loop3A_59 : vector<16xf32>
      %parallel_loop3A_77 = arith.constant 1.000000e+00 : f32
      %parallel_loop3A_78 = vector.broadcast %parallel_loop3A_77 : f32 to vector<16xf32>
      %parallel_loop3A_79 = arith.cmpf ole, %parallel_loop3A_59, %parallel_loop3A_78 : vector<16xf32>
      %parallel_loop3A_80 = arith.ori %parallel_loop3A_64, %parallel_loop3A_79 : vector<16xi1>
      %parallel_loop3A_81 = arith.select %parallel_loop3A_64, %bitcast3A, %bitcast3A_12 : vector<16xi1>, vector<16xi32>
      %parallel_loop3A_82 = arith.constant 22 : i32
      %parallel_loop3A_83 = vector.broadcast %parallel_loop3A_82 : i32 to vector<16xi32>
      %parallel_loop3A_84 = arith.shrui %parallel_loop3A_73, %parallel_loop3A_83 : vector<16xi32>
      %parallel_loop3A_85 = arith.cmpi eq, %parallel_loop3A_84, %parallel_loop3A_81 : vector<16xi32>
      %parallel_loop3A_86 = arith.andi %parallel_loop3A_80, %parallel_loop3A_85 : vector<16xi1>
      %parallel_loop3A_87 = arith.constant 8 : i32
      %parallel_loop3A_88 = vector.broadcast %parallel_loop3A_87 : i32 to vector<16xi32>
      %parallel_loop3A_89 = arith.shrui %parallel_loop3A_73, %parallel_loop3A_88 : vector<16xi32>
      %parallel_loop3A_90 = arith.constant 16368 : i32
      %parallel_loop3A_91 = vector.broadcast %parallel_loop3A_90 : i32 to vector<16xi32>
      %parallel_loop3A_92 = arith.andi %parallel_loop3A_89, %parallel_loop3A_91 : vector<16xi32>
      %parallel_loop3A_93 = arith.ori %parallel_loop3A_92, %bitcast3A_13 : vector<16xi32>
      %parallel_loop3A_94 = vector.bitcast %parallel_loop3A_93 : vector<16xi32> to vector<16xi32>
      %parallel_loop3A_95 = arith.select %parallel_loop3A_64, %parallel_loop3A_59, %parallel_loop3A_76 : vector<16xi1>, vector<16xf32>
      %parallel_loop3A_96 = arith.mulf %parallel_loop3A_95, %parallel_loop3A_95 : vector<16xf32>
      %parallel_loop3A_97 = arith.constant 0 : i32
      %parallel_loop3A_98 = vector.broadcast %parallel_loop3A_97 : i32 to vector<16xi32>
      %parallel_loop3A_99 = arith.select %parallel_loop3A_64, %parallel_loop3A_98, %broadcast_in_dim3A_17 : vector<16xi1>, vector<16xi32>
      %parallel_loop3A_100 = arith.addi %parallel_loop3A_94, %parallel_loop3A_99 : vector<16xi32>
      tpu.vector_store_idx %arg10[%parallel_loop3A_100], %broadcast_in_dim3A_15 masked %parallel_loop3A_86 {add = true} : memref<65536xf32, #tpu.memory_space<vmem>>[vector<16xi32>], vector<16xf32>, vector<16xi1>
      %parallel_loop3A_101 = arith.constant 16384 : i32
      %parallel_loop3A_102 = vector.broadcast %parallel_loop3A_101 : i32 to vector<16xi32>
      %parallel_loop3A_103 = arith.addi %parallel_loop3A_100, %parallel_loop3A_102 : vector<16xi32>
      tpu.vector_store_idx %arg10[%parallel_loop3A_103], %parallel_loop3A_96 masked %parallel_loop3A_86 {add = true} : memref<65536xf32, #tpu.memory_space<vmem>>[vector<16xi32>], vector<16xf32>, vector<16xi1>
    } {sc.loop_unroll_factor = 8 : i64, sc.parallel_access}
    %dma_wait3A_44 = arith.constant 0 : i32
    %dma_wait3A_45 = tpu.memref_slice %arg2[%dma_wait3A_44] : memref<12582912xf32, #tpu.memory_space<hbm>> -> memref<8192xf32, #tpu.memory_space<hbm>>
    %dma_wait3A_46 = arith.constant 0 : i32
    %dma_wait3A_47 = tpu.memref_slice %arg2[%dma_wait3A_46] : memref<12582912xf32, #tpu.memory_space<hbm>> -> memref<8192xf32, #tpu.memory_space<hbm>>
    tpu.wait_dma2 semaphore(%arg13 : memref<!tpu.dma_semaphore, #tpu.memory_space<semaphore_mem>>) src(%dma_wait3A_47 : memref<8192xf32, #tpu.memory_space<hbm>>) dst(%arg7 : memref<8192xf32, #tpu.memory_space<vmem>>)
    %dma_wait3A_48 = arith.constant 0 : i32
    %dma_wait3A_49 = tpu.memref_slice %arg3[%dma_wait3A_48] : memref<12582912xi32, #tpu.memory_space<hbm>> -> memref<8192xi32, #tpu.memory_space<hbm>>
    %dma_wait3A_50 = arith.constant 0 : i32
    %dma_wait3A_51 = tpu.memref_slice %arg3[%dma_wait3A_50] : memref<12582912xi32, #tpu.memory_space<hbm>> -> memref<8192xi32, #tpu.memory_space<hbm>>
    tpu.wait_dma2 semaphore(%arg15 : memref<!tpu.dma_semaphore, #tpu.memory_space<semaphore_mem>>) src(%dma_wait3A_51 : memref<8192xi32, #tpu.memory_space<hbm>>) dst(%arg9 : memref<8192xi32, #tpu.memory_space<vmem>>)
    %parallel_loop3A_52 = arith.constant 0 : i32
    %parallel_loop3A_53 = arith.constant 512 : i32
    %parallel_loop3A_54 = arith.constant 1 : i32
    scf.for %parallel_loop3A_55 = %parallel_loop3A_52 to %parallel_loop3A_53 step %parallel_loop3A_54  : i32 {
      %parallel_loop3A_56 = arith.constant 16 : i32
      %parallel_loop3A_57 = arith.muli %parallel_loop3A_55, %parallel_loop3A_56 : i32
      %parallel_loop3A_58 = arith.index_cast %parallel_loop3A_57 : i32 to index
      %parallel_loop3A_59 = tpu.vector_load %arg7[%parallel_loop3A_58] {strides = array<i32>} : memref<8192xf32, #tpu.memory_space<vmem>>, vector<16xf32>,
      %parallel_loop3A_60 = arith.index_cast %parallel_loop3A_57 : i32 to index
      %parallel_loop3A_61 = tpu.vector_load %arg9[%parallel_loop3A_60] {strides = array<i32>} : memref<8192xi32, #tpu.memory_space<vmem>>, vector<16xi32>,
      %parallel_loop3A_62 = arith.constant 0 : i32
      %parallel_loop3A_63 = vector.broadcast %parallel_loop3A_62 : i32 to vector<16xi32>
      %parallel_loop3A_64 = arith.cmpi ne, %parallel_loop3A_61, %parallel_loop3A_63 : vector<16xi32>
      %parallel_loop3A_65 = vector.bitcast %parallel_loop3A_59 : vector<16xf32> to vector<16xi32>
      %parallel_loop3A_66 = arith.constant 31 : i32
      %parallel_loop3A_67 = vector.broadcast %parallel_loop3A_66 : i32 to vector<16xi32>
      %parallel_loop3A_68 = arith.shrsi %parallel_loop3A_65, %parallel_loop3A_67 : vector<16xi32>
      %parallel_loop3A_69 = arith.constant -2147483648 : i32
      %parallel_loop3A_70 = vector.broadcast %parallel_loop3A_69 : i32 to vector<16xi32>
      %parallel_loop3A_71 = arith.ori %parallel_loop3A_68, %parallel_loop3A_70 : vector<16xi32>
      %parallel_loop3A_72 = arith.xori %parallel_loop3A_65, %parallel_loop3A_71 : vector<16xi32>
      %parallel_loop3A_73 = vector.bitcast %parallel_loop3A_72 : vector<16xi32> to vector<16xi32>
      %parallel_loop3A_74 = arith.constant 1.000000e+00 : f32
      %parallel_loop3A_75 = vector.broadcast %parallel_loop3A_74 : f32 to vector<16xf32>
      %parallel_loop3A_76 = arith.subf %parallel_loop3A_75, %parallel_loop3A_59 : vector<16xf32>
      %parallel_loop3A_77 = arith.constant 1.000000e+00 : f32
      %parallel_loop3A_78 = vector.broadcast %parallel_loop3A_77 : f32 to vector<16xf32>
      %parallel_loop3A_79 = arith.cmpf ole, %parallel_loop3A_59, %parallel_loop3A_78 : vector<16xf32>
      %parallel_loop3A_80 = arith.ori %parallel_loop3A_64, %parallel_loop3A_79 : vector<16xi1>
      %parallel_loop3A_81 = arith.select %parallel_loop3A_64, %bitcast3A, %bitcast3A_12 : vector<16xi1>, vector<16xi32>
      %parallel_loop3A_82 = arith.constant 22 : i32
      %parallel_loop3A_83 = vector.broadcast %parallel_loop3A_82 : i32 to vector<16xi32>
      %parallel_loop3A_84 = arith.shrui %parallel_loop3A_73, %parallel_loop3A_83 : vector<16xi32>
      %parallel_loop3A_85 = arith.cmpi eq, %parallel_loop3A_84, %parallel_loop3A_81 : vector<16xi32>
      %parallel_loop3A_86 = arith.andi %parallel_loop3A_80, %parallel_loop3A_85 : vector<16xi1>
      %parallel_loop3A_87 = arith.constant 8 : i32
      %parallel_loop3A_88 = vector.broadcast %parallel_loop3A_87 : i32 to vector<16xi32>
      %parallel_loop3A_89 = arith.shrui %parallel_loop3A_73, %parallel_loop3A_88 : vector<16xi32>
      %parallel_loop3A_90 = arith.constant 16368 : i32
      %parallel_loop3A_91 = vector.broadcast %parallel_loop3A_90 : i32 to vector<16xi32>
      %parallel_loop3A_92 = arith.andi %parallel_loop3A_89, %parallel_loop3A_91 : vector<16xi32>
      %parallel_loop3A_93 = arith.ori %parallel_loop3A_92, %bitcast3A_13 : vector<16xi32>
      %parallel_loop3A_94 = vector.bitcast %parallel_loop3A_93 : vector<16xi32> to vector<16xi32>
      %parallel_loop3A_95 = arith.select %parallel_loop3A_64, %parallel_loop3A_59, %parallel_loop3A_76 : vector<16xi1>, vector<16xf32>
      %parallel_loop3A_96 = arith.mulf %parallel_loop3A_95, %parallel_loop3A_95 : vector<16xf32>
      %parallel_loop3A_97 = arith.constant 0 : i32
      %parallel_loop3A_98 = vector.broadcast %parallel_loop3A_97 : i32 to vector<16xi32>
      %parallel_loop3A_99 = arith.select %parallel_loop3A_64, %parallel_loop3A_98, %broadcast_in_dim3A_17 : vector<16xi1>, vector<16xi32>
      %parallel_loop3A_100 = arith.addi %parallel_loop3A_94, %parallel_loop3A_99 : vector<16xi32>
      tpu.vector_store_idx %arg10[%parallel_loop3A_100], %broadcast_in_dim3A_15 masked %parallel_loop3A_86 {add = true} : memref<65536xf32, #tpu.memory_space<vmem>>[vector<16xi32>], vector<16xf32>, vector<16xi1>
      %parallel_loop3A_101 = arith.constant 16384 : i32
      %parallel_loop3A_102 = vector.broadcast %parallel_loop3A_101 : i32 to vector<16xi32>
      %parallel_loop3A_103 = arith.addi %parallel_loop3A_100, %parallel_loop3A_102 : vector<16xi32>
      tpu.vector_store_idx %arg10[%parallel_loop3A_103], %parallel_loop3A_96 masked %parallel_loop3A_86 {add = true} : memref<65536xf32, #tpu.memory_space<vmem>>[vector<16xi32>], vector<16xf32>, vector<16xi1>
    } {sc.loop_unroll_factor = 8 : i64, sc.parallel_access}
    "tpu.region"() ({
      %run_scoped3A = tpu.sem_alloc : memref<!tpu.dma_semaphore, #tpu.memory_space<semaphore_mem>>
      %dma_start3A_55 = arith.constant 0 : i32
      %dma_start3A_56 = tpu.memref_slice %arg5[%add3A, %dma_start3A_55] : memref<32x65536xf32, #tpu.memory_space<hbm>> -> memref<1x65536xf32, #tpu.memory_space<hbm>>
      %dma_start3A_57 = tpu.memref_squeeze %dma_start3A_56 : memref<1x65536xf32, #tpu.memory_space<hbm>> -> memref<65536xf32, #tpu.memory_space<hbm>>
      %dma_start3A_58 = arith.constant 0 : i32
      %dma_start3A_59 = tpu.memref_slice %arg5[%add3A, %dma_start3A_58] : memref<32x65536xf32, #tpu.memory_space<hbm>> -> memref<1x65536xf32, #tpu.memory_space<hbm>>
      %dma_start3A_60 = tpu.memref_squeeze %dma_start3A_59 : memref<1x65536xf32, #tpu.memory_space<hbm>> -> memref<65536xf32, #tpu.memory_space<hbm>>
      tpu.enqueue_dma source(%arg10 : memref<65536xf32, #tpu.memory_space<vmem>>) target(%dma_start3A_60 : memref<65536xf32, #tpu.memory_space<hbm>>) target_semaphore(%run_scoped3A : memref<!tpu.dma_semaphore, #tpu.memory_space<semaphore_mem>>)
      %dma_wait3A_61 = arith.constant 0 : i32
      %dma_wait3A_62 = tpu.memref_slice %arg5[%add3A, %dma_wait3A_61] : memref<32x65536xf32, #tpu.memory_space<hbm>> -> memref<1x65536xf32, #tpu.memory_space<hbm>>
      %dma_wait3A_63 = tpu.memref_squeeze %dma_wait3A_62 : memref<1x65536xf32, #tpu.memory_space<hbm>> -> memref<65536xf32, #tpu.memory_space<hbm>>
      %dma_wait3A_64 = arith.constant 0 : i32
      %dma_wait3A_65 = tpu.memref_slice %arg5[%add3A, %dma_wait3A_64] : memref<32x65536xf32, #tpu.memory_space<hbm>> -> memref<1x65536xf32, #tpu.memory_space<hbm>>
      %dma_wait3A_66 = tpu.memref_squeeze %dma_wait3A_65 : memref<1x65536xf32, #tpu.memory_space<hbm>> -> memref<65536xf32, #tpu.memory_space<hbm>>
      tpu.wait_dma2 semaphore(%run_scoped3A : memref<!tpu.dma_semaphore, #tpu.memory_space<semaphore_mem>>) src(%arg10 : memref<65536xf32, #tpu.memory_space<vmem>>) dst(%dma_wait3A_66 : memref<65536xf32, #tpu.memory_space<hbm>>)
      tpu.yield
    }) : () -> ()
    return
  }
}

</mosaic_0001>

<sc_bundles>
// kernel: kernel.4.cloned.1.call-start
scs
__scs_entry_jumppad:
0x0: {  	(pc) =	sbr.rel $0x88, $3  }
0x1: {  	(tag) =	ssettag $0x0;
	lr =	simm.s32 $0x1  }
0x2: {  	[smem:$0x3F9F] =	sst lr;
	_ =	strace $0xD0000000  }
0x3: {  	_ = 	snop  }
0x4: {  	_ = 	snop  }
0x5: {  	_ = 	snop  }
0x6: {  	_ = 	snop  }
0x7: {  	_ = 	snop  }
__scs_overlays_trampoline_lowered:
0x8: {  	[smem:$0x3FAE] =	sst s0  }
0x9: {  	[smem:$0x3FAF] =	sst s1  }
0xa: {  	[smem:$0x3FB0] =	sst s2  }
0xb: {  	[smem:$0x3FB1] =	sst s3  }
0xc: {  	[smem:$0x3FB2] =	sst s4  }
0xd: {  	[smem:$0x3FB3] =	sst s5  }
0xe: {  	[smem:$0x3FB4] =	sst s6  }
0xf: {  	[smem:$0x3FB5] =	sst s7  }
0x10: {  	[smem:$0x3FB6] =	sst s8  }
0x11: {  	[smem:$0x3FB7] =	sst s9;
	s0 =	simm.s32 @!p0 $0x0  }
0x12: {  	s1 =	sld [smem:$0x3F9D];
	s0 =	simm.s32 @p0 $0x1  }
0x13: {  	[smem:$0x3FB8] =	sst s0;
	s0 =	simm.s32 @!p1 $0x0  }
0x14: {  	s2 =	sld [smem:$0x3F9C];
	s0 =	simm.s32 @p1 $0x1  }
0x15: {  	[smem:$0x3FB9] =	sst s0;
	s0 =	simm.s32 @!p2 $0x0  }
0x16: {  	s3 =	sld [smem:$0x3FDB];
	s0 =	simm.s32 @p2 $0x1  }
0x17: {  	s4 =	simm.s32 $0x1BF5;
	[smem:$0x3FBB] =	sst s0  }
0x18: {  	s0 =	sld [smem:$0x3F9E];
	_ =	swait.ge [sflag:s4], $0x0  }
0x19: {  	s7 =	sld [smem:$0x3F9F]  }
0x1a: {  	s8 =	sadd.s32 $0xFFFFE003, lr  }
0x1b: {  	s9 =	sadd.s32 $0xFFFFFEF7, lr;
	s5 =	simm.s32 $0xFFFFFFFF;
	p2 =	slt.u32 s8, $0xFFFFF086  }
0x1c: {  	p1 =	slt.u32 s9, $0xF7A;
	s5 =	simm.s32 @!p2 $0x0  }
0x1d: {  	s5 =	simm.s32 @p1 $0x1;
	p0 =	seq.s32 s7, s2  }
0x1e: {  	s7 =	smul.u32 @!p0 $0xF7A, s2;
	p2 =	seq.s32 @!p0 s5, $0x0  }
0x1f: {  	s9 =	smul.u32 $0xF7A, s1;
	s8 =	simm.s32 @!p0 $0x1BF5;
	p2 =	por !p2, p0  }
0x20: {  	[sflag:s8] =	ssyncset.s32 @!p0 $0xFFFFF086;
	s6 =	sadd.s32 @!p0 s3, s7;
	s7 =	simm.s32 @!p0 $0x108  }
0x21: {  	s3 =	sadd.s32 s3, s9;
	s6 =	sadd.s32 @!p0 $0x88, s6;
	s7 =	simm.s32 @p2 $0x1082  }
0x22: {  	[simem:s7], [sflag:s8] =	dma.local @!p0 [hbm:s6], $0xF7A  }
0x23: {  	s9 =	sor.u32 $0xD0000000, s2;
	s6 =	simm.s32 $0x108;
	_ =	swait.ge @!p0 [sflag:s8], $0x0  }
0x24: {  	s3 =	sadd.s32 $0x88, s3;
	s6 =	simm.s32 @!p1 $0x1082;
	[sflag:s4] =	ssyncset.s32 $0xFFFFF086  }
0x25: {  	[simem:s6], [sflag:s4] =	dma.local [hbm:s3], $0xF7A  }
0x26: {  	[smem:$0x3F9F] =	sst s1;
	(tag) =	ssettag s2;
	_ =	strace s9  }
0x27: {  	s1 =	sld [smem:$0x3FAF]  }
0x28: {  	s2 =	sld [smem:$0x3FB0]  }
0x29: {  	s4 =	sld [smem:$0x3FB2]  }
0x2a: {  	p0 =	seq.s32 s5, $0x0;
	s5 =	sld [smem:$0x3FB3]  }
0x2b: {  	s6 =	sld [smem:$0x3FB4]  }
0x2c: {  	s7 =	sld [smem:$0x3FB5]  }
0x2d: {  	s3 =	simm.s32 $0x108;
	s8 =	sld [smem:$0x3FB6]  }
0x2e: {  	s3 =	simm.s32 @!p0 $0x1082;
	s9 =	sld [smem:$0x3FB7]  }
0x2f: {  	lr =	sadd.s32 s0, s3;
	s0 =	sld [smem:$0x3FAE]  }
0x30: {  	s3 =	sld [smem:$0x3FB1]  }
0x31: {  	[smem:$0x3FBA] =	sst s10  }
0x32: {  	s10 =	sld [smem:$0x3FB8];
	_ =	sdelay $0x3  }
0x33: {  	p0 =	seq.s32 s10, $0x1;
	s10 =	sld [smem:$0x3FBA];
	_ =	sdelay $0x3  }
0x34: {  	[smem:$0x3FBA] =	sst s10  }
0x35: {  	s10 =	sld [smem:$0x3FB9];
	_ =	sdelay $0x3  }
0x36: {  	p1 =	seq.s32 s10, $0x1;
	s10 =	sld [smem:$0x3FBA];
	_ =	sdelay $0x3  }
0x37: {  	[smem:$0x3FBA] =	sst s10  }
0x38: {  	s10 =	sld [smem:$0x3FBB]  }
0x39: {  	_ = 	snop;
	(pc) =	sbr.ind lr, $3  }
0x3a: {  	_ = 	snop  }
0x3b: {  	_ = 	snop  }
0x3c: {  	p2 =	seq.s32 s10, $0x1;
	s10 =	sld [smem:$0x3FBA]  }
0x3d: {  	_ =	shalt  }
0x3e: {  	_ =	shalt  }
0x3f: {  	_ =	shalt  }
0x40: {  	_ =	shalt  }
0x41: {  	_ =	shalt  }
0x42: {  	_ =	shalt  }
0x43: {  	_ =	shalt  }
0x44: {  	_ =	shalt  }
0x45: {  	_ =	shalt  }
0x46: {  	_ =	shalt  }
0x47: {  	_ =	shalt  }
0x48: {  	_ =	shalt  }
0x49: {  	_ =	shalt  }
0x4a: {  	_ =	shalt  }
0x4b: {  	_ =	shalt  }
0x4c: {  	_ =	shalt  }
0x4d: {  	_ =	shalt  }
0x4e: {  	_ =	shalt  }
0x4f: {  	_ =	shalt  }
0x50: {  	_ =	shalt  }
0x51: {  	_ =	shalt  }
0x52: {  	_ =	shalt  }
0x53: {  	_ =	shalt  }
0x54: {  	_ =	shalt  }
0x55: {  	_ =	shalt  }
0x56: {  	_ =	shalt  }
0x57: {  	_ =	shalt  }
0x58: {  	_ =	shalt  }
0x59: {  	_ =	shalt  }
0x5a: {  	_ =	shalt  }
0x5b: {  	_ =	shalt  }
0x5c: {  	_ =	shalt  }
0x5d: {  	_ =	shalt  }
0x5e: {  	_ =	shalt  }
0x5f: {  	_ =	shalt  }
0x60: {  	_ =	shalt  }
0x61: {  	_ =	shalt  }
0x62: {  	_ =	shalt  }
0x63: {  	_ =	shalt  }
0x64: {  	_ =	shalt  }
0x65: {  	_ =	shalt  }
0x66: {  	_ =	shalt  }
0x67: {  	_ =	shalt  }
0x68: {  	_ =	shalt  }
0x69: {  	_ =	shalt  }
0x6a: {  	_ =	shalt  }
0x6b: {  	_ =	shalt  }
0x6c: {  	_ =	shalt  }
0x6d: {  	_ =	shalt  }
0x6e: {  	_ =	shalt  }
0x6f: {  	_ =	shalt  }
0x70: {  	_ =	shalt  }
0x71: {  	_ =	shalt  }
0x72: {  	_ =	shalt  }
0x73: {  	_ =	shalt  }
0x74: {  	_ =	shalt  }
0x75: {  	_ =	shalt  }
0x76: {  	_ =	shalt  }
0x77: {  	_ =	shalt  }
0x78: {  	_ =	shalt  }
0x79: {  	_ =	shalt  }
0x7a: {  	_ =	shalt  }
0x7b: {  	_ =	shalt  }
0x7c: {  	_ =	shalt  }
0x7d: {  	_ =	shalt  }
0x7e: {  	_ =	shalt  }
0x7f: {  	_ =	shalt  }
0x80: {  	_ =	shalt  }
0x81: {  	_ =	shalt  }
0x82: {  	_ =	shalt  }
0x83: {  	_ =	shalt  }
0x84: {  	_ =	shalt  }
0x85: {  	_ =	shalt  }
0x86: {  	_ =	shalt  }
0x87: {  	_ =	shalt  }
.Lfunc_end0:
.L_simem_size_0:
called_computation.1_lowered:
.L_overlay_start_0:
0x88: {  	s2 =	sld [smem:$0x3FD9]  }
0x89: {  	s3 =	sld [smem:$0x3FFE];
	_ =	sdelay $0x1  }
0x8a: {  	s1 =	srdreg.scid  }
0x8b: {  	s0 =	sand.u32 $0x1, s1  }
0x8c: {  	s17 =	sshll.u32 s0, $0xA;
	s2 =	sadd.s32 s3, s2  }
0x8d: {  	s2 =	sadd.s32 s2, s17  }
0x8e: {  	[smem:$0x3FC6] =	sst s2  }
0x8f: {  	_ = 	snop  }
0x90: {  	s2 =	sld [smem:$0x3FC8];
	(tm) =	ssettm $0x1  }
0x91: {  	s18 =	sld [smem:$0x3FFB];
	_ =	sdelay $0x3  }
0x92: {  	_ =	strace s18  }
0x93: {  	s3 =	sld [smem:$0x3FFC];
	_ =	sdelay $0x3  }
0x94: {  	_ =	strace s3  }
0x95: {  	s3 =	sld [smem:$0x3FFD];
	_ =	sdelay $0x3  }
0x96: {  	_ =	strace s3  }
0x97: {  	_ =	strace $0x8FFFFFFF  }
0x98: {  	s19 =	sld [smem:$0x3FDB];
	_ =	sdelay $0x1  }
0x99: {  	s4 =	simm.s32 $_scs_section_size  }
0x9a: {  	s5 =	simm.s32 $_size__tile_overlayer_lowered;
	s6 =	simm.s32 $_tile_overlayer_lowered  }
0x9b: {  	s22 =	simm.s32 $0x1BFF;
	s21 =	sshll.u32 s6, $0x1;
	s3 =	sadd.s32 s4, s19  }
0x9c: {  	s7 =	simm.s32 $0x0;
	s20 =	sshll.u32 s5, $0x1;
	s5 =	sadd.s32 s21, s3  }
0x9d: {  	[timem:s7], [sflag:s22] =	dma.local [hbm:s5], s20  }
0x9e: {  	_ =	swait.ge [sflag:s22], s20  }
0x9f: {  	s4 =	ssub.s32 $0x0, s20;
	[sflag:s22] =	ssyncset.done $0x0  }
0xa0: {  	[sflag:s22] =	ssyncadd.s32 s4;
	_ =	sdelay $0x1  }
0xa1: {  	s23 =	simm.s32 $0x1B8B  }
0xa2: {  	_ =	swait.ge [sflag:s23], $0x1  }
0xa3: {  	[sflag:s23] =	ssyncset.done $0x0  }
0xa4: {  	s25 =	simm.s32 $0x1B8E;
	s24 =	sld [smem:$0x3FFE];
	[sflag:s23] =	ssyncadd.s32 $0xFFFFFFFF  }
0xa5: {  	s26 =	simm.s32 $execute0_lowered;
	[smem:$0x3FD2] =	sst s25  }
0xa6: {  	s5 =	sshll.u32 s26, $0x1;
	_ =	strace $0x80000049;
	[dreg:$0x1] =	wrdreg $0xFFFFFFFF  }
0xa7: {  	s28 =	simm.s32 $_size_execute0_lowered;
	s3 =	sadd.s32 s3, s5;
	[dreg:$0x0] =	wrdreg $0x0  }
0xa8: {  	s5 =	sshll.u32 s28, $0x1;
	[dreg:$0x2] =	wrdreg s3  }
0xa9: {  	[dreg:$0x3] =	wrdreg s5  }
0xaa: {  	[dreg:$0x4] =	wrdreg $0xC0  }
0xab: {  	_ =	task [dreg:s7], $0x5FFFF  }
0xac: {  	[dreg:$0x1] =	wrdreg $0xFFFFFFFF  }
0xad: {  	[dreg:$0x0] =	wrdreg $0x60  }
0xae: {  	[dreg:$0x2] =	wrdreg s24  }
0xaf: {  	[dreg:$0x3] =	wrdreg s2  }
0xb0: {  	[dreg:$0x4] =	wrdreg $0x9  }
0xb1: {  	_ =	task.clear_ibuf [dreg:s7], $0x5FFFF;
	_ =	strace $0x90000049  }
0xb2: {  	s29 =	simm.s32 $0x9;
	_ =	strace $0x8000004B  }
0xb3: {  	_ =	swait.ge [sflag:s29], $0x1  }
0xb4: {  	[sflag:s29] =	ssyncadd.s32 $0xFFFFFFFF  }
0xb5: {  	_ =	strace $0x9000004B  }
0xb6: {  	_ =	sfence  }
0xb7: {  	s30 =	sld [smem:$0x0];
	_ =	sdelay $0x2  }
0xb8: {  	s31 =	sshll.u32 s1, $0xD;
	s1 =	sshrl.u32 s1, $0x2  }
0xb9: {  	s3 =	sand.u32 $0x4000, s31;
	s1 =	sadd.s32 s1, s30  }
0xba: {  	s0 =	sor.u32 s3, s0;
	s1 =	sshll.u32 s1, $0x11  }
0xbb: {  	s0 =	sor.u32 s1, s0  }
0xbc: {  	s0 =	sadd.s32 $0x8F2B, s0  }
0xbd: {  	[sflag:s0] =	ssyncadd.remote.s32 $0x1  }
0xbe: {  	_ =	sfence.sel $0xFFFF  }
0xbf: {  	[dreg:$0x0] =	wrdreg $0xFFFFFFFF;
	(pc) =	sbr.abs _section_cstart, $3  }
0xc0: {  	[dreg:$0x1] =	wrdreg $0xFFFFFFFF  }
0xc1: {  	_ =	task.clear_ibuf [dreg:s7], $0x2FFFF;
	_ =	strace $0x9FFFFFFF  }
0xc2: {  	(tm) =	ssettm $0x7FFFFFFF  }
0xc3: {  	_ =	shalt  }
tec
execute0_lowered:
.L_overlay_start_1:
0x0: {  	(tag) =	ssettag $0x1  }
0x1: {  	s2 =	rddreg [dreg:$0x0]  }
0x2: {  	s3 =	rddreg [dreg:$0x1]  }
0x3: {  	s0 =	rddreg [dreg:$0x2];
	s1 =	stileid.u32  }
0x4: {  	s5 =	srdreg.scid;
	s4 =	simm.s32 $0x0;
	s14 =	simm.s32 $0x2000  }
0x5: {  	s15 =	simm.s32 $0x6000;
	s16 =	simm.s32 $0x1;
	s17 =	simm.s32 $0x3  }
0x6: {  	s18 =	simm.s32 $0x8000;
	s19 =	simm.s32 $0x2;
	s20 =	simm.s32 $0x4  }
0x7: {  	s21 =	simm.s32 $0x80;
	s22 =	simm.s32 $0x400;
	s23 =	simm.s32 $0x5  }
0x8: {  	s24 =	simm.s32 $0x0;
	s5 =	sand.u32 $0x1, s5;
	s6 =	sshll.u32 s1, $0x1  }
0x9: {  	[smem:$0x7FF] =	sst s4;
	s7 =	sshll.u32 s1, $0xE;
	s6 =	sor.u32 s5, s6  }
0xa: {  	s5 =	ssub.s32 $0x2, s5;
	_ =	strace $0x8000004A;
	s7 =	sand.u32 $0x30000, s7  }
0xb: {  	s10 =	smul.u32 $0x60000, s6;
	s8 =	sshrl.u32 s5, $0x1;
	s9 =	sshll.u32 s6, $0x4  }
0xc: {  	s11 =	sadd.s32 s7, s2;
	s12 =	ssub.s32 s5, s8;
	s13 =	sand.u32 $0x70, s9  }
0xd: {  	s30 =	sshrl.u32 s10, $0x3;
	s9 =	sor.u32 $0x4000, s10;
	s11 =	sadd.s32 s13, s11  }
0xe: {  	s10 =	sor.u32 $0x6000, s10;
	s12 =	smax.u32 s12, $0x1;
	s13 =	simm.s32 $0x4000  }
0xf: {  	v0 =	vimm.f32 $0.0e+00;
	v1 =	vlaneseq.u32;
	s5 =	sadd.s32 s2, s30;
	s31 =	sor.u32 $0x400, s30;
	s6 =	sadd.s32 s3, s30  }
0x10: {  	v2 =	vimm.f32 $1.000000000e+00;
	v3 =	vimm.s32 $0x8000;
	v4 =	vor.u32 $0x4000, v1;
	s11 =	sadd.s32 $0x180000, s11;
	s7 =	sadd.s32 s2, s31;
	s8 =	sadd.s32 s3, s31  }
.LBB2_1:
0x11: {  	s25 =	simm.s32 $0x0;
	s26 =	simm.s32 $0x200  }
.LBB2_2:
0x12: {  	p0 =	sne.s32 s26, $0x3FE00;
	[tilespmem:s25+$0x8070] =	vst v0  }
0x13: {  	[tilespmem:s25+$0x8000] =	vst v0  }
0x14: {  	[tilespmem:s25+$0x8010] =	vst v0  }
.Ltmp0:
0x15: {  	[tilespmem:s25+$0x8020] =	vst v0;
	(pc) =	sbr.rel @p0 .LBB2_2-.Ltmp0, $4  }
0x16: {  	[tilespmem:s25+$0x8030] =	vst v0  }
0x17: {  	[tilespmem:s25+$0x8040] =	vst v0  }
0x18: {  	[tilespmem:s25+$0x8050] =	vst v0  }
0x19: {  	[tilespmem:s25+$0x8060] =	vst v0;
	s25 =	sshra.s32 s26, $0x2;
	s26 =	sadd.s32 $0x200, s26  }
0x1a: {  	[tilespmem:s25+$0x8070] =	vst v0  }
0x1b: {  	[tilespmem:s25+$0x8000] =	vst v0  }
0x1c: {  	[tilespmem:s25+$0x8010] =	vst v0  }
0x1d: {  	[tilespmem:s25+$0x8020] =	vst v0  }
0x1e: {  	[tilespmem:s25+$0x8030] =	vst v0  }
0x1f: {  	[tilespmem:s25+$0x8040] =	vst v0  }
0x20: {  	[tilespmem:s25+$0x8050] =	vst v0  }
0x21: {  	[tilespmem:s25+$0x8060] =	vst v0;
	s25 =	simm.s32 $0x0  }
0x22: {  	[tilespmem:s25], [sflag:$0x1] =	stream.linear.gather [hbm4b:s5+s25], $0x2000, $0x38;
	[tilespmem:$0x18000] =	vst v63  }
0x23: {  	_ = 	snop  }
0x24: {  	[tilespmem:s13], [sflag:$0x3] =	stream.linear.gather [hbm4b:s6+s25], $0x2000, $0x38;
	[tilespmem:$0x18000] =	vst v63  }
0x25: {  	_ = 	snop  }
0x26: {  	[tilespmem:s14], [sflag:$0x2] =	stream.linear.gather [hbm4b:s7+s25], $0x2000, $0x38;
	[tilespmem:$0x18000] =	vst v63  }
0x27: {  	_ = 	snop  }
0x28: {  	[tilespmem:s15], [sflag:$0x4] =	stream.linear.gather [hbm4b:s8+s25], $0x2000, $0x38;
	[tilespmem:$0x18000] =	vst v63  }
.LBB2_4:
0x29: {  	_ =	swait.ge [sflag:s16], $0x2000  }
0x2a: {  	[sflag:s16] =	ssyncset.done $0x0  }
0x2b: {  	[sflag:s16] =	ssyncadd.s32 $0xFFFFE000  }
0x2c: {  	_ =	swait.ge [sflag:s17], $0x2000  }
0x2d: {  	[sflag:s17] =	ssyncset.done $0x0  }
0x2e: {  	s28 =	simm.s32 $0x40;
	[sflag:s17] =	ssyncadd.s32 $0xFFFFE000  }
0x2f: {  	v5 =	vld [tilespmem:s28+$0xFFFFFFC0]  }
0x30: {  	v6 =	vld [tilespmem:s28+$0xFFFFFFD0]  }
0x31: {  	s26 =	simm.s32 $0x4040;
	v7 =	vld [tilespmem:s28+$0xFFFFFFE0]  }
0x32: {  	v8 =	vld [tilespmem:s26+$0xFFFFFFC0]  }
0x33: {  	v9 =	vld [tilespmem:s28+$0xFFFFFFF0]  }
0x34: {  	v11 =	vld [tilespmem:s28+$0x0]  }
0x35: {  	v14 =	vld [tilespmem:s28+$0x10]  }
0x36: {  	v16 =	vld [tilespmem:s28+$0x20]  }
0x37: {  	v25 =	vld [tilespmem:s26+$0xFFFFFFE0]  }
0x38: {  	v26 =	vld [tilespmem:s26+$0x0]  }
0x39: {  	v28 =	vld [tilespmem:s26+$0x10];
	v10 =	vshra.s32 v5, $0x1F  }
0x3a: {  	v29 =	vld [tilespmem:s26+$0x20];
	v12 =	vshra.s32 v6, $0x1F;
	v13 =	vsub.f32 $1.000000000e+00, v6;
	v15 =	vshra.s32 v7, $0x1F  }
0x3b: {  	vm0 =	vne.s32 v8, $0x0;
	vm1 =	vle.f32 v5, $1.000000000e+00;
	v18 =	vshra.s32 v11, $0x1F  }
0x3c: {  	v19 =	vshra.s32 v14, $0x1F;
	v20 =	vsub.f32 $1.000000000e+00, v5;
	v27 =	vsub.f32 $1.000000000e+00, v7  }
0x3d: {  	v22 =	vshra.s32 v16, $0x1F;
	v30 =	vsub.f32 $1.000000000e+00, v9;
	v31 =	vsub.f32 $1.000000000e+00, v11  }
0x3e: {  	v33 =	vsub.f32 $1.000000000e+00, v14;
	vm3 =	vne.s32 v25, $0x0;
	v25 =	vsub.f32 $1.000000000e+00, v16  }
0x3f: {  	v23 =	vld [tilespmem:s26+$0xFFFFFFD0];
	vm6 =	vne.s32 v26, $0x0;
	vm4 =	vne.s32 v28, $0x0;
	vm2 =	vne.s32 v29, $0x0  }
0x40: {  	vm11 =	vle.f32 v6, $1.000000000e+00;
	vm14 =	vle.f32 v7, $1.000000000e+00;
	vm10 =	vle.f32 v9, $1.000000000e+00  }
0x41: {  	v32 =	vld [tilespmem:s26+$0x30];
	vm13 =	vle.f32 v11, $1.000000000e+00;
	vm9 =	vle.f32 v14, $1.000000000e+00;
	vm8 =	vle.f32 v16, $1.000000000e+00  }
0x42: {  	v10 =	vor.u32 $0x80000000, v10;
	v12 =	vor.u32 $0x80000000, v12;
	v17 =	vsel vm0, $0x0, v3  }
0x43: {  	vm7 =	vmor vm1, vm0;
	v18 =	vor.u32 $0x80000000, v18;
	v19 =	vor.u32 $0x80000000, v19  }
0x44: {  	vm1 =	vne.s32 v23, $0x0;
	v10 =	vxor.u32 v5, v10;
	v5 =	vsel vm0, v5, v20  }
0x45: {  	v20 =	vor.u32 $0x80000000, v22;
	v12 =	vxor.u32 v6, v12;
	v18 =	vxor.u32 v11, v18  }
0x46: {  	v19 =	vxor.u32 v14, v19;
	vm0 =	vne.s32 v32, $0x0;
	v13 =	vsel vm1, v6, v13  }
0x47: {  	v27 =	vsel vm3, v7, v27;
	v31 =	vsel vm6, v11, v31;
	v62 =	vsel vm4, v14, v33  }
0x48: {  	v63 =	vsel vm2, v16, v25;
	v8 =	vshrl.u32 v10, $0x12;
	v10 =	vor.u32 $0x80000000, v15  }
0x49: {  	v5 =	vmul.f32 v5, v5;
	v20 =	vxor.u32 v16, v20;
	v12 =	vshrl.u32 v12, $0x12  }
0x4a: {  	v22 =	vld [tilespmem:s26+$0xFFFFFFF0];
	v18 =	vshrl.u32 v18, $0x12;
	v19 =	vshrl.u32 v19, $0x12;
	v6 =	vmul.f32 v63, v63  }
0x4b: {  	v15 =	vld [tilespmem:s28+$0x30];
	v8 =	vand.u32 $0x3FF0, v8;
	v10 =	vxor.u32 v7, v10;
	v20 =	vshrl.u32 v20, $0x12  }
0x4c: {  	v12 =	vand.u32 $0x3FF0, v12;
	v18 =	vand.u32 $0x3FF0, v18;
	v19 =	vand.u32 $0x3FF0, v19  }
0x4d: {  	v7 =	vmul.f32 v62, v62;
	v8 =	vor.u32 v17, v8;
	v17 =	vshra.s32 v9, $0x1F  }
0x4e: {  	v10 =	vshrl.u32 v10, $0x12;
	v20 =	vand.u32 $0x3FF0, v20;
	v8 =	vor.u32 v1, v8  }
0x4f: {  	v17 =	vor.u32 $0x80000000, v17;
	v10 =	vand.u32 $0x3FF0, v10;
	v21 =	vor.u32 $0x4000, v8  }
0x50: {  	v17 =	vxor.u32 v9, v17;
	vm5 =	vne.s32 v22, $0x0;
	v24 =	vshra.s32 v15, $0x1F  }
0x51: {  	v17 =	vshrl.u32 v17, $0x12;
	v22 =	vsub.f32 $1.000000000e+00, v15;
	v28 =	vsel vm5, $0x0, v3  }
0x52: {  	v30 =	vsel vm5, v9, v30;
	v24 =	vor.u32 $0x80000000, v24;
	v17 =	vand.u32 $0x3FF0, v17  }
0x53: {  	v9 =	vmul.f32 v30, v30;
	v24 =	vxor.u32 v15, v24;
	v29 =	vor.u32 v28, v17  }
0x54: {  	v17 =	vsel vm2, $0x0, v3;
	v34 =	vsel vm0, v15, v22;
	v23 =	vshrl.u32 v24, $0x12  }
0x55: {  	v24 =	vsel vm3, $0x0, v3;
	[tilespmem:v8+s18+$0x0] =	vst.idx.add.f32.msk vm7, v2;
	v8 =	vmul.f32 v31, v31;
	v26 =	vand.u32 $0x3FF0, v23  }
0x56: {  	v23 =	vsel vm1, $0x0, v3;
	v10 =	vor.u32 v24, v10;
	v24 =	vsel vm4, $0x0, v3  }
0x57: {  	[tilespmem:v21+s18+$0x0] =	vst.idx.add.f32.msk vm7, v5;
	vm7 =	vle.f32 v15, $1.000000000e+00;
	v5 =	vmul.f32 v34, v34;
	v12 =	vor.u32 v23, v12  }
0x58: {  	v23 =	vsel vm6, $0x0, v3;
	v24 =	vor.u32 v24, v19;
	v19 =	vor.u32 v17, v20  }
0x59: {  	v17 =	vmul.f32 v13, v13;
	v13 =	vmul.f32 v27, v27;
	v27 =	vor.u32 v1, v10  }
0x5a: {  	v22 =	vor.u32 v4, v10;
	v23 =	vor.u32 v23, v18;
	v18 =	vsel vm0, $0x0, v3  }
0x5b: {  	s29 =	simm.s32 $0xC0;
	s28 =	simm.s32 $0x0;
	v25 =	vor.u32 v1, v12;
	v28 =	vor.u32 v18, v26;
	v26 =	vor.u32 v4, v12  }
.LBB2_5:
0x5c: {  	v30 =	vld [tilespmem:s29+$0xFFFFFFC0];
	s28 =	sadd.s32 $0x8, s28;
	v31 =	vor.u32 v1, v29;
	v29 =	vor.u32 v4, v29;
	v32 =	vor.u32 v1, v23  }
0x5d: {  	v33 =	vor.u32 v4, v23;
	v34 =	vor.u32 v1, v24;
	v24 =	vor.u32 v4, v24;
	v10 =	vld [tilespmem:s29+$0xFFFFFFD0];
	p0 =	slt.u32 s28, $0x1F8  }
0x5e: {  	v23 =	vor.u32 v1, v19;
	v19 =	vor.u32 v4, v19;
	v12 =	vor.u32 v1, v28;
	s26 =	sadd.s32 $0x80, s26;
	v11 =	vld [tilespmem:s29+$0xFFFFFFE0]  }
0x5f: {  	vm12 =	vmor vm11, vm1;
	vm1 =	vmor vm14, vm3;
	v14 =	vor.u32 v4, v28;
	v21 =	vld [tilespmem:s26+$0xFFFFFFC0]  }
0x60: {  	vm11 =	vmor vm10, vm5;
	vm10 =	vmor vm13, vm6;
	vm9 =	vmor vm9, vm4;
	v15 =	vld [tilespmem:s29+$0xFFFFFFF0]  }
0x61: {  	vm8 =	vmor vm8, vm2;
	vm7 =	vmor vm7, vm0;
	v18 =	vshra.s32 v30, $0x1F;
	v16 =	vld [tilespmem:s29+$0x0]  }
0x62: {  	v20 =	vor.u32 $0x80000000, v18;
	v28 =	vshra.s32 v10, $0x1F;
	v35 =	vsub.f32 $1.000000000e+00, v10;
	v18 =	vld [tilespmem:s29+$0x10]  }
0x63: {  	v36 =	vxor.u32 v30, v20;
	v28 =	vor.u32 $0x80000000, v28;
	v37 =	vshra.s32 v11, $0x1F;
	v20 =	vld [tilespmem:s29+$0x20]  }
0x64: {  	vm2 =	vne.s32 v21, $0x0;
	v36 =	vshrl.u32 v36, $0x12;
	v37 =	vor.u32 $0x80000000, v37;
	v21 =	vld [tilespmem:s29+$0x30]  }
0x65: {  	vm0 =	vle.f32 v30, $1.000000000e+00;
	v36 =	vand.u32 $0x3FF0, v36;
	v38 =	vsel vm2, $0x0, v3;
	v39 =	vld [tilespmem:s26+$0xFFFFFFD0]  }
0x66: {  	vm0 =	vmor vm0, vm2;
	v40 =	vshra.s32 v15, $0x1F;
	v36 =	vor.u32 v38, v36;
	v38 =	vld [tilespmem:s26+$0xFFFFFFE0]  }
0x67: {  	v42 =	vshra.s32 v16, $0x1F;
	v36 =	vor.u32 v1, v36;
	v41 =	vld [tilespmem:s26+$0xFFFFFFF0];
	v43 =	vshra.s32 v18, $0x1F  }
0x68: {  	v44 =	vsub.f32 $1.000000000e+00, v30;
	v45 =	vor.u32 $0x4000, v36;
	v46 =	vld [tilespmem:s26+$0x0];
	v47 =	vshra.s32 v20, $0x1F  }
0x69: {  	v40 =	vor.u32 $0x80000000, v40;
	v42 =	vor.u32 $0x80000000, v42;
	v48 =	vld [tilespmem:s26+$0x10];
	v49 =	vshra.s32 v21, $0x1F  }
0x6a: {  	v30 =	vsel vm2, v30, v44;
	v43 =	vor.u32 $0x80000000, v43;
	v47 =	vor.u32 $0x80000000, v47;
	v44 =	vld [tilespmem:s26+$0x20]  }
0x6b: {  	v28 =	vxor.u32 v10, v28;
	v30 =	vmul.f32 v30, v30;
	v49 =	vor.u32 $0x80000000, v49;
	v50 =	vld [tilespmem:s26+$0x30]  }
0x6c: {  	v40 =	vxor.u32 v15, v40;
	[tilespmem:v36+s18+$0x0] =	vst.idx.add.f32.msk vm0, v2;
	v36 =	vxor.u32 v11, v37;
	v37 =	vsub.f32 $1.000000000e+00, v11  }
0x6d: {  	v42 =	vxor.u32 v16, v42;
	v43 =	vxor.u32 v18, v43;
	[tilespmem:v45+s18+$0x0] =	vst.idx.add.f32.msk vm0, v30;
	v30 =	vsub.f32 $1.000000000e+00, v15  }
0x6e: {  	v47 =	vxor.u32 v20, v47;
	v49 =	vxor.u32 v21, v49;
	v45 =	vsub.f32 $1.000000000e+00, v16;
	[tilespmem:v25+s18+$0x0] =	vst.idx.add.f32.msk vm12, v2  }
0x6f: {  	v51 =	vsub.f32 $1.000000000e+00, v20;
	v25 =	vshrl.u32 v28, $0x12;
	v28 =	vsub.f32 $1.000000000e+00, v18;
	[tilespmem:v26+s18+$0x0] =	vst.idx.add.f32.msk vm12, v17  }
0x70: {  	v17 =	vshrl.u32 v36, $0x12;
	v26 =	vshrl.u32 v40, $0x12;
	v36 =	vsub.f32 $1.000000000e+00, v21;
	[tilespmem:v27+s18+$0x0] =	vst.idx.add.f32.msk vm1, v2  }
0x71: {  	v40 =	vshrl.u32 v43, $0x12;
	v27 =	vshrl.u32 v42, $0x12;
	v42 =	vshrl.u32 v47, $0x12;
	[tilespmem:v22+s18+$0x0] =	vst.idx.add.f32.msk vm1, v13  }
0x72: {  	vm3 =	vne.s32 v38, $0x0;
	vm1 =	vne.s32 v39, $0x0;
	v13 =	vshrl.u32 v49, $0x12;
	[tilespmem:v31+s18+$0x0] =	vst.idx.add.f32.msk vm11, v2  }
0x73: {  	vm5 =	vne.s32 v41, $0x0;
	vm6 =	vne.s32 v46, $0x0;
	vm4 =	vne.s32 v48, $0x0;
	[tilespmem:v29+s18+$0x0] =	vst.idx.add.f32.msk vm11, v9  }
0x74: {  	vm2 =	vne.s32 v44, $0x0;
	vm0 =	vne.s32 v50, $0x0;
	v9 =	vand.u32 $0x3FF0, v25;
	[tilespmem:v32+s18+$0x0] =	vst.idx.add.f32.msk vm10, v2  }
0x75: {  	v17 =	vand.u32 $0x3FF0, v17;
	v22 =	vand.u32 $0x3FF0, v26;
	v25 =	vand.u32 $0x3FF0, v27;
	[tilespmem:v33+s18+$0x0] =	vst.idx.add.f32.msk vm10, v8  }
0x76: {  	v26 =	vand.u32 $0x3FF0, v42;
	v13 =	vand.u32 $0x3FF0, v13;
	v8 =	vand.u32 $0x3FF0, v40;
	[tilespmem:v34+s18+$0x0] =	vst.idx.add.f32.msk vm9, v2  }
0x77: {  	v31 =	vsel vm5, $0x0, v3;
	v27 =	vsel vm1, $0x0, v3;
	v29 =	vsel vm3, $0x0, v3;
	[tilespmem:v24+s18+$0x0] =	vst.idx.add.f32.msk vm9, v7  }
0x78: {  	v32 =	vsel vm2, $0x0, v3;
	v7 =	vsel vm6, $0x0, v3;
	v24 =	vsel vm4, $0x0, v3;
	[tilespmem:v23+s18+$0x0] =	vst.idx.add.f32.msk vm8, v2  }
0x79: {  	v33 =	vsel vm1, v10, v35;
	v35 =	vsel vm0, $0x0, v3;
	v34 =	vsel vm3, v11, v37;
	[tilespmem:v19+s18+$0x0] =	vst.idx.add.f32.msk vm8, v6  }
0x7a: {  	v37 =	vsel vm4, v18, v28;
	v6 =	vsel vm5, v15, v30;
	v30 =	vsel vm6, v16, v45  }
0x7b: {  	v38 =	vsel vm2, v20, v51;
	v36 =	vsel vm0, v21, v36;
	v27 =	vor.u32 v27, v9  }
0x7c: {  	v39 =	vor.u32 v29, v17;
	v29 =	vor.u32 v31, v22;
	v23 =	vor.u32 v7, v25  }
0x7d: {  	v28 =	vor.u32 v35, v13;
	v24 =	vor.u32 v24, v8;
	v19 =	vor.u32 v32, v26  }
0x7e: {  	vm14 =	vle.f32 v11, $1.000000000e+00;
	vm11 =	vle.f32 v10, $1.000000000e+00;
	vm10 =	vle.f32 v15, $1.000000000e+00;
	[tilespmem:v12+s18+$0x0] =	vst.idx.add.f32.msk vm7, v2  }
.Ltmp1:
0x7f: {  	vm13 =	vle.f32 v16, $1.000000000e+00;
	vm9 =	vle.f32 v18, $1.000000000e+00;
	vm8 =	vle.f32 v20, $1.000000000e+00;
	[tilespmem:v14+s18+$0x0] =	vst.idx.add.f32.msk vm7, v5;
	(pc) =	sbr.rel @p0 .LBB2_5-.Ltmp1, $4  }
0x80: {  	v17 =	vmul.f32 v33, v33;
	v13 =	vmul.f32 v34, v34;
	vm7 =	vle.f32 v21, $1.000000000e+00  }
0x81: {  	v25 =	vor.u32 v1, v27;
	v9 =	vmul.f32 v6, v6;
	v8 =	vmul.f32 v30, v30  }
0x82: {  	v7 =	vmul.f32 v37, v37;
	v26 =	vor.u32 v4, v27;
	v6 =	vmul.f32 v38, v38  }
0x83: {  	s29 =	sadd.s32 $0x80, s29;
	v22 =	vor.u32 v4, v39;
	v27 =	vor.u32 v1, v39;
	v5 =	vmul.f32 v36, v36  }
0x84: {  	vm1 =	vmor vm11, vm1  }
0x85: {  	vm3 =	vmor vm14, vm3  }
0x86: {  	vm5 =	vmor vm10, vm5  }
0x87: {  	v10 =	vor.u32 v1, v29;
	vm6 =	vmor vm13, vm6  }
0x88: {  	v12 =	vor.u32 v1, v23  }
0x89: {  	v11 =	vor.u32 v4, v29  }
0x8a: {  	[tilespmem:v25+s18+$0x0] =	vst.idx.add.f32.msk vm1, v2  }
0x8b: {  	[tilespmem:v27+s18+$0x0] =	vst.idx.add.f32.msk vm3, v2  }
0x8c: {  	v14 =	vor.u32 v4, v23;
	vm2 =	vmor vm8, vm2;
	[tilespmem:v10+s18+$0x0] =	vst.idx.add.f32.msk vm5, v2  }
0x8d: {  	v10 =	vor.u32 v1, v19;
	[tilespmem:v12+s18+$0x0] =	vst.idx.add.f32.msk vm6, v2  }
0x8e: {  	vm0 =	vmor vm7, vm0;
	[tilespmem:v11+s18+$0x0] =	vst.idx.add.f32.msk vm5, v9;
	v9 =	vor.u32 v4, v19  }
0x8f: {  	[tilespmem:v26+s18+$0x0] =	vst.idx.add.f32.msk vm1, v17;
	vm1 =	vmor vm9, vm4;
	v11 =	vor.u32 v1, v28  }
0x90: {  	v15 =	vor.u32 v1, v24;
	[tilespmem:v22+s18+$0x0] =	vst.idx.add.f32.msk vm3, v13  }
0x91: {  	[tilespmem:v14+s18+$0x0] =	vst.idx.add.f32.msk vm6, v8;
	v8 =	vor.u32 v4, v28  }
0x92: {  	v13 =	vor.u32 v4, v24;
	[tilespmem:v10+s18+$0x0] =	vst.idx.add.f32.msk vm2, v2  }
0x93: {  	[tilespmem:v9+s18+$0x0] =	vst.idx.add.f32.msk vm2, v6  }
0x94: {  	s26 =	sshll.u32 s25, $0xE;
	[tilespmem:v11+s18+$0x0] =	vst.idx.add.f32.msk vm0, v2  }
0x95: {  	s28 =	sadd.s32 s26, s9;
	[tilespmem:v15+s18+$0x0] =	vst.idx.add.f32.msk vm1, v2  }
0x96: {  	s28 =	sshrl.u32 s28, $0x3;
	[tilespmem:v8+s18+$0x0] =	vst.idx.add.f32.msk vm0, v5  }
0x97: {  	s29 =	sadd.s32 s2, s28;
	[tilespmem:v13+s18+$0x0] =	vst.idx.add.f32.msk vm1, v7  }
0x98: {  	[tilespmem:s4], [sflag:$0x1] =	stream.linear.gather [hbm4b:s29+s4], $0x2000, $0x38;
	[tilespmem:$0x18000] =	vst v63  }
0x99: {  	s28 =	sadd.s32 s3, s28  }
0x9a: {  	[tilespmem:s13], [sflag:$0x3] =	stream.linear.gather [hbm4b:s28+s4], $0x2000, $0x38;
	[tilespmem:$0x18000] =	vst v63  }
0x9b: {  	_ =	swait.ge [sflag:s19], $0x2000  }
0x9c: {  	[sflag:s19] =	ssyncset.done $0x0  }
0x9d: {  	[sflag:s19] =	ssyncadd.s32 $0xFFFFE000  }
0x9e: {  	_ =	swait.ge [sflag:s20], $0x2000  }
0x9f: {  	[sflag:s20] =	ssyncset.done $0x0  }
0xa0: {  	s29 =	simm.s32 $0x2040;
	[sflag:s20] =	ssyncadd.s32 $0xFFFFE000  }
0xa1: {  	v5 =	vld [tilespmem:s29+$0xFFFFFFC0]  }
0xa2: {  	v6 =	vld [tilespmem:s29+$0xFFFFFFD0]  }
0xa3: {  	s28 =	simm.s32 $0x6040;
	v7 =	vld [tilespmem:s29+$0xFFFFFFE0]  }
0xa4: {  	v8 =	vld [tilespmem:s28+$0xFFFFFFC0]  }
0xa5: {  	v9 =	vld [tilespmem:s29+$0xFFFFFFF0]  }
0xa6: {  	v11 =	vld [tilespmem:s29+$0x0]  }
0xa7: {  	v14 =	vld [tilespmem:s29+$0x10]  }
0xa8: {  	v16 =	vld [tilespmem:s29+$0x20]  }
0xa9: {  	v25 =	vld [tilespmem:s28+$0xFFFFFFE0]  }
0xaa: {  	v26 =	vld [tilespmem:s28+$0x0]  }
0xab: {  	v28 =	vld [tilespmem:s28+$0x10];
	v10 =	vshra.s32 v5, $0x1F  }
0xac: {  	v29 =	vld [tilespmem:s28+$0x20];
	v12 =	vshra.s32 v6, $0x1F;
	v13 =	vsub.f32 $1.000000000e+00, v6;
	v15 =	vshra.s32 v7, $0x1F  }
0xad: {  	vm0 =	vne.s32 v8, $0x0;
	vm1 =	vle.f32 v5, $1.000000000e+00;
	v18 =	vshra.s32 v11, $0x1F  }
0xae: {  	v19 =	vshra.s32 v14, $0x1F;
	v20 =	vsub.f32 $1.000000000e+00, v5;
	v27 =	vsub.f32 $1.000000000e+00, v7  }
0xaf: {  	v22 =	vshra.s32 v16, $0x1F;
	v30 =	vsub.f32 $1.000000000e+00, v9;
	v31 =	vsub.f32 $1.000000000e+00, v11  }
0xb0: {  	v33 =	vsub.f32 $1.000000000e+00, v14;
	vm3 =	vne.s32 v25, $0x0;
	v25 =	vsub.f32 $1.000000000e+00, v16  }
0xb1: {  	v23 =	vld [tilespmem:s28+$0xFFFFFFD0];
	vm6 =	vne.s32 v26, $0x0;
	vm4 =	vne.s32 v28, $0x0;
	vm2 =	vne.s32 v29, $0x0  }
0xb2: {  	vm11 =	vle.f32 v6, $1.000000000e+00;
	vm14 =	vle.f32 v7, $1.000000000e+00;
	vm10 =	vle.f32 v9, $1.000000000e+00  }
0xb3: {  	v32 =	vld [tilespmem:s28+$0x30];
	vm13 =	vle.f32 v11, $1.000000000e+00;
	vm9 =	vle.f32 v14, $1.000000000e+00;
	vm8 =	vle.f32 v16, $1.000000000e+00  }
0xb4: {  	v10 =	vor.u32 $0x80000000, v10;
	v12 =	vor.u32 $0x80000000, v12;
	v17 =	vsel vm0, $0x0, v3  }
0xb5: {  	vm7 =	vmor vm1, vm0;
	v18 =	vor.u32 $0x80000000, v18;
	v19 =	vor.u32 $0x80000000, v19  }
0xb6: {  	vm1 =	vne.s32 v23, $0x0;
	v10 =	vxor.u32 v5, v10;
	v5 =	vsel vm0, v5, v20  }
0xb7: {  	v20 =	vor.u32 $0x80000000, v22;
	v12 =	vxor.u32 v6, v12;
	v18 =	vxor.u32 v11, v18  }
0xb8: {  	v19 =	vxor.u32 v14, v19;
	vm0 =	vne.s32 v32, $0x0;
	v13 =	vsel vm1, v6, v13  }
0xb9: {  	v27 =	vsel vm3, v7, v27;
	v31 =	vsel vm6, v11, v31;
	v62 =	vsel vm4, v14, v33  }
0xba: {  	v63 =	vsel vm2, v16, v25;
	v8 =	vshrl.u32 v10, $0x12;
	v10 =	vor.u32 $0x80000000, v15  }
0xbb: {  	v5 =	vmul.f32 v5, v5;
	v20 =	vxor.u32 v16, v20;
	v12 =	vshrl.u32 v12, $0x12  }
0xbc: {  	v22 =	vld [tilespmem:s28+$0xFFFFFFF0];
	v18 =	vshrl.u32 v18, $0x12;
	v19 =	vshrl.u32 v19, $0x12;
	v6 =	vmul.f32 v63, v63  }
0xbd: {  	v15 =	vld [tilespmem:s29+$0x30];
	v8 =	vand.u32 $0x3FF0, v8;
	v10 =	vxor.u32 v7, v10;
	v20 =	vshrl.u32 v20, $0x12  }
0xbe: {  	v12 =	vand.u32 $0x3FF0, v12;
	v18 =	vand.u32 $0x3FF0, v18;
	v19 =	vand.u32 $0x3FF0, v19  }
0xbf: {  	v7 =	vmul.f32 v62, v62;
	v8 =	vor.u32 v17, v8;
	v17 =	vshra.s32 v9, $0x1F  }
0xc0: {  	v10 =	vshrl.u32 v10, $0x12;
	v20 =	vand.u32 $0x3FF0, v20;
	v8 =	vor.u32 v1, v8  }
0xc1: {  	v17 =	vor.u32 $0x80000000, v17;
	v10 =	vand.u32 $0x3FF0, v10;
	v21 =	vor.u32 $0x4000, v8  }
0xc2: {  	v17 =	vxor.u32 v9, v17;
	vm5 =	vne.s32 v22, $0x0;
	v24 =	vshra.s32 v15, $0x1F  }
0xc3: {  	v17 =	vshrl.u32 v17, $0x12;
	v22 =	vsub.f32 $1.000000000e+00, v15;
	v28 =	vsel vm5, $0x0, v3  }
0xc4: {  	v30 =	vsel vm5, v9, v30;
	v24 =	vor.u32 $0x80000000, v24;
	v17 =	vand.u32 $0x3FF0, v17  }
0xc5: {  	v9 =	vmul.f32 v30, v30;
	v24 =	vxor.u32 v15, v24;
	v29 =	vor.u32 v28, v17  }
0xc6: {  	v17 =	vsel vm2, $0x0, v3;
	v34 =	vsel vm0, v15, v22;
	v23 =	vshrl.u32 v24, $0x12  }
0xc7: {  	v24 =	vsel vm3, $0x0, v3;
	[tilespmem:v8+s18+$0x0] =	vst.idx.add.f32.msk vm7, v2;
	v8 =	vmul.f32 v31, v31;
	v26 =	vand.u32 $0x3FF0, v23  }
0xc8: {  	v23 =	vsel vm1, $0x0, v3;
	v10 =	vor.u32 v24, v10;
	v24 =	vsel vm4, $0x0, v3  }
0xc9: {  	[tilespmem:v21+s18+$0x0] =	vst.idx.add.f32.msk vm7, v5;
	vm7 =	vle.f32 v15, $1.000000000e+00;
	v5 =	vmul.f32 v34, v34;
	v12 =	vor.u32 v23, v12  }
0xca: {  	v23 =	vsel vm6, $0x0, v3;
	v24 =	vor.u32 v24, v19;
	v19 =	vor.u32 v17, v20  }
0xcb: {  	v17 =	vmul.f32 v13, v13;
	v13 =	vmul.f32 v27, v27;
	v27 =	vor.u32 v1, v10  }
0xcc: {  	v22 =	vor.u32 v4, v10;
	v23 =	vor.u32 v23, v18;
	v18 =	vsel vm0, $0x0, v3  }
0xcd: {  	s30 =	simm.s32 $0x20C0;
	s29 =	simm.s32 $0x0;
	v25 =	vor.u32 v1, v12;
	v28 =	vor.u32 v18, v26;
	v26 =	vor.u32 v4, v12  }
.LBB2_7:
0xce: {  	v30 =	vld [tilespmem:s30+$0xFFFFFFC0];
	s29 =	sadd.s32 $0x8, s29;
	v31 =	vor.u32 v1, v29;
	v29 =	vor.u32 v4, v29;
	v32 =	vor.u32 v1, v23  }
0xcf: {  	v33 =	vor.u32 v4, v23;
	v34 =	vor.u32 v1, v24;
	v24 =	vor.u32 v4, v24;
	v10 =	vld [tilespmem:s30+$0xFFFFFFD0];
	p0 =	slt.u32 s29, $0x1F8  }
0xd0: {  	v23 =	vor.u32 v1, v19;
	v19 =	vor.u32 v4, v19;
	v12 =	vor.u32 v1, v28;
	s28 =	sadd.s32 $0x80, s28;
	v11 =	vld [tilespmem:s30+$0xFFFFFFE0]  }
0xd1: {  	vm12 =	vmor vm11, vm1;
	vm1 =	vmor vm14, vm3;
	v14 =	vor.u32 v4, v28;
	v21 =	vld [tilespmem:s28+$0xFFFFFFC0]  }
0xd2: {  	vm11 =	vmor vm10, vm5;
	vm10 =	vmor vm13, vm6;
	vm9 =	vmor vm9, vm4;
	v15 =	vld [tilespmem:s30+$0xFFFFFFF0]  }
0xd3: {  	vm8 =	vmor vm8, vm2;
	vm7 =	vmor vm7, vm0;
	v18 =	vshra.s32 v30, $0x1F;
	v16 =	vld [tilespmem:s30+$0x0]  }
0xd4: {  	v20 =	vor.u32 $0x80000000, v18;
	v28 =	vshra.s32 v10, $0x1F;
	v35 =	vsub.f32 $1.000000000e+00, v10;
	v18 =	vld [tilespmem:s30+$0x10]  }
0xd5: {  	v36 =	vxor.u32 v30, v20;
	v28 =	vor.u32 $0x80000000, v28;
	v37 =	vshra.s32 v11, $0x1F;
	v20 =	vld [tilespmem:s30+$0x20]  }
0xd6: {  	vm2 =	vne.s32 v21, $0x0;
	v36 =	vshrl.u32 v36, $0x12;
	v37 =	vor.u32 $0x80000000, v37;
	v21 =	vld [tilespmem:s30+$0x30]  }
0xd7: {  	vm0 =	vle.f32 v30, $1.000000000e+00;
	v36 =	vand.u32 $0x3FF0, v36;
	v38 =	vsel vm2, $0x0, v3;
	v39 =	vld [tilespmem:s28+$0xFFFFFFD0]  }
0xd8: {  	vm0 =	vmor vm0, vm2;
	v40 =	vshra.s32 v15, $0x1F;
	v36 =	vor.u32 v38, v36;
	v38 =	vld [tilespmem:s28+$0xFFFFFFE0]  }
0xd9: {  	v42 =	vshra.s32 v16, $0x1F;
	v36 =	vor.u32 v1, v36;
	v41 =	vld [tilespmem:s28+$0xFFFFFFF0];
	v43 =	vshra.s32 v18, $0x1F  }
0xda: {  	v44 =	vsub.f32 $1.000000000e+00, v30;
	v45 =	vor.u32 $0x4000, v36;
	v46 =	vld [tilespmem:s28+$0x0];
	v47 =	vshra.s32 v20, $0x1F  }
0xdb: {  	v40 =	vor.u32 $0x80000000, v40;
	v42 =	vor.u32 $0x80000000, v42;
	v48 =	vld [tilespmem:s28+$0x10];
	v49 =	vshra.s32 v21, $0x1F  }
0xdc: {  	v30 =	vsel vm2, v30, v44;
	v43 =	vor.u32 $0x80000000, v43;
	v47 =	vor.u32 $0x80000000, v47;
	v44 =	vld [tilespmem:s28+$0x20]  }
0xdd: {  	v28 =	vxor.u32 v10, v28;
	v30 =	vmul.f32 v30, v30;
	v49 =	vor.u32 $0x80000000, v49;
	v50 =	vld [tilespmem:s28+$0x30]  }
0xde: {  	v40 =	vxor.u32 v15, v40;
	[tilespmem:v36+s18+$0x0] =	vst.idx.add.f32.msk vm0, v2;
	v36 =	vxor.u32 v11, v37;
	v37 =	vsub.f32 $1.000000000e+00, v11  }
0xdf: {  	v42 =	vxor.u32 v16, v42;
	v43 =	vxor.u32 v18, v43;
	[tilespmem:v45+s18+$0x0] =	vst.idx.add.f32.msk vm0, v30;
	v30 =	vsub.f32 $1.000000000e+00, v15  }
0xe0: {  	v47 =	vxor.u32 v20, v47;
	v49 =	vxor.u32 v21, v49;
	v45 =	vsub.f32 $1.000000000e+00, v16;
	[tilespmem:v25+s18+$0x0] =	vst.idx.add.f32.msk vm12, v2  }
0xe1: {  	v51 =	vsub.f32 $1.000000000e+00, v20;
	v25 =	vshrl.u32 v28, $0x12;
	v28 =	vsub.f32 $1.000000000e+00, v18;
	[tilespmem:v26+s18+$0x0] =	vst.idx.add.f32.msk vm12, v17  }
0xe2: {  	v17 =	vshrl.u32 v36, $0x12;
	v26 =	vshrl.u32 v40, $0x12;
	v36 =	vsub.f32 $1.000000000e+00, v21;
	[tilespmem:v27+s18+$0x0] =	vst.idx.add.f32.msk vm1, v2  }
0xe3: {  	v40 =	vshrl.u32 v43, $0x12;
	v27 =	vshrl.u32 v42, $0x12;
	v42 =	vshrl.u32 v47, $0x12;
	[tilespmem:v22+s18+$0x0] =	vst.idx.add.f32.msk vm1, v13  }
0xe4: {  	vm3 =	vne.s32 v38, $0x0;
	vm1 =	vne.s32 v39, $0x0;
	v13 =	vshrl.u32 v49, $0x12;
	[tilespmem:v31+s18+$0x0] =	vst.idx.add.f32.msk vm11, v2  }
0xe5: {  	vm5 =	vne.s32 v41, $0x0;
	vm6 =	vne.s32 v46, $0x0;
	vm4 =	vne.s32 v48, $0x0;
	[tilespmem:v29+s18+$0x0] =	vst.idx.add.f32.msk vm11, v9  }
0xe6: {  	vm2 =	vne.s32 v44, $0x0;
	vm0 =	vne.s32 v50, $0x0;
	v9 =	vand.u32 $0x3FF0, v25;
	[tilespmem:v32+s18+$0x0] =	vst.idx.add.f32.msk vm10, v2  }
0xe7: {  	v17 =	vand.u32 $0x3FF0, v17;
	v22 =	vand.u32 $0x3FF0, v26;
	v25 =	vand.u32 $0x3FF0, v27;
	[tilespmem:v33+s18+$0x0] =	vst.idx.add.f32.msk vm10, v8  }
0xe8: {  	v26 =	vand.u32 $0x3FF0, v42;
	v13 =	vand.u32 $0x3FF0, v13;
	v8 =	vand.u32 $0x3FF0, v40;
	[tilespmem:v34+s18+$0x0] =	vst.idx.add.f32.msk vm9, v2  }
0xe9: {  	v31 =	vsel vm5, $0x0, v3;
	v27 =	vsel vm1, $0x0, v3;
	v29 =	vsel vm3, $0x0, v3;
	[tilespmem:v24+s18+$0x0] =	vst.idx.add.f32.msk vm9, v7  }
0xea: {  	v32 =	vsel vm2, $0x0, v3;
	v7 =	vsel vm6, $0x0, v3;
	v24 =	vsel vm4, $0x0, v3;
	[tilespmem:v23+s18+$0x0] =	vst.idx.add.f32.msk vm8, v2  }
0xeb: {  	v33 =	vsel vm1, v10, v35;
	v35 =	vsel vm0, $0x0, v3;
	v34 =	vsel vm3, v11, v37;
	[tilespmem:v19+s18+$0x0] =	vst.idx.add.f32.msk vm8, v6  }
0xec: {  	v37 =	vsel vm4, v18, v28;
	v6 =	vsel vm5, v15, v30;
	v30 =	vsel vm6, v16, v45  }
0xed: {  	v38 =	vsel vm2, v20, v51;
	v36 =	vsel vm0, v21, v36;
	v27 =	vor.u32 v27, v9  }
0xee: {  	v39 =	vor.u32 v29, v17;
	v29 =	vor.u32 v31, v22;
	v23 =	vor.u32 v7, v25  }
0xef: {  	v28 =	vor.u32 v35, v13;
	v24 =	vor.u32 v24, v8;
	v19 =	vor.u32 v32, v26  }
0xf0: {  	vm14 =	vle.f32 v11, $1.000000000e+00;
	vm11 =	vle.f32 v10, $1.000000000e+00;
	vm10 =	vle.f32 v15, $1.000000000e+00;
	[tilespmem:v12+s18+$0x0] =	vst.idx.add.f32.msk vm7, v2  }
.Ltmp2:
0xf1: {  	vm13 =	vle.f32 v16, $1.000000000e+00;
	vm9 =	vle.f32 v18, $1.000000000e+00;
	vm8 =	vle.f32 v20, $1.000000000e+00;
	[tilespmem:v14+s18+$0x0] =	vst.idx.add.f32.msk vm7, v5;
	(pc) =	sbr.rel @p0 .LBB2_7-.Ltmp2, $4  }
0xf2: {  	v17 =	vmul.f32 v33, v33;
	v13 =	vmul.f32 v34, v34;
	vm7 =	vle.f32 v21, $1.000000000e+00  }
0xf3: {  	v25 =	vor.u32 v1, v27;
	v9 =	vmul.f32 v6, v6;
	v8 =	vmul.f32 v30, v30  }
0xf4: {  	v7 =	vmul.f32 v37, v37;
	v26 =	vor.u32 v4, v27;
	v6 =	vmul.f32 v38, v38  }
0xf5: {  	s30 =	sadd.s32 $0x80, s30;
	v22 =	vor.u32 v4, v39;
	v27 =	vor.u32 v1, v39;
	v5 =	vmul.f32 v36, v36  }
0xf6: {  	vm1 =	vmor vm11, vm1  }
0xf7: {  	vm3 =	vmor vm14, vm3  }
0xf8: {  	vm5 =	vmor vm10, vm5  }
0xf9: {  	v10 =	vor.u32 v1, v29;
	vm6 =	vmor vm13, vm6  }
0xfa: {  	v12 =	vor.u32 v1, v23;
	vm15 =	vmor vm9, vm4  }
0xfb: {  	v15 =	vor.u32 v1, v24;
	vm2 =	vmor vm8, vm2  }
0xfc: {  	v60 =	vor.u32 v1, v19;
	vm0 =	vmor vm7, vm0;
	[tilespmem:v25+s18+$0x0] =	vst.idx.add.f32.msk vm1, v2  }
0xfd: {  	v62 =	vor.u32 v1, v28;
	[tilespmem:v27+s18+$0x0] =	vst.idx.add.f32.msk vm3, v2  }
0xfe: {  	[tilespmem:v10+s18+$0x0] =	vst.idx.add.f32.msk vm5, v2  }
0xff: {  	[tilespmem:v12+s18+$0x0] =	vst.idx.add.f32.msk vm6, v2  }
0x100: {  	v11 =	vor.u32 v4, v29;
	[tilespmem:v15+s18+$0x0] =	vst.idx.add.f32.msk vm15, v2  }
0x101: {  	v14 =	vor.u32 v4, v23;
	[tilespmem:v60+s18+$0x0] =	vst.idx.add.f32.msk vm2, v2  }
0x102: {  	v59 =	vor.u32 v4, v24;
	[tilespmem:v62+s18+$0x0] =	vst.idx.add.f32.msk vm0, v2  }
0x103: {  	v61 =	vor.u32 v4, v19;
	[tilespmem:v26+s18+$0x0] =	vst.idx.add.f32.msk vm1, v17  }
0x104: {  	v63 =	vor.u32 v4, v28;
	[tilespmem:v22+s18+$0x0] =	vst.idx.add.f32.msk vm3, v13  }
0x105: {  	[tilespmem:v11+s18+$0x0] =	vst.idx.add.f32.msk vm5, v9  }
0x106: {  	s25 =	sadd.s32 $0x1, s25;
	[tilespmem:v14+s18+$0x0] =	vst.idx.add.f32.msk vm6, v8  }
0x107: {  	s26 =	sadd.s32 s26, s10;
	p0 =	sne.s32 s25, $0x17;
	[tilespmem:v59+s18+$0x0] =	vst.idx.add.f32.msk vm15, v7  }
.Ltmp3:
0x108: {  	s26 =	sshrl.u32 s26, $0x3;
	[tilespmem:v61+s18+$0x0] =	vst.idx.add.f32.msk vm2, v6;
	(pc) =	sbr.rel @p0 .LBB2_4-.Ltmp3, $4  }
0x109: {  	s28 =	sadd.s32 s2, s26;
	[tilespmem:v63+s18+$0x0] =	vst.idx.add.f32.msk vm0, v5  }
0x10a: {  	[tilespmem:s14], [sflag:$0x2] =	stream.linear.gather [hbm4b:s28+s4], $0x2000, $0x38;
	[tilespmem:$0x18000] =	vst v63  }
0x10b: {  	s26 =	sadd.s32 s3, s26  }
0x10c: {  	[tilespmem:s15], [sflag:$0x4] =	stream.linear.gather [hbm4b:s26+s4], $0x2000, $0x38;
	[tilespmem:$0x18000] =	vst v63  }
0x10d: {  	_ =	swait.ge [sflag:s16], $0x2000  }
0x10e: {  	[sflag:s16] =	ssyncset.done $0x0  }
0x10f: {  	[sflag:s16] =	ssyncadd.s32 $0xFFFFE000  }
0x110: {  	_ =	swait.ge [sflag:s17], $0x2000  }
0x111: {  	[sflag:s17] =	ssyncset.done $0x0  }
0x112: {  	s26 =	simm.s32 $0x40;
	[sflag:s17] =	ssyncadd.s32 $0xFFFFE000  }
0x113: {  	v5 =	vld [tilespmem:s26+$0xFFFFFFC0]  }
0x114: {  	v6 =	vld [tilespmem:s26+$0xFFFFFFD0]  }
0x115: {  	s25 =	simm.s32 $0x4040;
	v7 =	vld [tilespmem:s26+$0xFFFFFFE0]  }
0x116: {  	v8 =	vld [tilespmem:s25+$0xFFFFFFC0]  }
0x117: {  	v9 =	vld [tilespmem:s26+$0xFFFFFFF0]  }
0x118: {  	v11 =	vld [tilespmem:s26+$0x0]  }
0x119: {  	v14 =	vld [tilespmem:s26+$0x10]  }
0x11a: {  	v16 =	vld [tilespmem:s26+$0x20]  }
0x11b: {  	v25 =	vld [tilespmem:s25+$0xFFFFFFE0]  }
0x11c: {  	v26 =	vld [tilespmem:s25+$0x0]  }
0x11d: {  	v28 =	vld [tilespmem:s25+$0x10];
	v10 =	vshra.s32 v5, $0x1F  }
0x11e: {  	v29 =	vld [tilespmem:s25+$0x20];
	v12 =	vshra.s32 v6, $0x1F;
	v13 =	vsub.f32 $1.000000000e+00, v6;
	v15 =	vshra.s32 v7, $0x1F  }
0x11f: {  	vm0 =	vne.s32 v8, $0x0;
	vm1 =	vle.f32 v5, $1.000000000e+00;
	v18 =	vshra.s32 v11, $0x1F  }
0x120: {  	v19 =	vshra.s32 v14, $0x1F;
	v20 =	vsub.f32 $1.000000000e+00, v5;
	v27 =	vsub.f32 $1.000000000e+00, v7  }
0x121: {  	v22 =	vshra.s32 v16, $0x1F;
	v30 =	vsub.f32 $1.000000000e+00, v9;
	v31 =	vsub.f32 $1.000000000e+00, v11  }
0x122: {  	v33 =	vsub.f32 $1.000000000e+00, v14;
	vm3 =	vne.s32 v25, $0x0;
	v25 =	vsub.f32 $1.000000000e+00, v16  }
0x123: {  	v23 =	vld [tilespmem:s25+$0xFFFFFFD0];
	vm6 =	vne.s32 v26, $0x0;
	vm4 =	vne.s32 v28, $0x0;
	vm2 =	vne.s32 v29, $0x0  }
0x124: {  	vm11 =	vle.f32 v6, $1.000000000e+00;
	vm14 =	vle.f32 v7, $1.000000000e+00;
	vm10 =	vle.f32 v9, $1.000000000e+00  }
0x125: {  	v32 =	vld [tilespmem:s25+$0x30];
	vm13 =	vle.f32 v11, $1.000000000e+00;
	vm9 =	vle.f32 v14, $1.000000000e+00;
	vm8 =	vle.f32 v16, $1.000000000e+00  }
0x126: {  	v10 =	vor.u32 $0x80000000, v10;
	v12 =	vor.u32 $0x80000000, v12;
	v17 =	vsel vm0, $0x0, v3  }
0x127: {  	vm7 =	vmor vm1, vm0;
	v18 =	vor.u32 $0x80000000, v18;
	v19 =	vor.u32 $0x80000000, v19  }
0x128: {  	vm1 =	vne.s32 v23, $0x0;
	v10 =	vxor.u32 v5, v10;
	v5 =	vsel vm0, v5, v20  }
0x129: {  	v20 =	vor.u32 $0x80000000, v22;
	v12 =	vxor.u32 v6, v12;
	v18 =	vxor.u32 v11, v18  }
0x12a: {  	v19 =	vxor.u32 v14, v19;
	vm0 =	vne.s32 v32, $0x0;
	v13 =	vsel vm1, v6, v13  }
0x12b: {  	v27 =	vsel vm3, v7, v27;
	v31 =	vsel vm6, v11, v31;
	v62 =	vsel vm4, v14, v33  }
0x12c: {  	v63 =	vsel vm2, v16, v25;
	v8 =	vshrl.u32 v10, $0x12;
	v10 =	vor.u32 $0x80000000, v15  }
0x12d: {  	v5 =	vmul.f32 v5, v5;
	v20 =	vxor.u32 v16, v20;
	v12 =	vshrl.u32 v12, $0x12  }
0x12e: {  	v22 =	vld [tilespmem:s25+$0xFFFFFFF0];
	v18 =	vshrl.u32 v18, $0x12;
	v19 =	vshrl.u32 v19, $0x12;
	v6 =	vmul.f32 v63, v63  }
0x12f: {  	v15 =	vld [tilespmem:s26+$0x30];
	v8 =	vand.u32 $0x3FF0, v8;
	v10 =	vxor.u32 v7, v10;
	v20 =	vshrl.u32 v20, $0x12  }
0x130: {  	v12 =	vand.u32 $0x3FF0, v12;
	v18 =	vand.u32 $0x3FF0, v18;
	v19 =	vand.u32 $0x3FF0, v19  }
0x131: {  	v7 =	vmul.f32 v62, v62;
	v8 =	vor.u32 v17, v8;
	v17 =	vshra.s32 v9, $0x1F  }
0x132: {  	v10 =	vshrl.u32 v10, $0x12;
	v20 =	vand.u32 $0x3FF0, v20;
	v8 =	vor.u32 v1, v8  }
0x133: {  	v17 =	vor.u32 $0x80000000, v17;
	v10 =	vand.u32 $0x3FF0, v10;
	v21 =	vor.u32 $0x4000, v8  }
0x134: {  	v17 =	vxor.u32 v9, v17;
	vm5 =	vne.s32 v22, $0x0;
	v24 =	vshra.s32 v15, $0x1F  }
0x135: {  	v17 =	vshrl.u32 v17, $0x12;
	v22 =	vsub.f32 $1.000000000e+00, v15;
	v28 =	vsel vm5, $0x0, v3  }
0x136: {  	v30 =	vsel vm5, v9, v30;
	v24 =	vor.u32 $0x80000000, v24;
	v17 =	vand.u32 $0x3FF0, v17  }
0x137: {  	v9 =	vmul.f32 v30, v30;
	v24 =	vxor.u32 v15, v24;
	v29 =	vor.u32 v28, v17  }
0x138: {  	v17 =	vsel vm2, $0x0, v3;
	v34 =	vsel vm0, v15, v22;
	v23 =	vshrl.u32 v24, $0x12  }
0x139: {  	v24 =	vsel vm3, $0x0, v3;
	[tilespmem:v8+s18+$0x0] =	vst.idx.add.f32.msk vm7, v2;
	v8 =	vmul.f32 v31, v31;
	v26 =	vand.u32 $0x3FF0, v23  }
0x13a: {  	v23 =	vsel vm1, $0x0, v3;
	v10 =	vor.u32 v24, v10;
	v24 =	vsel vm4, $0x0, v3  }
0x13b: {  	[tilespmem:v21+s18+$0x0] =	vst.idx.add.f32.msk vm7, v5;
	vm7 =	vle.f32 v15, $1.000000000e+00;
	v5 =	vmul.f32 v34, v34;
	v12 =	vor.u32 v23, v12  }
0x13c: {  	v23 =	vsel vm6, $0x0, v3;
	v24 =	vor.u32 v24, v19;
	v19 =	vor.u32 v17, v20  }
0x13d: {  	v17 =	vmul.f32 v13, v13;
	v13 =	vmul.f32 v27, v27;
	v27 =	vor.u32 v1, v10  }
0x13e: {  	v22 =	vor.u32 v4, v10;
	v23 =	vor.u32 v23, v18;
	v18 =	vsel vm0, $0x0, v3  }
0x13f: {  	s28 =	simm.s32 $0xC0;
	s26 =	simm.s32 $0x0;
	v25 =	vor.u32 v1, v12;
	v28 =	vor.u32 v18, v26;
	v26 =	vor.u32 v4, v12  }
.LBB2_10:
0x140: {  	v30 =	vld [tilespmem:s28+$0xFFFFFFC0];
	s26 =	sadd.s32 $0x8, s26;
	v31 =	vor.u32 v1, v29;
	v29 =	vor.u32 v4, v29;
	v32 =	vor.u32 v1, v23  }
0x141: {  	v33 =	vor.u32 v4, v23;
	v34 =	vor.u32 v1, v24;
	v24 =	vor.u32 v4, v24;
	v10 =	vld [tilespmem:s28+$0xFFFFFFD0];
	p0 =	slt.u32 s26, $0x1F8  }
0x142: {  	v23 =	vor.u32 v1, v19;
	v19 =	vor.u32 v4, v19;
	v12 =	vor.u32 v1, v28;
	s25 =	sadd.s32 $0x80, s25;
	v11 =	vld [tilespmem:s28+$0xFFFFFFE0]  }
0x143: {  	vm12 =	vmor vm11, vm1;
	vm1 =	vmor vm14, vm3;
	v14 =	vor.u32 v4, v28;
	v21 =	vld [tilespmem:s25+$0xFFFFFFC0]  }
0x144: {  	vm11 =	vmor vm10, vm5;
	vm10 =	vmor vm13, vm6;
	vm9 =	vmor vm9, vm4;
	v15 =	vld [tilespmem:s28+$0xFFFFFFF0]  }
0x145: {  	vm8 =	vmor vm8, vm2;
	vm7 =	vmor vm7, vm0;
	v18 =	vshra.s32 v30, $0x1F;
	v16 =	vld [tilespmem:s28+$0x0]  }
0x146: {  	v20 =	vor.u32 $0x80000000, v18;
	v28 =	vshra.s32 v10, $0x1F;
	v35 =	vsub.f32 $1.000000000e+00, v10;
	v18 =	vld [tilespmem:s28+$0x10]  }
0x147: {  	v36 =	vxor.u32 v30, v20;
	v28 =	vor.u32 $0x80000000, v28;
	v37 =	vshra.s32 v11, $0x1F;
	v20 =	vld [tilespmem:s28+$0x20]  }
0x148: {  	vm2 =	vne.s32 v21, $0x0;
	v36 =	vshrl.u32 v36, $0x12;
	v37 =	vor.u32 $0x80000000, v37;
	v21 =	vld [tilespmem:s28+$0x30]  }
0x149: {  	vm0 =	vle.f32 v30, $1.000000000e+00;
	v36 =	vand.u32 $0x3FF0, v36;
	v38 =	vsel vm2, $0x0, v3;
	v39 =	vld [tilespmem:s25+$0xFFFFFFD0]  }
0x14a: {  	vm0 =	vmor vm0, vm2;
	v40 =	vshra.s32 v15, $0x1F;
	v36 =	vor.u32 v38, v36;
	v38 =	vld [tilespmem:s25+$0xFFFFFFE0]  }
0x14b: {  	v42 =	vshra.s32 v16, $0x1F;
	v36 =	vor.u32 v1, v36;
	v41 =	vld [tilespmem:s25+$0xFFFFFFF0];
	v43 =	vshra.s32 v18, $0x1F  }
0x14c: {  	v44 =	vsub.f32 $1.000000000e+00, v30;
	v45 =	vor.u32 $0x4000, v36;
	v46 =	vld [tilespmem:s25+$0x0];
	v47 =	vshra.s32 v20, $0x1F  }
0x14d: {  	v40 =	vor.u32 $0x80000000, v40;
	v42 =	vor.u32 $0x80000000, v42;
	v48 =	vld [tilespmem:s25+$0x10];
	v49 =	vshra.s32 v21, $0x1F  }
0x14e: {  	v30 =	vsel vm2, v30, v44;
	v43 =	vor.u32 $0x80000000, v43;
	v47 =	vor.u32 $0x80000000, v47;
	v44 =	vld [tilespmem:s25+$0x20]  }
0x14f: {  	v28 =	vxor.u32 v10, v28;
	v30 =	vmul.f32 v30, v30;
	v49 =	vor.u32 $0x80000000, v49;
	v50 =	vld [tilespmem:s25+$0x30]  }
0x150: {  	v40 =	vxor.u32 v15, v40;
	[tilespmem:v36+s18+$0x0] =	vst.idx.add.f32.msk vm0, v2;
	v36 =	vxor.u32 v11, v37;
	v37 =	vsub.f32 $1.000000000e+00, v11  }
0x151: {  	v42 =	vxor.u32 v16, v42;
	v43 =	vxor.u32 v18, v43;
	[tilespmem:v45+s18+$0x0] =	vst.idx.add.f32.msk vm0, v30;
	v30 =	vsub.f32 $1.000000000e+00, v15  }
0x152: {  	v47 =	vxor.u32 v20, v47;
	v49 =	vxor.u32 v21, v49;
	v45 =	vsub.f32 $1.000000000e+00, v16;
	[tilespmem:v25+s18+$0x0] =	vst.idx.add.f32.msk vm12, v2  }
0x153: {  	v51 =	vsub.f32 $1.000000000e+00, v20;
	v25 =	vshrl.u32 v28, $0x12;
	v28 =	vsub.f32 $1.000000000e+00, v18;
	[tilespmem:v26+s18+$0x0] =	vst.idx.add.f32.msk vm12, v17  }
0x154: {  	v17 =	vshrl.u32 v36, $0x12;
	v26 =	vshrl.u32 v40, $0x12;
	v36 =	vsub.f32 $1.000000000e+00, v21;
	[tilespmem:v27+s18+$0x0] =	vst.idx.add.f32.msk vm1, v2  }
0x155: {  	v40 =	vshrl.u32 v43, $0x12;
	v27 =	vshrl.u32 v42, $0x12;
	v42 =	vshrl.u32 v47, $0x12;
	[tilespmem:v22+s18+$0x0] =	vst.idx.add.f32.msk vm1, v13  }
0x156: {  	vm3 =	vne.s32 v38, $0x0;
	vm1 =	vne.s32 v39, $0x0;
	v13 =	vshrl.u32 v49, $0x12;
	[tilespmem:v31+s18+$0x0] =	vst.idx.add.f32.msk vm11, v2  }
0x157: {  	vm5 =	vne.s32 v41, $0x0;
	vm6 =	vne.s32 v46, $0x0;
	vm4 =	vne.s32 v48, $0x0;
	[tilespmem:v29+s18+$0x0] =	vst.idx.add.f32.msk vm11, v9  }
0x158: {  	vm2 =	vne.s32 v44, $0x0;
	vm0 =	vne.s32 v50, $0x0;
	v9 =	vand.u32 $0x3FF0, v25;
	[tilespmem:v32+s18+$0x0] =	vst.idx.add.f32.msk vm10, v2  }
0x159: {  	v17 =	vand.u32 $0x3FF0, v17;
	v22 =	vand.u32 $0x3FF0, v26;
	v25 =	vand.u32 $0x3FF0, v27;
	[tilespmem:v33+s18+$0x0] =	vst.idx.add.f32.msk vm10, v8  }
0x15a: {  	v26 =	vand.u32 $0x3FF0, v42;
	v13 =	vand.u32 $0x3FF0, v13;
	v8 =	vand.u32 $0x3FF0, v40;
	[tilespmem:v34+s18+$0x0] =	vst.idx.add.f32.msk vm9, v2  }
0x15b: {  	v31 =	vsel vm5, $0x0, v3;
	v27 =	vsel vm1, $0x0, v3;
	v29 =	vsel vm3, $0x0, v3;
	[tilespmem:v24+s18+$0x0] =	vst.idx.add.f32.msk vm9, v7  }
0x15c: {  	v32 =	vsel vm2, $0x0, v3;
	v7 =	vsel vm6, $0x0, v3;
	v24 =	vsel vm4, $0x0, v3;
	[tilespmem:v23+s18+$0x0] =	vst.idx.add.f32.msk vm8, v2  }
0x15d: {  	v33 =	vsel vm1, v10, v35;
	v35 =	vsel vm0, $0x0, v3;
	v34 =	vsel vm3, v11, v37;
	[tilespmem:v19+s18+$0x0] =	vst.idx.add.f32.msk vm8, v6  }
0x15e: {  	v37 =	vsel vm4, v18, v28;
	v6 =	vsel vm5, v15, v30;
	v30 =	vsel vm6, v16, v45  }
0x15f: {  	v38 =	vsel vm2, v20, v51;
	v36 =	vsel vm0, v21, v36;
	v27 =	vor.u32 v27, v9  }
0x160: {  	v39 =	vor.u32 v29, v17;
	v29 =	vor.u32 v31, v22;
	v23 =	vor.u32 v7, v25  }
0x161: {  	v28 =	vor.u32 v35, v13;
	v24 =	vor.u32 v24, v8;
	v19 =	vor.u32 v32, v26  }
0x162: {  	vm14 =	vle.f32 v11, $1.000000000e+00;
	vm11 =	vle.f32 v10, $1.000000000e+00;
	vm10 =	vle.f32 v15, $1.000000000e+00;
	[tilespmem:v12+s18+$0x0] =	vst.idx.add.f32.msk vm7, v2  }
.Ltmp4:
0x163: {  	vm13 =	vle.f32 v16, $1.000000000e+00;
	vm9 =	vle.f32 v18, $1.000000000e+00;
	vm8 =	vle.f32 v20, $1.000000000e+00;
	[tilespmem:v14+s18+$0x0] =	vst.idx.add.f32.msk vm7, v5;
	(pc) =	sbr.rel @p0 .LBB2_10-.Ltmp4, $4  }
0x164: {  	v17 =	vmul.f32 v33, v33;
	v13 =	vmul.f32 v34, v34;
	vm7 =	vle.f32 v21, $1.000000000e+00  }
0x165: {  	v25 =	vor.u32 v1, v27;
	v9 =	vmul.f32 v6, v6;
	v8 =	vmul.f32 v30, v30  }
0x166: {  	v7 =	vmul.f32 v37, v37;
	v26 =	vor.u32 v4, v27;
	v6 =	vmul.f32 v38, v38  }
0x167: {  	s28 =	sadd.s32 $0x80, s28;
	v22 =	vor.u32 v4, v39;
	v27 =	vor.u32 v1, v39;
	v5 =	vmul.f32 v36, v36  }
0x168: {  	vm1 =	vmor vm11, vm1  }
0x169: {  	vm3 =	vmor vm14, vm3  }
0x16a: {  	vm5 =	vmor vm10, vm5  }
0x16b: {  	v10 =	vor.u32 v1, v29;
	vm6 =	vmor vm13, vm6  }
0x16c: {  	v12 =	vor.u32 v1, v23  }
0x16d: {  	v11 =	vor.u32 v4, v29  }
0x16e: {  	[tilespmem:v25+s18+$0x0] =	vst.idx.add.f32.msk vm1, v2  }
0x16f: {  	[tilespmem:v27+s18+$0x0] =	vst.idx.add.f32.msk vm3, v2  }
0x170: {  	v14 =	vor.u32 v4, v23;
	vm2 =	vmor vm8, vm2;
	[tilespmem:v10+s18+$0x0] =	vst.idx.add.f32.msk vm5, v2  }
0x171: {  	v10 =	vor.u32 v1, v19;
	[tilespmem:v12+s18+$0x0] =	vst.idx.add.f32.msk vm6, v2  }
0x172: {  	vm0 =	vmor vm7, vm0;
	[tilespmem:v11+s18+$0x0] =	vst.idx.add.f32.msk vm5, v9;
	v9 =	vor.u32 v4, v19  }
0x173: {  	[tilespmem:v26+s18+$0x0] =	vst.idx.add.f32.msk vm1, v17;
	vm1 =	vmor vm9, vm4;
	v11 =	vor.u32 v1, v28  }
0x174: {  	v15 =	vor.u32 v1, v24;
	[tilespmem:v22+s18+$0x0] =	vst.idx.add.f32.msk vm3, v13  }
0x175: {  	[tilespmem:v14+s18+$0x0] =	vst.idx.add.f32.msk vm6, v8;
	v8 =	vor.u32 v4, v28  }
0x176: {  	v13 =	vor.u32 v4, v24;
	[tilespmem:v10+s18+$0x0] =	vst.idx.add.f32.msk vm2, v2  }
0x177: {  	[tilespmem:v9+s18+$0x0] =	vst.idx.add.f32.msk vm2, v6  }
0x178: {  	[tilespmem:v11+s18+$0x0] =	vst.idx.add.f32.msk vm0, v2  }
0x179: {  	[tilespmem:v15+s18+$0x0] =	vst.idx.add.f32.msk vm1, v2  }
0x17a: {  	[tilespmem:v8+s18+$0x0] =	vst.idx.add.f32.msk vm0, v5  }
0x17b: {  	[tilespmem:v13+s18+$0x0] =	vst.idx.add.f32.msk vm1, v7  }
0x17c: {  	_ =	swait.ge [sflag:s19], $0x2000  }
0x17d: {  	[sflag:s19] =	ssyncset.done $0x0  }
0x17e: {  	[sflag:s19] =	ssyncadd.s32 $0xFFFFE000  }
0x17f: {  	_ =	swait.ge [sflag:s20], $0x2000  }
0x180: {  	[sflag:s20] =	ssyncset.done $0x0  }
0x181: {  	s26 =	simm.s32 $0x2040;
	[sflag:s20] =	ssyncadd.s32 $0xFFFFE000  }
0x182: {  	v5 =	vld [tilespmem:s26+$0xFFFFFFC0]  }
0x183: {  	v6 =	vld [tilespmem:s26+$0xFFFFFFD0]  }
0x184: {  	s25 =	simm.s32 $0x6040;
	v7 =	vld [tilespmem:s26+$0xFFFFFFE0]  }
0x185: {  	v8 =	vld [tilespmem:s25+$0xFFFFFFC0]  }
0x186: {  	v9 =	vld [tilespmem:s26+$0xFFFFFFF0]  }
0x187: {  	v11 =	vld [tilespmem:s26+$0x0]  }
0x188: {  	v14 =	vld [tilespmem:s26+$0x10]  }
0x189: {  	v16 =	vld [tilespmem:s26+$0x20]  }
0x18a: {  	v25 =	vld [tilespmem:s25+$0xFFFFFFE0]  }
0x18b: {  	v26 =	vld [tilespmem:s25+$0x0]  }
0x18c: {  	v28 =	vld [tilespmem:s25+$0x10];
	v10 =	vshra.s32 v5, $0x1F  }
0x18d: {  	v29 =	vld [tilespmem:s25+$0x20];
	v12 =	vshra.s32 v6, $0x1F;
	v13 =	vsub.f32 $1.000000000e+00, v6;
	v15 =	vshra.s32 v7, $0x1F  }
0x18e: {  	vm0 =	vne.s32 v8, $0x0;
	vm1 =	vle.f32 v5, $1.000000000e+00;
	v18 =	vshra.s32 v11, $0x1F  }
0x18f: {  	v19 =	vshra.s32 v14, $0x1F;
	v20 =	vsub.f32 $1.000000000e+00, v5;
	v27 =	vsub.f32 $1.000000000e+00, v7  }
0x190: {  	v22 =	vshra.s32 v16, $0x1F;
	v30 =	vsub.f32 $1.000000000e+00, v9;
	v31 =	vsub.f32 $1.000000000e+00, v11  }
0x191: {  	v33 =	vsub.f32 $1.000000000e+00, v14;
	vm3 =	vne.s32 v25, $0x0;
	v25 =	vsub.f32 $1.000000000e+00, v16  }
0x192: {  	v23 =	vld [tilespmem:s25+$0xFFFFFFD0];
	vm6 =	vne.s32 v26, $0x0;
	vm4 =	vne.s32 v28, $0x0;
	vm2 =	vne.s32 v29, $0x0  }
0x193: {  	vm11 =	vle.f32 v6, $1.000000000e+00;
	vm14 =	vle.f32 v7, $1.000000000e+00;
	vm10 =	vle.f32 v9, $1.000000000e+00  }
0x194: {  	v32 =	vld [tilespmem:s25+$0x30];
	vm13 =	vle.f32 v11, $1.000000000e+00;
	vm9 =	vle.f32 v14, $1.000000000e+00;
	vm8 =	vle.f32 v16, $1.000000000e+00  }
0x195: {  	v10 =	vor.u32 $0x80000000, v10;
	v12 =	vor.u32 $0x80000000, v12;
	v17 =	vsel vm0, $0x0, v3  }
0x196: {  	vm7 =	vmor vm1, vm0;
	v18 =	vor.u32 $0x80000000, v18;
	v19 =	vor.u32 $0x80000000, v19  }
0x197: {  	vm1 =	vne.s32 v23, $0x0;
	v10 =	vxor.u32 v5, v10;
	v5 =	vsel vm0, v5, v20  }
0x198: {  	v20 =	vor.u32 $0x80000000, v22;
	v12 =	vxor.u32 v6, v12;
	v18 =	vxor.u32 v11, v18  }
0x199: {  	v19 =	vxor.u32 v14, v19;
	vm0 =	vne.s32 v32, $0x0;
	v13 =	vsel vm1, v6, v13  }
0x19a: {  	v27 =	vsel vm3, v7, v27;
	v31 =	vsel vm6, v11, v31;
	v62 =	vsel vm4, v14, v33  }
0x19b: {  	v63 =	vsel vm2, v16, v25;
	v8 =	vshrl.u32 v10, $0x12;
	v10 =	vor.u32 $0x80000000, v15  }
0x19c: {  	v5 =	vmul.f32 v5, v5;
	v20 =	vxor.u32 v16, v20;
	v12 =	vshrl.u32 v12, $0x12  }
0x19d: {  	v22 =	vld [tilespmem:s25+$0xFFFFFFF0];
	v18 =	vshrl.u32 v18, $0x12;
	v19 =	vshrl.u32 v19, $0x12;
	v6 =	vmul.f32 v63, v63  }
0x19e: {  	v15 =	vld [tilespmem:s26+$0x30];
	v8 =	vand.u32 $0x3FF0, v8;
	v10 =	vxor.u32 v7, v10;
	v20 =	vshrl.u32 v20, $0x12  }
0x19f: {  	v12 =	vand.u32 $0x3FF0, v12;
	v18 =	vand.u32 $0x3FF0, v18;
	v19 =	vand.u32 $0x3FF0, v19  }
0x1a0: {  	v7 =	vmul.f32 v62, v62;
	v8 =	vor.u32 v17, v8;
	v17 =	vshra.s32 v9, $0x1F  }
0x1a1: {  	v10 =	vshrl.u32 v10, $0x12;
	v20 =	vand.u32 $0x3FF0, v20;
	v8 =	vor.u32 v1, v8  }
0x1a2: {  	v17 =	vor.u32 $0x80000000, v17;
	v10 =	vand.u32 $0x3FF0, v10;
	v21 =	vor.u32 $0x4000, v8  }
0x1a3: {  	v17 =	vxor.u32 v9, v17;
	vm5 =	vne.s32 v22, $0x0;
	v24 =	vshra.s32 v15, $0x1F  }
0x1a4: {  	v17 =	vshrl.u32 v17, $0x12;
	v22 =	vsub.f32 $1.000000000e+00, v15;
	v28 =	vsel vm5, $0x0, v3  }
0x1a5: {  	v30 =	vsel vm5, v9, v30;
	v24 =	vor.u32 $0x80000000, v24;
	v17 =	vand.u32 $0x3FF0, v17  }
0x1a6: {  	v9 =	vmul.f32 v30, v30;
	v24 =	vxor.u32 v15, v24;
	v29 =	vor.u32 v28, v17  }
0x1a7: {  	v17 =	vsel vm2, $0x0, v3;
	v34 =	vsel vm0, v15, v22;
	v23 =	vshrl.u32 v24, $0x12  }
0x1a8: {  	v24 =	vsel vm3, $0x0, v3;
	[tilespmem:v8+s18+$0x0] =	vst.idx.add.f32.msk vm7, v2;
	v8 =	vmul.f32 v31, v31;
	v26 =	vand.u32 $0x3FF0, v23  }
0x1a9: {  	v23 =	vsel vm1, $0x0, v3;
	v10 =	vor.u32 v24, v10;
	v24 =	vsel vm4, $0x0, v3  }
0x1aa: {  	[tilespmem:v21+s18+$0x0] =	vst.idx.add.f32.msk vm7, v5;
	vm7 =	vle.f32 v15, $1.000000000e+00;
	v5 =	vmul.f32 v34, v34;
	v12 =	vor.u32 v23, v12  }
0x1ab: {  	v23 =	vsel vm6, $0x0, v3;
	v24 =	vor.u32 v24, v19;
	v19 =	vor.u32 v17, v20  }
0x1ac: {  	v17 =	vmul.f32 v13, v13;
	v13 =	vmul.f32 v27, v27;
	v27 =	vor.u32 v1, v10  }
0x1ad: {  	v22 =	vor.u32 v4, v10;
	v23 =	vor.u32 v23, v18;
	v18 =	vsel vm0, $0x0, v3  }
0x1ae: {  	s28 =	simm.s32 $0x20C0;
	s26 =	simm.s32 $0x0;
	v25 =	vor.u32 v1, v12;
	v28 =	vor.u32 v18, v26;
	v26 =	vor.u32 v4, v12  }
.LBB2_12:
0x1af: {  	v30 =	vld [tilespmem:s28+$0xFFFFFFC0];
	s26 =	sadd.s32 $0x8, s26;
	v31 =	vor.u32 v1, v29;
	v29 =	vor.u32 v4, v29;
	v32 =	vor.u32 v1, v23  }
0x1b0: {  	v33 =	vor.u32 v4, v23;
	v34 =	vor.u32 v1, v24;
	v24 =	vor.u32 v4, v24;
	v10 =	vld [tilespmem:s28+$0xFFFFFFD0];
	p0 =	slt.u32 s26, $0x1F8  }
0x1b1: {  	v23 =	vor.u32 v1, v19;
	v19 =	vor.u32 v4, v19;
	v12 =	vor.u32 v1, v28;
	s25 =	sadd.s32 $0x80, s25;
	v11 =	vld [tilespmem:s28+$0xFFFFFFE0]  }
0x1b2: {  	vm12 =	vmor vm11, vm1;
	vm1 =	vmor vm14, vm3;
	v14 =	vor.u32 v4, v28;
	v21 =	vld [tilespmem:s25+$0xFFFFFFC0]  }
0x1b3: {  	vm11 =	vmor vm10, vm5;
	vm10 =	vmor vm13, vm6;
	vm9 =	vmor vm9, vm4;
	v15 =	vld [tilespmem:s28+$0xFFFFFFF0]  }
0x1b4: {  	vm8 =	vmor vm8, vm2;
	vm7 =	vmor vm7, vm0;
	v18 =	vshra.s32 v30, $0x1F;
	v16 =	vld [tilespmem:s28+$0x0]  }
0x1b5: {  	v20 =	vor.u32 $0x80000000, v18;
	v28 =	vshra.s32 v10, $0x1F;
	v35 =	vsub.f32 $1.000000000e+00, v10;
	v18 =	vld [tilespmem:s28+$0x10]  }
0x1b6: {  	v36 =	vxor.u32 v30, v20;
	v28 =	vor.u32 $0x80000000, v28;
	v37 =	vshra.s32 v11, $0x1F;
	v20 =	vld [tilespmem:s28+$0x20]  }
0x1b7: {  	vm2 =	vne.s32 v21, $0x0;
	v36 =	vshrl.u32 v36, $0x12;
	v37 =	vor.u32 $0x80000000, v37;
	v21 =	vld [tilespmem:s28+$0x30]  }
0x1b8: {  	vm0 =	vle.f32 v30, $1.000000000e+00;
	v36 =	vand.u32 $0x3FF0, v36;
	v38 =	vsel vm2, $0x0, v3;
	v39 =	vld [tilespmem:s25+$0xFFFFFFD0]  }
0x1b9: {  	vm0 =	vmor vm0, vm2;
	v40 =	vshra.s32 v15, $0x1F;
	v36 =	vor.u32 v38, v36;
	v38 =	vld [tilespmem:s25+$0xFFFFFFE0]  }
0x1ba: {  	v42 =	vshra.s32 v16, $0x1F;
	v36 =	vor.u32 v1, v36;
	v41 =	vld [tilespmem:s25+$0xFFFFFFF0];
	v43 =	vshra.s32 v18, $0x1F  }
0x1bb: {  	v44 =	vsub.f32 $1.000000000e+00, v30;
	v45 =	vor.u32 $0x4000, v36;
	v46 =	vld [tilespmem:s25+$0x0];
	v47 =	vshra.s32 v20, $0x1F  }
0x1bc: {  	v40 =	vor.u32 $0x80000000, v40;
	v42 =	vor.u32 $0x80000000, v42;
	v48 =	vld [tilespmem:s25+$0x10];
	v49 =	vshra.s32 v21, $0x1F  }
0x1bd: {  	v30 =	vsel vm2, v30, v44;
	v43 =	vor.u32 $0x80000000, v43;
	v47 =	vor.u32 $0x80000000, v47;
	v44 =	vld [tilespmem:s25+$0x20]  }
0x1be: {  	v28 =	vxor.u32 v10, v28;
	v30 =	vmul.f32 v30, v30;
	v49 =	vor.u32 $0x80000000, v49;
	v50 =	vld [tilespmem:s25+$0x30]  }
0x1bf: {  	v40 =	vxor.u32 v15, v40;
	[tilespmem:v36+s18+$0x0] =	vst.idx.add.f32.msk vm0, v2;
	v36 =	vxor.u32 v11, v37;
	v37 =	vsub.f32 $1.000000000e+00, v11  }
0x1c0: {  	v42 =	vxor.u32 v16, v42;
	v43 =	vxor.u32 v18, v43;
	[tilespmem:v45+s18+$0x0] =	vst.idx.add.f32.msk vm0, v30;
	v30 =	vsub.f32 $1.000000000e+00, v15  }
0x1c1: {  	v47 =	vxor.u32 v20, v47;
	v49 =	vxor.u32 v21, v49;
	v45 =	vsub.f32 $1.000000000e+00, v16;
	[tilespmem:v25+s18+$0x0] =	vst.idx.add.f32.msk vm12, v2  }
0x1c2: {  	v51 =	vsub.f32 $1.000000000e+00, v20;
	v25 =	vshrl.u32 v28, $0x12;
	v28 =	vsub.f32 $1.000000000e+00, v18;
	[tilespmem:v26+s18+$0x0] =	vst.idx.add.f32.msk vm12, v17  }
0x1c3: {  	v17 =	vshrl.u32 v36, $0x12;
	v26 =	vshrl.u32 v40, $0x12;
	v36 =	vsub.f32 $1.000000000e+00, v21;
	[tilespmem:v27+s18+$0x0] =	vst.idx.add.f32.msk vm1, v2  }
0x1c4: {  	v40 =	vshrl.u32 v43, $0x12;
	v27 =	vshrl.u32 v42, $0x12;
	v42 =	vshrl.u32 v47, $0x12;
	[tilespmem:v22+s18+$0x0] =	vst.idx.add.f32.msk vm1, v13  }
0x1c5: {  	vm3 =	vne.s32 v38, $0x0;
	vm1 =	vne.s32 v39, $0x0;
	v13 =	vshrl.u32 v49, $0x12;
	[tilespmem:v31+s18+$0x0] =	vst.idx.add.f32.msk vm11, v2  }
0x1c6: {  	vm5 =	vne.s32 v41, $0x0;
	vm6 =	vne.s32 v46, $0x0;
	vm4 =	vne.s32 v48, $0x0;
	[tilespmem:v29+s18+$0x0] =	vst.idx.add.f32.msk vm11, v9  }
0x1c7: {  	vm2 =	vne.s32 v44, $0x0;
	vm0 =	vne.s32 v50, $0x0;
	v9 =	vand.u32 $0x3FF0, v25;
	[tilespmem:v32+s18+$0x0] =	vst.idx.add.f32.msk vm10, v2  }
0x1c8: {  	v17 =	vand.u32 $0x3FF0, v17;
	v22 =	vand.u32 $0x3FF0, v26;
	v25 =	vand.u32 $0x3FF0, v27;
	[tilespmem:v33+s18+$0x0] =	vst.idx.add.f32.msk vm10, v8  }
0x1c9: {  	v26 =	vand.u32 $0x3FF0, v42;
	v13 =	vand.u32 $0x3FF0, v13;
	v8 =	vand.u32 $0x3FF0, v40;
	[tilespmem:v34+s18+$0x0] =	vst.idx.add.f32.msk vm9, v2  }
0x1ca: {  	v31 =	vsel vm5, $0x0, v3;
	v27 =	vsel vm1, $0x0, v3;
	v29 =	vsel vm3, $0x0, v3;
	[tilespmem:v24+s18+$0x0] =	vst.idx.add.f32.msk vm9, v7  }
0x1cb: {  	v32 =	vsel vm2, $0x0, v3;
	v7 =	vsel vm6, $0x0, v3;
	v24 =	vsel vm4, $0x0, v3;
	[tilespmem:v23+s18+$0x0] =	vst.idx.add.f32.msk vm8, v2  }
0x1cc: {  	v33 =	vsel vm1, v10, v35;
	v35 =	vsel vm0, $0x0, v3;
	v34 =	vsel vm3, v11, v37;
	[tilespmem:v19+s18+$0x0] =	vst.idx.add.f32.msk vm8, v6  }
0x1cd: {  	v37 =	vsel vm4, v18, v28;
	v6 =	vsel vm5, v15, v30;
	v30 =	vsel vm6, v16, v45  }
0x1ce: {  	v38 =	vsel vm2, v20, v51;
	v36 =	vsel vm0, v21, v36;
	v27 =	vor.u32 v27, v9  }
0x1cf: {  	v39 =	vor.u32 v29, v17;
	v29 =	vor.u32 v31, v22;
	v23 =	vor.u32 v7, v25  }
0x1d0: {  	v28 =	vor.u32 v35, v13;
	v24 =	vor.u32 v24, v8;
	v19 =	vor.u32 v32, v26  }
0x1d1: {  	vm14 =	vle.f32 v11, $1.000000000e+00;
	vm11 =	vle.f32 v10, $1.000000000e+00;
	vm10 =	vle.f32 v15, $1.000000000e+00;
	[tilespmem:v12+s18+$0x0] =	vst.idx.add.f32.msk vm7, v2  }
.Ltmp5:
0x1d2: {  	vm13 =	vle.f32 v16, $1.000000000e+00;
	vm9 =	vle.f32 v18, $1.000000000e+00;
	vm8 =	vle.f32 v20, $1.000000000e+00;
	[tilespmem:v14+s18+$0x0] =	vst.idx.add.f32.msk vm7, v5;
	(pc) =	sbr.rel @p0 .LBB2_12-.Ltmp5, $4  }
0x1d3: {  	v17 =	vmul.f32 v33, v33;
	v13 =	vmul.f32 v34, v34;
	vm7 =	vle.f32 v21, $1.000000000e+00  }
0x1d4: {  	v25 =	vor.u32 v1, v27;
	v9 =	vmul.f32 v6, v6;
	v8 =	vmul.f32 v30, v30  }
0x1d5: {  	v7 =	vmul.f32 v37, v37;
	v26 =	vor.u32 v4, v27;
	v6 =	vmul.f32 v38, v38  }
0x1d6: {  	s28 =	sadd.s32 $0x80, s28;
	v22 =	vor.u32 v4, v39;
	v27 =	vor.u32 v1, v39;
	v5 =	vmul.f32 v36, v36  }
0x1d7: {  	vm1 =	vmor vm11, vm1  }
0x1d8: {  	vm3 =	vmor vm14, vm3  }
0x1d9: {  	vm5 =	vmor vm10, vm5  }
0x1da: {  	v10 =	vor.u32 v1, v29;
	vm6 =	vmor vm13, vm6  }
0x1db: {  	v12 =	vor.u32 v1, v23;
	vm15 =	vmor vm9, vm4  }
0x1dc: {  	v15 =	vor.u32 v1, v24;
	vm2 =	vmor vm8, vm2  }
0x1dd: {  	v60 =	vor.u32 v1, v19;
	vm0 =	vmor vm7, vm0;
	[tilespmem:v25+s18+$0x0] =	vst.idx.add.f32.msk vm1, v2  }
0x1de: {  	v62 =	vor.u32 v1, v28;
	[tilespmem:v27+s18+$0x0] =	vst.idx.add.f32.msk vm3, v2  }
0x1df: {  	[tilespmem:v10+s18+$0x0] =	vst.idx.add.f32.msk vm5, v2  }
0x1e0: {  	[tilespmem:v12+s18+$0x0] =	vst.idx.add.f32.msk vm6, v2  }
0x1e1: {  	v11 =	vor.u32 v4, v29;
	[tilespmem:v15+s18+$0x0] =	vst.idx.add.f32.msk vm15, v2  }
0x1e2: {  	v14 =	vor.u32 v4, v23;
	[tilespmem:v60+s18+$0x0] =	vst.idx.add.f32.msk vm2, v2  }
0x1e3: {  	v59 =	vor.u32 v4, v24;
	[tilespmem:v62+s18+$0x0] =	vst.idx.add.f32.msk vm0, v2  }
0x1e4: {  	v61 =	vor.u32 v4, v19;
	[tilespmem:v26+s18+$0x0] =	vst.idx.add.f32.msk vm1, v17  }
0x1e5: {  	v63 =	vor.u32 v4, v28;
	[tilespmem:v22+s18+$0x0] =	vst.idx.add.f32.msk vm3, v13  }
0x1e6: {  	[tilespmem:v11+s18+$0x0] =	vst.idx.add.f32.msk vm5, v9  }
0x1e7: {  	[tilespmem:v14+s18+$0x0] =	vst.idx.add.f32.msk vm6, v8  }
0x1e8: {  	s24 =	sadd.s32 $0x1, s24;
	[tilespmem:v59+s18+$0x0] =	vst.idx.add.f32.msk vm15, v7  }
0x1e9: {  	p0 =	sne.s32 s24, s12;
	[tilespmem:v61+s18+$0x0] =	vst.idx.add.f32.msk vm2, v6  }
.Ltmp6:
0x1ea: {  	[tilespmem:v63+s18+$0x0] =	vst.idx.add.f32.msk vm0, v5;
	(pc) =	sbr.rel @p0 .LBB2_1-.Ltmp6, $4  }
0x1eb: {  	[hbm4b:s11+s21] =	stream.strided.scatter [tilespmem:s18], [sflag:$0x5], $0x10000, s22, s21, $0x38;
	[tilespmem:$0x18000] =	vst v63  }
0x1ec: {  	_ =	swait.ge [sflag:s23], $0x10000  }
0x1ed: {  	[sflag:s23] =	ssyncset.done $0x0  }
0x1ee: {  	[sflag:s23] =	ssyncadd.s32 $0xFFFF0000  }
0x1ef: {  	_ =	sfence.sel $0x180000  }
0x1f0: {  	[bflag:$0x0] =	sbarrier.arrive $0xFFFF  }
0x1f1: {  	p0 =	sne.s32 s1, $0x0;
	_ =	strace $0x9000004A  }
0x1f2: {  	s0 =	sadd.s32 @!p0 $0x100000, s0;
	[bflag:$0x2] =	sbarrier.arrive $0xFFFF  }
0x1f3: {  	[sflag:s0] =	ssyncadd.tile.s32 @!p0 $0x1;
	_ =	shalt  }
.Lfunc_end2:
_tile_overlayer_lowered:
.L_overlay_start_2:
0x1f4: {  	(tag) =	ssettag $0x2  }
0x1f5: {  	s0 =	rddreg [dreg:$0x0];
	s2 =	stileid.u32  }
0x1f6: {  	s1 =	rddreg [dreg:$0x1];
	p0 =	sne.s32 s2, $0x0  }
0x1f7: {  	s3 =	rddreg [dreg:$0x2];
	[bflag:$0x3] =	sbarrier.arrive $0xFFFF;
	s2 =	simm.s32 @!p0 $0x1C05  }
0x1f8: {  	[timem:s3], [sflag:s2] =	dma.local @!p0 [hbm:s0], s1  }
0x1f9: {  	s0 =	simm.s32 @!p0 $0x5  }
0x1fa: {  	_ =	swait.ge @!p0 [sflag:s0], s1  }
0x1fb: {  	s1 =	ssub.s32 @!p0 $0x0, s1;
	[sflag:s0] =	ssyncset.done @!p0 $0x0  }
0x1fc: {  	[sflag:s0] =	ssyncadd.s32 @!p0 s1  }
0x1fd: {  	[bflag:$0x3] =	sbarrier.arrive $0xFFFF  }
0x1fe: {  	_ =	shalt  }

// kernel: kernel.7.cloned.1.call-start
scs
__scs_entry_jumppad:
0x0: {  	(pc) =	sbr.rel $0x88, $3  }
0x1: {  	(tag) =	ssettag $0x0;
	lr =	simm.s32 $0x1  }
0x2: {  	[smem:$0x3F9F] =	sst lr;
	_ =	strace $0xD0000000  }
0x3: {  	_ = 	snop  }
0x4: {  	_ = 	snop  }
0x5: {  	_ = 	snop  }
0x6: {  	_ = 	snop  }
0x7: {  	_ = 	snop  }
__scs_overlays_trampoline_lowered:
0x8: {  	[smem:$0x3FAE] =	sst s0  }
0x9: {  	[smem:$0x3FAF] =	sst s1  }
0xa: {  	[smem:$0x3FB0] =	sst s2  }
0xb: {  	[smem:$0x3FB1] =	sst s3  }
0xc: {  	[smem:$0x3FB2] =	sst s4  }
0xd: {  	[smem:$0x3FB3] =	sst s5  }
0xe: {  	[smem:$0x3FB4] =	sst s6  }
0xf: {  	[smem:$0x3FB5] =	sst s7  }
0x10: {  	[smem:$0x3FB6] =	sst s8  }
0x11: {  	[smem:$0x3FB7] =	sst s9;
	s0 =	simm.s32 @!p0 $0x0  }
0x12: {  	s1 =	sld [smem:$0x3F9D];
	s0 =	simm.s32 @p0 $0x1  }
0x13: {  	[smem:$0x3FB8] =	sst s0;
	s0 =	simm.s32 @!p1 $0x0  }
0x14: {  	s2 =	sld [smem:$0x3F9C];
	s0 =	simm.s32 @p1 $0x1  }
0x15: {  	[smem:$0x3FB9] =	sst s0;
	s0 =	simm.s32 @!p2 $0x0  }
0x16: {  	s3 =	sld [smem:$0x3FDB];
	s0 =	simm.s32 @p2 $0x1  }
0x17: {  	s4 =	simm.s32 $0x1BF5;
	[smem:$0x3FBB] =	sst s0  }
0x18: {  	s0 =	sld [smem:$0x3F9E];
	_ =	swait.ge [sflag:s4], $0x0  }
0x19: {  	s7 =	sld [smem:$0x3F9F]  }
0x1a: {  	s8 =	sadd.s32 $0xFFFFE003, lr  }
0x1b: {  	s9 =	sadd.s32 $0xFFFFFEF7, lr;
	s5 =	simm.s32 $0xFFFFFFFF;
	p2 =	slt.u32 s8, $0xFFFFF086  }
0x1c: {  	p1 =	slt.u32 s9, $0xF7A;
	s5 =	simm.s32 @!p2 $0x0  }
0x1d: {  	s5 =	simm.s32 @p1 $0x1;
	p0 =	seq.s32 s7, s2  }
0x1e: {  	s7 =	smul.u32 @!p0 $0xF7A, s2;
	p2 =	seq.s32 @!p0 s5, $0x0  }
0x1f: {  	s9 =	smul.u32 $0xF7A, s1;
	s8 =	simm.s32 @!p0 $0x1BF5;
	p2 =	por !p2, p0  }
0x20: {  	[sflag:s8] =	ssyncset.s32 @!p0 $0xFFFFF086;
	s6 =	sadd.s32 @!p0 s3, s7;
	s7 =	simm.s32 @!p0 $0x108  }
0x21: {  	s3 =	sadd.s32 s3, s9;
	s6 =	sadd.s32 @!p0 $0x88, s6;
	s7 =	simm.s32 @p2 $0x1082  }
0x22: {  	[simem:s7], [sflag:s8] =	dma.local @!p0 [hbm:s6], $0xF7A  }
0x23: {  	s9 =	sor.u32 $0xD0000000, s2;
	s6 =	simm.s32 $0x108;
	_ =	swait.ge @!p0 [sflag:s8], $0x0  }
0x24: {  	s3 =	sadd.s32 $0x88, s3;
	s6 =	simm.s32 @!p1 $0x1082;
	[sflag:s4] =	ssyncset.s32 $0xFFFFF086  }
0x25: {  	[simem:s6], [sflag:s4] =	dma.local [hbm:s3], $0xF7A  }
0x26: {  	[smem:$0x3F9F] =	sst s1;
	(tag) =	ssettag s2;
	_ =	strace s9  }
0x27: {  	s1 =	sld [smem:$0x3FAF]  }
0x28: {  	s2 =	sld [smem:$0x3FB0]  }
0x29: {  	s4 =	sld [smem:$0x3FB2]  }
0x2a: {  	p0 =	seq.s32 s5, $0x0;
	s5 =	sld [smem:$0x3FB3]  }
0x2b: {  	s6 =	sld [smem:$0x3FB4]  }
0x2c: {  	s7 =	sld [smem:$0x3FB5]  }
0x2d: {  	s3 =	simm.s32 $0x108;
	s8 =	sld [smem:$0x3FB6]  }
0x2e: {  	s3 =	simm.s32 @!p0 $0x1082;
	s9 =	sld [smem:$0x3FB7]  }
0x2f: {  	lr =	sadd.s32 s0, s3;
	s0 =	sld [smem:$0x3FAE]  }
0x30: {  	s3 =	sld [smem:$0x3FB1]  }
0x31: {  	[smem:$0x3FBA] =	sst s10  }
0x32: {  	s10 =	sld [smem:$0x3FB8];
	_ =	sdelay $0x3  }
0x33: {  	p0 =	seq.s32 s10, $0x1;
	s10 =	sld [smem:$0x3FBA];
	_ =	sdelay $0x3  }
0x34: {  	[smem:$0x3FBA] =	sst s10  }
0x35: {  	s10 =	sld [smem:$0x3FB9];
	_ =	sdelay $0x3  }
0x36: {  	p1 =	seq.s32 s10, $0x1;
	s10 =	sld [smem:$0x3FBA];
	_ =	sdelay $0x3  }
0x37: {  	[smem:$0x3FBA] =	sst s10  }
0x38: {  	s10 =	sld [smem:$0x3FBB]  }
0x39: {  	_ = 	snop;
	(pc) =	sbr.ind lr, $3  }
0x3a: {  	_ = 	snop  }
0x3b: {  	_ = 	snop  }
0x3c: {  	p2 =	seq.s32 s10, $0x1;
	s10 =	sld [smem:$0x3FBA]  }
0x3d: {  	_ =	shalt  }
0x3e: {  	_ =	shalt  }
0x3f: {  	_ =	shalt  }
0x40: {  	_ =	shalt  }
0x41: {  	_ =	shalt  }
0x42: {  	_ =	shalt  }
0x43: {  	_ =	shalt  }
0x44: {  	_ =	shalt  }
0x45: {  	_ =	shalt  }
0x46: {  	_ =	shalt  }
0x47: {  	_ =	shalt  }
0x48: {  	_ =	shalt  }
0x49: {  	_ =	shalt  }
0x4a: {  	_ =	shalt  }
0x4b: {  	_ =	shalt  }
0x4c: {  	_ =	shalt  }
0x4d: {  	_ =	shalt  }
0x4e: {  	_ =	shalt  }
0x4f: {  	_ =	shalt  }
0x50: {  	_ =	shalt  }
0x51: {  	_ =	shalt  }
0x52: {  	_ =	shalt  }
0x53: {  	_ =	shalt  }
0x54: {  	_ =	shalt  }
0x55: {  	_ =	shalt  }
0x56: {  	_ =	shalt  }
0x57: {  	_ =	shalt  }
0x58: {  	_ =	shalt  }
0x59: {  	_ =	shalt  }
0x5a: {  	_ =	shalt  }
0x5b: {  	_ =	shalt  }
0x5c: {  	_ =	shalt  }
0x5d: {  	_ =	shalt  }
0x5e: {  	_ =	shalt  }
0x5f: {  	_ =	shalt  }
0x60: {  	_ =	shalt  }
0x61: {  	_ =	shalt  }
0x62: {  	_ =	shalt  }
0x63: {  	_ =	shalt  }
0x64: {  	_ =	shalt  }
0x65: {  	_ =	shalt  }
0x66: {  	_ =	shalt  }
0x67: {  	_ =	shalt  }
0x68: {  	_ =	shalt  }
0x69: {  	_ =	shalt  }
0x6a: {  	_ =	shalt  }
0x6b: {  	_ =	shalt  }
0x6c: {  	_ =	shalt  }
0x6d: {  	_ =	shalt  }
0x6e: {  	_ =	shalt  }
0x6f: {  	_ =	shalt  }
0x70: {  	_ =	shalt  }
0x71: {  	_ =	shalt  }
0x72: {  	_ =	shalt  }
0x73: {  	_ =	shalt  }
0x74: {  	_ =	shalt  }
0x75: {  	_ =	shalt  }
0x76: {  	_ =	shalt  }
0x77: {  	_ =	shalt  }
0x78: {  	_ =	shalt  }
0x79: {  	_ =	shalt  }
0x7a: {  	_ =	shalt  }
0x7b: {  	_ =	shalt  }
0x7c: {  	_ =	shalt  }
0x7d: {  	_ =	shalt  }
0x7e: {  	_ =	shalt  }
0x7f: {  	_ =	shalt  }
0x80: {  	_ =	shalt  }
0x81: {  	_ =	shalt  }
0x82: {  	_ =	shalt  }
0x83: {  	_ =	shalt  }
0x84: {  	_ =	shalt  }
0x85: {  	_ =	shalt  }
0x86: {  	_ =	shalt  }
0x87: {  	_ =	shalt  }
.Lfunc_end0:
.L_simem_size_0:
called_computation.2_lowered:
.L_overlay_start_0:
0x88: {  	s2 =	sld [smem:$0x3FD9]  }
0x89: {  	s3 =	sld [smem:$0x3FFE];
	_ =	sdelay $0x1  }
0x8a: {  	s1 =	srdreg.scid  }
0x8b: {  	s0 =	sand.u32 $0x1, s1  }
0x8c: {  	s17 =	sshll.u32 s0, $0xA;
	s2 =	sadd.s32 s3, s2  }
0x8d: {  	s2 =	sadd.s32 s2, s17  }
0x8e: {  	[smem:$0x3FC6] =	sst s2  }
0x8f: {  	_ = 	snop  }
0x90: {  	s2 =	sld [smem:$0x3FC8];
	(tm) =	ssettm $0x1  }
0x91: {  	s18 =	sld [smem:$0x3FFB];
	_ =	sdelay $0x3  }
0x92: {  	_ =	strace s18  }
0x93: {  	s3 =	sld [smem:$0x3FFC];
	_ =	sdelay $0x3  }
0x94: {  	_ =	strace s3  }
0x95: {  	s3 =	sld [smem:$0x3FFD];
	_ =	sdelay $0x3  }
0x96: {  	_ =	strace s3  }
0x97: {  	_ =	strace $0x8FFFFFFF  }
0x98: {  	s19 =	sld [smem:$0x3FDB];
	_ =	sdelay $0x1  }
0x99: {  	s4 =	simm.s32 $_scs_section_size  }
0x9a: {  	s5 =	simm.s32 $_size__tile_overlayer_lowered;
	s6 =	simm.s32 $_tile_overlayer_lowered  }
0x9b: {  	s22 =	simm.s32 $0x1BFF;
	s21 =	sshll.u32 s6, $0x1;
	s3 =	sadd.s32 s4, s19  }
0x9c: {  	s7 =	simm.s32 $0x0;
	s20 =	sshll.u32 s5, $0x1;
	s5 =	sadd.s32 s21, s3  }
0x9d: {  	[timem:s7], [sflag:s22] =	dma.local [hbm:s5], s20  }
0x9e: {  	_ =	swait.ge [sflag:s22], s20  }
0x9f: {  	s4 =	ssub.s32 $0x0, s20;
	[sflag:s22] =	ssyncset.done $0x0  }
0xa0: {  	[sflag:s22] =	ssyncadd.s32 s4;
	_ =	sdelay $0x1  }
0xa1: {  	s23 =	simm.s32 $0x1B8B  }
0xa2: {  	_ =	swait.ge [sflag:s23], $0x1  }
0xa3: {  	[sflag:s23] =	ssyncset.done $0x0  }
0xa4: {  	s25 =	simm.s32 $0x1B8E;
	s24 =	sld [smem:$0x3FFE];
	[sflag:s23] =	ssyncadd.s32 $0xFFFFFFFF  }
0xa5: {  	s26 =	simm.s32 $execute0_lowered;
	[smem:$0x3FD2] =	sst s25  }
0xa6: {  	s5 =	sshll.u32 s26, $0x1;
	_ =	strace $0x8000004C;
	[dreg:$0x1] =	wrdreg $0xFFFFFFFF  }
0xa7: {  	s28 =	simm.s32 $_size_execute0_lowered;
	s3 =	sadd.s32 s3, s5;
	[dreg:$0x0] =	wrdreg $0x0  }
0xa8: {  	s5 =	sshll.u32 s28, $0x1;
	[dreg:$0x2] =	wrdreg s3  }
0xa9: {  	[dreg:$0x3] =	wrdreg s5  }
0xaa: {  	[dreg:$0x4] =	wrdreg $0xC0  }
0xab: {  	_ =	task [dreg:s7], $0x5FFFF  }
0xac: {  	[dreg:$0x1] =	wrdreg $0xFFFFFFFF  }
0xad: {  	[dreg:$0x0] =	wrdreg $0x60  }
0xae: {  	[dreg:$0x2] =	wrdreg s24  }
0xaf: {  	[dreg:$0x3] =	wrdreg s2  }
0xb0: {  	[dreg:$0x4] =	wrdreg $0x9  }
0xb1: {  	_ =	task.clear_ibuf [dreg:s7], $0x5FFFF;
	_ =	strace $0x9000004C  }
0xb2: {  	s29 =	simm.s32 $0x9;
	_ =	strace $0x8000004E  }
0xb3: {  	_ =	swait.ge [sflag:s29], $0x1  }
0xb4: {  	[sflag:s29] =	ssyncadd.s32 $0xFFFFFFFF  }
0xb5: {  	_ =	strace $0x9000004E  }
0xb6: {  	_ =	sfence  }
0xb7: {  	s30 =	sld [smem:$0x0];
	_ =	sdelay $0x2  }
0xb8: {  	s31 =	sshll.u32 s1, $0xD;
	s1 =	sshrl.u32 s1, $0x2  }
0xb9: {  	s3 =	sand.u32 $0x4000, s31;
	s1 =	sadd.s32 s1, s30  }
0xba: {  	s0 =	sor.u32 s3, s0;
	s1 =	sshll.u32 s1, $0x11  }
0xbb: {  	s0 =	sor.u32 s1, s0  }
0xbc: {  	s0 =	sadd.s32 $0x8F2B, s0  }
0xbd: {  	[sflag:s0] =	ssyncadd.remote.s32 $0x1  }
0xbe: {  	_ =	sfence.sel $0xFFFF  }
0xbf: {  	[dreg:$0x0] =	wrdreg $0xFFFFFFFF;
	(pc) =	sbr.abs _section_cstart, $3  }
0xc0: {  	[dreg:$0x1] =	wrdreg $0xFFFFFFFF  }
0xc1: {  	_ =	task.clear_ibuf [dreg:s7], $0x2FFFF;
	_ =	strace $0x9FFFFFFF  }
0xc2: {  	(tm) =	ssettm $0x7FFFFFFF  }
0xc3: {  	_ =	shalt  }
tec
execute0_lowered:
.L_overlay_start_1:
0x0: {  	(tag) =	ssettag $0x1  }
0x1: {  	s2 =	rddreg [dreg:$0x0]  }
0x2: {  	s3 =	rddreg [dreg:$0x1]  }
0x3: {  	s1 =	stileid.u32;
	s0 =	srdreg.scid;
	s4 =	simm.s32 $0x0  }
0x4: {  	s14 =	simm.s32 $0x18000;
	s15 =	simm.s32 $0x5;
	s16 =	simm.s32 $0x4000  }
0x5: {  	s17 =	simm.s32 $0x2000;
	s18 =	simm.s32 $0x6000;
	s19 =	simm.s32 $0x1  }
0x6: {  	s20 =	simm.s32 $0x3;
	s21 =	simm.s32 $0x8000;
	s22 =	simm.s32 $0x2  }
0x7: {  	s23 =	simm.s32 $0x4;
	s24 =	simm.s32 $0x80;
	s25 =	simm.s32 $0x400  }
0x8: {  	s26 =	simm.s32 $0x0;
	s0 =	sand.u32 $0x1, s0;
	s5 =	sshll.u32 s1, $0x1  }
0x9: {  	[smem:$0x7FF] =	sst s4;
	s6 =	sshll.u32 s1, $0xE;
	s8 =	sor.u32 s0, s5  }
0xa: {  	_ =	strace $0x8000004D;
	s5 =	sadd.s32 $0x180A00, s2;
	s0 =	ssub.s32 $0x2, s0  }
0xb: {  	s6 =	sand.u32 $0x30000, s6;
	s11 =	smul.u32 $0x60000, s8;
	s7 =	sshrl.u32 s0, $0x1  }
0xc: {  	s12 =	sadd.s32 s6, s2;
	s10 =	sshll.u32 s8, $0x4;
	s0 =	ssub.s32 s0, s7  }
0xd: {  	s13 =	sand.u32 $0x70, s10;
	s9 =	sshrl.u32 s11, $0x3;
	s10 =	sor.u32 $0x4000, s11  }
0xe: {  	s11 =	sor.u32 $0x6000, s11;
	s12 =	sadd.s32 s13, s12;
	s13 =	smax.u32 s0, $0x1  }
0xf: {  	v0 =	vimm.f32 $0.0e+00;
	v1 =	vlaneseq.u32;
	s6 =	sadd.s32 s2, s9;
	s7 =	sadd.s32 s3, s9;
	s9 =	sor.u32 $0x400, s9  }
0x10: {  	v2 =	vimm.f32 $1.000000000e+00;
	v3 =	vimm.s32 $0x8000;
	v4 =	vor.u32 $0x4000, v1;
	s12 =	sadd.s32 $0x180C00, s12;
	s8 =	sadd.s32 s2, s9;
	s9 =	sadd.s32 s3, s9  }
.LBB2_1:
0x11: {  	s0 =	simm.s32 $0x0;
	s28 =	simm.s32 $0x200  }
.LBB2_2:
0x12: {  	p0 =	sne.s32 s28, $0x3FE00;
	[tilespmem:s0+$0x8070] =	vst v0  }
0x13: {  	[tilespmem:s0+$0x8000] =	vst v0  }
0x14: {  	[tilespmem:s0+$0x8010] =	vst v0  }
.Ltmp0:
0x15: {  	[tilespmem:s0+$0x8020] =	vst v0;
	(pc) =	sbr.rel @p0 .LBB2_2-.Ltmp0, $4  }
0x16: {  	[tilespmem:s0+$0x8030] =	vst v0  }
0x17: {  	[tilespmem:s0+$0x8040] =	vst v0  }
0x18: {  	[tilespmem:s0+$0x8050] =	vst v0  }
0x19: {  	[tilespmem:s0+$0x8060] =	vst v0;
	s0 =	sshra.s32 s28, $0x2;
	s28 =	sadd.s32 $0x200, s28  }
0x1a: {  	[tilespmem:s0+$0x8070] =	vst v0  }
0x1b: {  	[tilespmem:s0+$0x8000] =	vst v0  }
0x1c: {  	[tilespmem:s0+$0x8010] =	vst v0  }
0x1d: {  	[tilespmem:s0+$0x8020] =	vst v0  }
0x1e: {  	[tilespmem:s0+$0x8030] =	vst v0  }
0x1f: {  	[tilespmem:s0+$0x8040] =	vst v0  }
0x20: {  	[tilespmem:s0+$0x8050] =	vst v0  }
0x21: {  	[tilespmem:s0+$0x8060] =	vst v0;
	s28 =	simm.s32 $0x0  }
0x22: {  	[tilespmem:s14], [sflag:$0x5] =	stream.linear.gather [hbm4b:s5+s28], $0x80, $0x38;
	[tilespmem:$0x18080] =	vst v63  }
0x23: {  	_ =	swait.ge [sflag:s15], $0x80  }
0x24: {  	[sflag:s15] =	ssyncset.done $0x0  }
0x25: {  	[sflag:s15] =	ssyncadd.s32 $0xFFFFFF80  }
0x26: {  	v5 =	vld [tilespmem:$0x18000]  }
0x27: {  	v6 =	vld [tilespmem:$0x18010];
	[tilespmem:s28], [sflag:$0x1] =	stream.linear.gather [hbm4b:s6+s28], $0x2000, $0x38  }
0x28: {  	_ = 	snop  }
0x29: {  	[tilespmem:s16], [sflag:$0x3] =	stream.linear.gather [hbm4b:s7+s28], $0x2000, $0x38;
	[tilespmem:$0x18080] =	vst v63  }
0x2a: {  	_ = 	snop  }
0x2b: {  	[tilespmem:s17], [sflag:$0x2] =	stream.linear.gather [hbm4b:s8+s28], $0x2000, $0x38;
	[tilespmem:$0x18080] =	vst v63  }
0x2c: {  	_ = 	snop  }
0x2d: {  	[tilespmem:s18], [sflag:$0x4] =	stream.linear.gather [hbm4b:s9+s28], $0x2000, $0x38;
	[tilespmem:$0x18080] =	vst v63  }
.LBB2_4:
0x2e: {  	_ =	swait.ge [sflag:s19], $0x2000  }
0x2f: {  	[sflag:s19] =	ssyncset.done $0x0  }
0x30: {  	[sflag:s19] =	ssyncadd.s32 $0xFFFFE000  }
0x31: {  	_ =	swait.ge [sflag:s20], $0x2000  }
0x32: {  	[sflag:s20] =	ssyncset.done $0x0  }
0x33: {  	s0 =	simm.s32 $0x40;
	[sflag:s20] =	ssyncadd.s32 $0xFFFFE000  }
0x34: {  	s29 =	simm.s32 $0x4040;
	v7 =	vld [tilespmem:s0+$0xFFFFFFC0]  }
0x35: {  	v8 =	vld [tilespmem:s29+$0xFFFFFFC0]  }
0x36: {  	v9 =	vld [tilespmem:s0+$0xFFFFFFD0]  }
0x37: {  	v10 =	vld [tilespmem:s0+$0xFFFFFFE0]  }
0x38: {  	v11 =	vld [tilespmem:s0+$0xFFFFFFF0]  }
0x39: {  	v13 =	vld [tilespmem:s0+$0x0]  }
0x3a: {  	v15 =	vld [tilespmem:s0+$0x20]  }
0x3b: {  	v18 =	vld [tilespmem:s0+$0x30]  }
0x3c: {  	v25 =	vld [tilespmem:s29+$0xFFFFFFD0]  }
0x3d: {  	v26 =	vld [tilespmem:s29+$0xFFFFFFF0]  }
0x3e: {  	v27 =	vld [tilespmem:s29+$0x0];
	v12 =	vshra.s32 v7, $0x1F;
	vm0 =	vne.s32 v8, $0x0  }
0x3f: {  	v29 =	vld [tilespmem:s29+$0x10];
	vm1 =	vle.f32 v7, $1.000000000e+00;
	v14 =	vshra.s32 v9, $0x1F;
	v20 =	vsub.f32 $1.000000000e+00, v7  }
0x40: {  	v19 =	vshra.s32 v13, $0x1F;
	v28 =	vsub.f32 $1.000000000e+00, v9;
	v31 =	vsub.f32 $1.000000000e+00, v10  }
0x41: {  	v23 =	vshra.s32 v15, $0x1F;
	v32 =	vsub.f32 $1.000000000e+00, v11;
	v35 =	vsub.f32 $1.000000000e+00, v13  }
0x42: {  	v24 =	vshra.s32 v18, $0x1F;
	v38 =	vsub.f32 $1.000000000e+00, v15;
	v39 =	vsub.f32 $1.000000000e+00, v18  }
0x43: {  	vm7 =	vne.s32 v25, $0x0;
	vm5 =	vne.s32 v26, $0x0;
	vm4 =	vne.s32 v27, $0x0  }
0x44: {  	vm3 =	vne.s32 v29, $0x0;
	vm8 =	vle.f32 v9, $1.000000000e+00;
	vm9 =	vle.f32 v10, $1.000000000e+00  }
0x45: {  	vm10 =	vle.f32 v11, $1.000000000e+00;
	vm11 =	vle.f32 v13, $1.000000000e+00;
	v8 =	vor.u32 $0x80000000, v12  }
0x46: {  	vm1 =	vmor vm1, vm0;
	v16 =	vsel vm0, v5, v6;
	v14 =	vor.u32 $0x80000000, v14  }
0x47: {  	v19 =	vor.u32 $0x80000000, v19;
	v23 =	vor.u32 $0x80000000, v23;
	v24 =	vor.u32 $0x80000000, v24  }
0x48: {  	v54 =	vsel vm7, v5, v6;
	v57 =	vsel vm5, v5, v6;
	v58 =	vsel vm4, v5, v6  }
0x49: {  	v59 =	vsel vm3, v5, v6;
	v45 =	vsel vm7, $0x0, v3;
	v47 =	vsel vm5, $0x0, v3  }
0x4a: {  	v61 =	vsel vm4, $0x0, v3;
	vm15 =	vmor vm8, vm7;
	v62 =	vsel vm3, $0x0, v3  }
0x4b: {  	vm14 =	vmor vm10, vm5;
	vm13 =	vmor vm11, vm4;
	v8 =	vxor.u32 v7, v8  }
0x4c: {  	v7 =	vsel vm0, v7, v20;
	v14 =	vxor.u32 v9, v14;
	v19 =	vxor.u32 v13, v19  }
0x4d: {  	v23 =	vxor.u32 v15, v23;
	v24 =	vxor.u32 v18, v24;
	v9 =	vsel vm7, v9, v28  }
0x4e: {  	v32 =	vsel vm5, v11, v32;
	vm5 =	vle.f32 v18, $1.000000000e+00;
	v35 =	vsel vm4, v13, v35  }
0x4f: {  	v33 =	vld [tilespmem:s29+$0x30];
	v17 =	vshrl.u32 v8, $0x16;
	v8 =	vshrl.u32 v8, $0x8;
	v7 =	vmul.f32 v7, v7  }
0x50: {  	v34 =	vshrl.u32 v14, $0x8;
	v41 =	vshrl.u32 v19, $0x8;
	v25 =	vshrl.u32 v23, $0x8  }
0x51: {  	v43 =	vshrl.u32 v24, $0x8;
	v14 =	vshrl.u32 v14, $0x16;
	v19 =	vshrl.u32 v19, $0x16  }
0x52: {  	v30 =	vld [tilespmem:s29+$0x20];
	v23 =	vshrl.u32 v23, $0x16;
	v24 =	vshrl.u32 v24, $0x16;
	vm2 =	veq.s32 v17, v16  }
0x53: {  	v12 =	vld [tilespmem:s0+$0x10];
	v8 =	vand.u32 $0x3FF0, v8;
	v16 =	vsel vm0, $0x0, v3;
	v17 =	vshra.s32 v11, $0x1F  }
0x54: {  	vm0 =	vne.s32 v33, $0x0;
	v52 =	vand.u32 $0x3FF0, v41;
	v25 =	vand.u32 $0x3FF0, v25  }
0x55: {  	v55 =	vand.u32 $0x3FF0, v43;
	vm4 =	veq.s32 v14, v54;
	vm1 =	vmand vm1, vm2  }
0x56: {  	v8 =	vor.u32 v16, v8;
	v16 =	vshra.s32 v10, $0x1F;
	v17 =	vor.u32 $0x80000000, v17  }
0x57: {  	vm2 =	vne.s32 v30, $0x0;
	v44 =	vsel vm0, v5, v6;
	v13 =	vsel vm0, $0x0, v3  }
0x58: {  	v20 =	vld [tilespmem:s29+$0xFFFFFFE0];
	v39 =	vsel vm0, v18, v39;
	v8 =	vor.u32 v1, v8;
	v22 =	vshra.s32 v12, $0x1F  }
0x59: {  	v16 =	vor.u32 $0x80000000, v16;
	v17 =	vxor.u32 v11, v17;
	v36 =	vsub.f32 $1.000000000e+00, v12  }
0x5a: {  	v60 =	vsel vm2, v5, v6;
	vm7 =	vle.f32 v12, $1.000000000e+00;
	v48 =	vsel vm2, $0x0, v3  }
0x5b: {  	v38 =	vsel vm2, v15, v38;
	vm11 =	veq.s32 v24, v44;
	v21 =	vor.u32 $0x4000, v8  }
0x5c: {  	v22 =	vor.u32 $0x80000000, v22;
	v16 =	vxor.u32 v10, v16;
	v40 =	vshrl.u32 v17, $0x8  }
0x5d: {  	vm6 =	vne.s32 v20, $0x0;
	v20 =	vand.u32 $0x3FF0, v34;
	v17 =	vshrl.u32 v17, $0x16  }
0x5e: {  	vm8 =	vmor vm7, vm3;
	v22 =	vxor.u32 v12, v22;
	v37 =	vshrl.u32 v16, $0x8  }
0x5f: {  	v16 =	vshrl.u32 v16, $0x16;
	v27 =	vand.u32 $0x3FF0, v40;
	v56 =	vsel vm6, v5, v6  }
0x60: {  	v46 =	vsel vm6, $0x0, v3;
	v10 =	vsel vm6, v10, v31;
	vm6 =	vmor vm9, vm6  }
0x61: {  	vm9 =	vle.f32 v15, $1.000000000e+00;
	v36 =	vsel vm3, v12, v36;
	v63 =	vor.u32 v45, v20  }
0x62: {  	vm12 =	veq.s32 v17, v57;
	v12 =	vor.u32 v61, v52;
	vm3 =	veq.s32 v23, v60  }
0x63: {  	v15 =	vor.u32 v48, v25;
	v17 =	vor.u32 v13, v55;
	v20 =	vmul.f32 v9, v9  }
0x64: {  	v13 =	vmul.f32 v32, v32;
	v42 =	vshrl.u32 v22, $0x8;
	v26 =	vand.u32 $0x3FF0, v37  }
0x65: {  	v22 =	vshrl.u32 v22, $0x16;
	vm10 =	veq.s32 v16, v56;
	vm7 =	vmor vm9, vm2  }
0x66: {  	v11 =	vor.u32 v47, v27;
	vm9 =	vmor vm5, vm0;
	vm5 =	veq.s32 v19, v58  }
0x67: {  	vm0 =	vmand vm15, vm4;
	v16 =	vmul.f32 v10, v10;
	v23 =	vor.u32 v1, v63  }
0x68: {  	v10 =	vmul.f32 v35, v35;
	v24 =	vor.u32 v4, v63;
	v9 =	vmul.f32 v36, v36  }
0x69: {  	v53 =	vand.u32 $0x3FF0, v42;
	v18 =	vor.u32 v46, v26;
	vm4 =	veq.s32 v22, v59  }
0x6a: {  	[tilespmem:v8+s21+$0x0] =	vst.idx.add.f32.msk vm1, v2;
	v14 =	vor.u32 v62, v53;
	v8 =	vmul.f32 v38, v38  }
0x6b: {  	s30 =	simm.s32 $0x0;
	s31 =	simm.s32 $0xC0;
	v26 =	vor.u32 v1, v18;
	[tilespmem:v21+s21+$0x0] =	vst.idx.add.f32.msk vm1, v7;
	vm1 =	vmand vm6, vm10;
	v7 =	vmul.f32 v39, v39  }
.LBB2_5:
0x6c: {  	v27 =	vld [tilespmem:s31+$0xFFFFFFC0]  }
0x6d: {  	v29 =	vor.u32 v1, v11;
	v30 =	vor.u32 v4, v11;
	v11 =	vld [tilespmem:s31+$0xFFFFFFD0]  }
0x6e: {  	v31 =	vor.u32 v1, v12;
	v32 =	vor.u32 v4, v12;
	v12 =	vld [tilespmem:s31+$0xFFFFFFE0]  }
0x6f: {  	v33 =	vor.u32 v1, v14;
	v34 =	vor.u32 v4, v14;
	v14 =	vld [tilespmem:s31+$0xFFFFFFF0]  }
0x70: {  	v35 =	vor.u32 v1, v15;
	v25 =	vor.u32 v4, v15;
	v15 =	vld [tilespmem:s31+$0x0]  }
0x71: {  	vm6 =	vmand vm14, vm12;
	s29 =	sadd.s32 $0x80, s29;
	v22 =	vor.u32 v1, v17;
	v21 =	vor.u32 v4, v17;
	v17 =	vld [tilespmem:s31+$0x10]  }
0x72: {  	v28 =	vor.u32 v4, v18;
	vm5 =	vmand vm13, vm5;
	v18 =	vld [tilespmem:s29+$0xFFFFFFC0]  }
0x73: {  	vm4 =	vmand vm8, vm4;
	v41 =	vld [tilespmem:s29+$0xFFFFFFF0]  }
0x74: {  	vm3 =	vmand vm7, vm3;
	vm2 =	vmand vm9, vm11;
	v46 =	vld [tilespmem:s29+$0x0];
	v19 =	vshra.s32 v27, $0x1F  }
0x75: {  	v48 =	vld [tilespmem:s29+$0x10];
	vm8 =	vle.f32 v27, $1.000000000e+00;
	v36 =	vshra.s32 v11, $0x1F;
	v40 =	vshra.s32 v12, $0x1F  }
0x76: {  	v51 =	vld [tilespmem:s29+$0x30];
	v42 =	vshra.s32 v14, $0x1F;
	v43 =	vshra.s32 v15, $0x1F;
	v44 =	vsub.f32 $1.000000000e+00, v27  }
0x77: {  	v47 =	vshra.s32 v17, $0x1F;
	v62 =	vsub.f32 $1.000000000e+00, v12;
	v63 =	vsub.f32 $1.000000000e+00, v14;
	[tilespmem:v29+s21+$0x0] =	vst.idx.add.f32.msk vm6, v2  }
0x78: {  	v52 =	vsub.f32 $1.000000000e+00, v15;
	v53 =	vsub.f32 $1.000000000e+00, v17;
	vm11 =	vle.f32 v11, $1.000000000e+00;
	[tilespmem:v31+s21+$0x0] =	vst.idx.add.f32.msk vm5, v2  }
0x79: {  	vm13 =	vle.f32 v15, $1.000000000e+00;
	vm7 =	vne.s32 v18, $0x0;
	v18 =	vor.u32 $0x80000000, v19;
	[tilespmem:v33+s21+$0x0] =	vst.idx.add.f32.msk vm4, v2  }
0x7a: {  	v36 =	vor.u32 $0x80000000, v36;
	v40 =	vor.u32 $0x80000000, v40;
	v19 =	vxor.u32 v27, v18;
	v18 =	vld [tilespmem:s31+$0x20]  }
0x7b: {  	v42 =	vor.u32 $0x80000000, v42;
	v43 =	vor.u32 $0x80000000, v43;
	v27 =	vsel vm7, v27, v44;
	v44 =	vld [tilespmem:s29+$0x20]  }
0x7c: {  	v47 =	vor.u32 $0x80000000, v47;
	vm10 =	vne.s32 v51, $0x0;
	v51 =	vimm.s32 $0x0;
	[tilespmem:v30+s21+$0x0] =	vst.idx.add.f32.msk vm6, v13  }
0x7d: {  	vm8 =	vmor vm8, vm7;
	v37 =	vsel vm7, v5, v6;
	v36 =	vxor.u32 v11, v36;
	[tilespmem:v32+s21+$0x0] =	vst.idx.add.f32.msk vm5, v10  }
0x7e: {  	v58 =	vsel vm7, $0x0, v3;
	v40 =	vxor.u32 v12, v40;
	v42 =	vxor.u32 v14, v42;
	[tilespmem:v34+s21+$0x0] =	vst.idx.add.f32.msk vm4, v9  }
0x7f: {  	v43 =	vxor.u32 v15, v43;
	v61 =	vxor.u32 v17, v47;
	vm7 =	vne.s32 v41, $0x0;
	[tilespmem:v35+s21+$0x0] =	vst.idx.add.f32.msk vm3, v2  }
0x80: {  	vm6 =	vne.s32 v48, $0x0;
	v38 =	vshrl.u32 v19, $0x16;
	v39 =	vshrl.u32 v19, $0x8;
	v19 =	vld [tilespmem:s31+$0x30]  }
0x81: {  	v27 =	vmul.f32 v27, v27;
	v55 =	vshrl.u32 v43, $0x8;
	v56 =	vshrl.u32 v61, $0x8;
	[tilespmem:v25+s21+$0x0] =	vst.idx.add.f32.msk vm3, v8  }
0x82: {  	v13 =	vshrl.u32 v36, $0x16;
	[tilespmem:v22+s21+$0x0] =	vst.idx.add.f32.msk vm2, v2;
	vm9 =	veq.s32 v38, v37;
	v57 =	vand.u32 $0x3FF0, v39  }
0x83: {  	v29 =	vshrl.u32 v40, $0x16;
	v39 =	vld [tilespmem:s29+$0xFFFFFFD0];
	vm8 =	vmand vm8, vm9;
	v37 =	vor.u32 v58, v57  }
0x84: {  	v30 =	vshrl.u32 v43, $0x16;
	v32 =	vshrl.u32 v61, $0x16;
	v38 =	vld [tilespmem:s29+$0xFFFFFFE0];
	v37 =	vor.u32 v1, v37  }
0x85: {  	v25 =	vsel vm7, v5, v6;
	vm3 =	vle.f32 v12, $1.000000000e+00;
	[tilespmem:v23+s21+$0x0] =	vst.idx.add.f32.msk vm0, v2;
	v45 =	vor.u32 $0x4000, v37  }
0x86: {  	v61 =	vsel vm7, v14, v63;
	v23 =	vshrl.u32 v36, $0x8;
	[tilespmem:v26+s21+$0x0] =	vst.idx.add.f32.msk vm1, v2;
	v26 =	vshrl.u32 v42, $0x8  }
0x87: {  	v31 =	vand.u32 $0x3FF0, v55;
	v9 =	vand.u32 $0x3FF0, v56;
	v41 =	vsel vm3, $0xFFFFFFFF, v51;
	[tilespmem:v21+s21+$0x0] =	vst.idx.add.f32.msk vm2, v7  }
0x88: {  	vm3 =	vle.f32 v14, $1.000000000e+00;
	v55 =	vimm.s32 $0x0;
	v56 =	vsel vm7, $0x0, v3;
	[tilespmem:v28+s21+$0x0] =	vst.idx.add.f32.msk vm1, v16  }
0x89: {  	vm2 =	vle.f32 v17, $1.000000000e+00;
	v21 =	vimm.s32 $0x0;
	v49 =	vshra.s32 v18, $0x1F;
	[tilespmem:v37+s21+$0x0] =	vst.idx.add.f32.msk vm8, v2  }
0x8a: {  	v50 =	vshra.s32 v19, $0x1F;
	v59 =	vor.u32 $0x80000000, v49;
	[tilespmem:v45+s21+$0x0] =	vst.idx.add.f32.msk vm8, v27;
	vm8 =	vne.s32 v46, $0x0  }
0x8b: {  	[tilespmem:$0x1FFB0] =	vst v41;
	v60 =	vor.u32 $0x80000000, v50;
	vm1 =	vne.s32 v38, $0x0;
	v7 =	vsel vm8, $0x0, v3  }
0x8c: {  	v49 =	vxor.u32 v19, v60;
	v60 =	vsel vm1, v12, v62;
	v12 =	vor.u32 v7, v31;
	v7 =	vld [tilespmem:$0x1FFB0]  }
0x8d: {  	[tilespmem:v24+s21+$0x0] =	vst.idx.add.f32.msk vm0, v20;
	v20 =	vshrl.u32 v40, $0x8;
	v23 =	vand.u32 $0x3FF0, v23;
	v26 =	vand.u32 $0x3FF0, v26  }
0x8e: {  	v41 =	vsel vm3, $0xFFFFFFFF, v55;
	v21 =	vsel vm2, $0xFFFFFFFF, v21;
	v57 =	vimm.s32 $0x0  }
0x8f: {  	v10 =	vand.u32 $0x3FF0, v20;
	v20 =	vshrl.u32 v42, $0x16;
	[tilespmem:$0x1FFD0] =	vst v21;
	v21 =	vsel vm6, $0x0, v3  }
0x90: {  	[tilespmem:$0x1FFC0] =	vst v41;
	v24 =	vsub.f32 $1.000000000e+00, v18;
	vm9 =	vne.s32 v44, $0x0;
	vm2 =	vle.f32 v18, $1.000000000e+00  }
0x91: {  	vm12 =	veq.s32 v20, v25;
	v14 =	vor.u32 v21, v9;
	vm14 =	vnez.u8 v7;
	v7 =	vld [tilespmem:$0x1FFC0]  }
0x92: {  	v54 =	vsub.f32 $1.000000000e+00, v19;
	v42 =	vsel vm2, $0xFFFFFFFF, v57;
	v58 =	vsel vm9, $0x0, v3  }
0x93: {  	vm15 =	vle.f32 v19, $1.000000000e+00;
	vm0 =	vne.s32 v39, $0x0;
	v38 =	vsel vm9, v5, v6  }
0x94: {  	v63 =	vsel vm9, v18, v24;
	v34 =	vsel vm0, v5, v6;
	v8 =	vsel vm1, v5, v6  }
0x95: {  	v40 =	vsel vm0, $0x0, v3;
	v22 =	vsel vm1, $0x0, v3;
	v62 =	vsel vm6, v17, v53  }
0x96: {  	v19 =	vsel vm10, v19, v54;
	vm1 =	vmor vm14, vm1;
	vm14 =	vnez.u8 v7;
	v7 =	vld [tilespmem:$0x1FFD0]  }
0x97: {  	v37 =	vxor.u32 v18, v59;
	v39 =	vshrl.u32 v49, $0x8;
	v35 =	vshrl.u32 v49, $0x16  }
0x98: {  	v59 =	vsel vm10, $0x0, v3;
	vm2 =	veq.s32 v13, v34;
	v24 =	vor.u32 v40, v23  }
0x99: {  	vm3 =	veq.s32 v29, v8;
	v8 =	vimm.s32 $0x0;
	v18 =	vor.u32 v22, v10  }
0x9a: {  	[tilespmem:$0x1FFE0] =	vst v42;
	v13 =	vmul.f32 v61, v61;
	v9 =	vmul.f32 v62, v62;
	v27 =	vsub.f32 $1.000000000e+00, v11  }
0x9b: {  	v16 =	vshrl.u32 v37, $0x8;
	vm14 =	vmor vm14, vm7;
	vm7 =	vnez.u8 v7;
	v7 =	vld [tilespmem:$0x1FFE0]  }
0x9c: {  	v33 =	vshrl.u32 v37, $0x16;
	v28 =	vand.u32 $0x3FF0, v39;
	v37 =	vsel vm6, v5, v6  }
0x9d: {  	v39 =	vsel vm10, v5, v6;
	v8 =	vsel vm3, $0xFFFFFFFF, v8;
	v23 =	vor.u32 v1, v24  }
0x9e: {  	v24 =	vor.u32 v4, v24;
	v16 =	vand.u32 $0x3FF0, v16;
	v36 =	vsel vm8, v5, v6  }
0x9f: {  	v46 =	vsel vm8, v15, v52;
	[tilespmem:$0x1FFF0] =	vst v8;
	vm4 =	veq.s32 v32, v37;
	vm3 =	veq.s32 v33, v38  }
0xa0: {  	s30 =	sadd.s32 $0x8, s30;
	vm13 =	vmor vm13, vm8;
	vm8 =	vmor vm7, vm6;
	vm6 =	vnez.u8 v7;
	v7 =	vld [tilespmem:$0x1FFF0]  }
0xa1: {  	p0 =	slt.u32 s30, $0x1F8;
	v17 =	vor.u32 v59, v28;
	v8 =	vmul.f32 v63, v63;
	v27 =	vsel vm0, v11, v27  }
.Ltmp1:
0xa2: {  	v11 =	vor.u32 v56, v26;
	vm5 =	veq.s32 v30, v36;
	v15 =	vor.u32 v58, v16;
	(pc) =	sbr.rel @p0 .LBB2_5-.Ltmp1, $4  }
0xa3: {  	vm0 =	vmor vm11, vm0;
	vm11 =	veq.s32 v35, v39;
	v16 =	vmul.f32 v60, v60  }
0xa4: {  	v10 =	vmul.f32 v46, v46;
	v26 =	vor.u32 v1, v18;
	vm0 =	vmand vm0, vm2  }
0xa5: {  	v20 =	vmul.f32 v27, v27;
	vm7 =	vmor vm6, vm9;
	vm2 =	vnez.u8 v7  }
0xa6: {  	s31 =	sadd.s32 $0x80, s31;
	vm9 =	vmor vm15, vm10;
	v7 =	vmul.f32 v19, v19;
	vm1 =	vmand vm1, vm2  }
0xa7: {  	_ =	sdelay $0x2  }
0xa8: {  	v18 =	vor.u32 v4, v18;
	vm2 =	vmand vm14, vm12  }
0xa9: {  	v19 =	vor.u32 v1, v11;
	vm5 =	vmand vm13, vm5  }
0xaa: {  	[tilespmem:v23+s21+$0x0] =	vst.idx.add.f32.msk vm0, v2;
	v21 =	vor.u32 v1, v12  }
0xab: {  	v11 =	vor.u32 v4, v11;
	[tilespmem:v26+s21+$0x0] =	vst.idx.add.f32.msk vm1, v2  }
0xac: {  	v12 =	vor.u32 v4, v12;
	[tilespmem:v24+s21+$0x0] =	vst.idx.add.f32.msk vm0, v20;
	vm0 =	vmand vm8, vm4  }
0xad: {  	v20 =	vor.u32 v1, v14;
	[tilespmem:v18+s21+$0x0] =	vst.idx.add.f32.msk vm1, v16  }
0xae: {  	v14 =	vor.u32 v4, v14;
	vm1 =	vmand vm7, vm3;
	[tilespmem:v19+s21+$0x0] =	vst.idx.add.f32.msk vm2, v2  }
0xaf: {  	v16 =	vor.u32 v1, v15;
	[tilespmem:v21+s21+$0x0] =	vst.idx.add.f32.msk vm5, v2  }
0xb0: {  	[tilespmem:v11+s21+$0x0] =	vst.idx.add.f32.msk vm2, v13;
	v11 =	vor.u32 v4, v15;
	vm2 =	vmand vm9, vm11  }
0xb1: {  	v13 =	vor.u32 v1, v17;
	[tilespmem:v12+s21+$0x0] =	vst.idx.add.f32.msk vm5, v10  }
0xb2: {  	v10 =	vor.u32 v4, v17;
	[tilespmem:v20+s21+$0x0] =	vst.idx.add.f32.msk vm0, v2  }
0xb3: {  	[tilespmem:v14+s21+$0x0] =	vst.idx.add.f32.msk vm0, v9  }
0xb4: {  	s29 =	sshll.u32 s28, $0xE;
	[tilespmem:v16+s21+$0x0] =	vst.idx.add.f32.msk vm1, v2  }
0xb5: {  	s0 =	sadd.s32 s29, s10;
	[tilespmem:v11+s21+$0x0] =	vst.idx.add.f32.msk vm1, v8  }
0xb6: {  	s0 =	sshrl.u32 s0, $0x3;
	[tilespmem:v13+s21+$0x0] =	vst.idx.add.f32.msk vm2, v2  }
0xb7: {  	s30 =	sadd.s32 s2, s0;
	[tilespmem:v10+s21+$0x0] =	vst.idx.add.f32.msk vm2, v7  }
0xb8: {  	[tilespmem:s4], [sflag:$0x1] =	stream.linear.gather [hbm4b:s30+s4], $0x2000, $0x38;
	[tilespmem:$0x18080] =	vst v63  }
0xb9: {  	s0 =	sadd.s32 s3, s0  }
0xba: {  	[tilespmem:s16], [sflag:$0x3] =	stream.linear.gather [hbm4b:s0+s4], $0x2000, $0x38;
	[tilespmem:$0x18080] =	vst v63  }
0xbb: {  	_ =	swait.ge [sflag:s22], $0x2000  }
0xbc: {  	[sflag:s22] =	ssyncset.done $0x0  }
0xbd: {  	[sflag:s22] =	ssyncadd.s32 $0xFFFFE000  }
0xbe: {  	_ =	swait.ge [sflag:s23], $0x2000  }
0xbf: {  	[sflag:s23] =	ssyncset.done $0x0  }
0xc0: {  	s0 =	simm.s32 $0x2040;
	[sflag:s23] =	ssyncadd.s32 $0xFFFFE000  }
0xc1: {  	s30 =	simm.s32 $0x6040;
	v7 =	vld [tilespmem:s0+$0xFFFFFFC0]  }
0xc2: {  	v8 =	vld [tilespmem:s30+$0xFFFFFFC0]  }
0xc3: {  	v9 =	vld [tilespmem:s0+$0xFFFFFFD0]  }
0xc4: {  	v10 =	vld [tilespmem:s0+$0xFFFFFFE0]  }
0xc5: {  	v11 =	vld [tilespmem:s0+$0xFFFFFFF0]  }
0xc6: {  	v13 =	vld [tilespmem:s0+$0x0]  }
0xc7: {  	v15 =	vld [tilespmem:s0+$0x20]  }
0xc8: {  	v18 =	vld [tilespmem:s0+$0x30]  }
0xc9: {  	v25 =	vld [tilespmem:s30+$0xFFFFFFD0]  }
0xca: {  	v26 =	vld [tilespmem:s30+$0xFFFFFFF0]  }
0xcb: {  	v27 =	vld [tilespmem:s30+$0x0];
	v12 =	vshra.s32 v7, $0x1F;
	vm0 =	vne.s32 v8, $0x0  }
0xcc: {  	v29 =	vld [tilespmem:s30+$0x10];
	vm1 =	vle.f32 v7, $1.000000000e+00;
	v14 =	vshra.s32 v9, $0x1F;
	v20 =	vsub.f32 $1.000000000e+00, v7  }
0xcd: {  	v19 =	vshra.s32 v13, $0x1F;
	v28 =	vsub.f32 $1.000000000e+00, v9;
	v31 =	vsub.f32 $1.000000000e+00, v10  }
0xce: {  	v23 =	vshra.s32 v15, $0x1F;
	v32 =	vsub.f32 $1.000000000e+00, v11;
	v35 =	vsub.f32 $1.000000000e+00, v13  }
0xcf: {  	v24 =	vshra.s32 v18, $0x1F;
	v38 =	vsub.f32 $1.000000000e+00, v15;
	v39 =	vsub.f32 $1.000000000e+00, v18  }
0xd0: {  	vm7 =	vne.s32 v25, $0x0;
	vm5 =	vne.s32 v26, $0x0;
	vm4 =	vne.s32 v27, $0x0  }
0xd1: {  	vm3 =	vne.s32 v29, $0x0;
	vm8 =	vle.f32 v9, $1.000000000e+00;
	vm9 =	vle.f32 v10, $1.000000000e+00  }
0xd2: {  	vm10 =	vle.f32 v11, $1.000000000e+00;
	vm11 =	vle.f32 v13, $1.000000000e+00;
	v8 =	vor.u32 $0x80000000, v12  }
0xd3: {  	vm1 =	vmor vm1, vm0;
	v16 =	vsel vm0, v5, v6;
	v14 =	vor.u32 $0x80000000, v14  }
0xd4: {  	v19 =	vor.u32 $0x80000000, v19;
	v23 =	vor.u32 $0x80000000, v23;
	v24 =	vor.u32 $0x80000000, v24  }
0xd5: {  	v54 =	vsel vm7, v5, v6;
	v57 =	vsel vm5, v5, v6;
	v58 =	vsel vm4, v5, v6  }
0xd6: {  	v59 =	vsel vm3, v5, v6;
	v45 =	vsel vm7, $0x0, v3;
	v47 =	vsel vm5, $0x0, v3  }
0xd7: {  	v61 =	vsel vm4, $0x0, v3;
	vm15 =	vmor vm8, vm7;
	v62 =	vsel vm3, $0x0, v3  }
0xd8: {  	vm14 =	vmor vm10, vm5;
	vm13 =	vmor vm11, vm4;
	v8 =	vxor.u32 v7, v8  }
0xd9: {  	v7 =	vsel vm0, v7, v20;
	v14 =	vxor.u32 v9, v14;
	v19 =	vxor.u32 v13, v19  }
0xda: {  	v23 =	vxor.u32 v15, v23;
	v24 =	vxor.u32 v18, v24;
	v9 =	vsel vm7, v9, v28  }
0xdb: {  	v32 =	vsel vm5, v11, v32;
	vm5 =	vle.f32 v18, $1.000000000e+00;
	v35 =	vsel vm4, v13, v35  }
0xdc: {  	v33 =	vld [tilespmem:s30+$0x30];
	v17 =	vshrl.u32 v8, $0x16;
	v8 =	vshrl.u32 v8, $0x8;
	v7 =	vmul.f32 v7, v7  }
0xdd: {  	v34 =	vshrl.u32 v14, $0x8;
	v41 =	vshrl.u32 v19, $0x8;
	v25 =	vshrl.u32 v23, $0x8  }
0xde: {  	v43 =	vshrl.u32 v24, $0x8;
	v14 =	vshrl.u32 v14, $0x16;
	v19 =	vshrl.u32 v19, $0x16  }
0xdf: {  	v30 =	vld [tilespmem:s30+$0x20];
	v23 =	vshrl.u32 v23, $0x16;
	v24 =	vshrl.u32 v24, $0x16;
	vm2 =	veq.s32 v17, v16  }
0xe0: {  	v12 =	vld [tilespmem:s0+$0x10];
	v8 =	vand.u32 $0x3FF0, v8;
	v16 =	vsel vm0, $0x0, v3;
	v17 =	vshra.s32 v11, $0x1F  }
0xe1: {  	vm0 =	vne.s32 v33, $0x0;
	v52 =	vand.u32 $0x3FF0, v41;
	v25 =	vand.u32 $0x3FF0, v25  }
0xe2: {  	v55 =	vand.u32 $0x3FF0, v43;
	vm4 =	veq.s32 v14, v54;
	vm1 =	vmand vm1, vm2  }
0xe3: {  	v8 =	vor.u32 v16, v8;
	v16 =	vshra.s32 v10, $0x1F;
	v17 =	vor.u32 $0x80000000, v17  }
0xe4: {  	vm2 =	vne.s32 v30, $0x0;
	v44 =	vsel vm0, v5, v6;
	v13 =	vsel vm0, $0x0, v3  }
0xe5: {  	v20 =	vld [tilespmem:s30+$0xFFFFFFE0];
	v39 =	vsel vm0, v18, v39;
	v8 =	vor.u32 v1, v8;
	v22 =	vshra.s32 v12, $0x1F  }
0xe6: {  	v16 =	vor.u32 $0x80000000, v16;
	v17 =	vxor.u32 v11, v17;
	v36 =	vsub.f32 $1.000000000e+00, v12  }
0xe7: {  	v60 =	vsel vm2, v5, v6;
	vm7 =	vle.f32 v12, $1.000000000e+00;
	v48 =	vsel vm2, $0x0, v3  }
0xe8: {  	v38 =	vsel vm2, v15, v38;
	vm11 =	veq.s32 v24, v44;
	v21 =	vor.u32 $0x4000, v8  }
0xe9: {  	v22 =	vor.u32 $0x80000000, v22;
	v16 =	vxor.u32 v10, v16;
	v40 =	vshrl.u32 v17, $0x8  }
0xea: {  	vm6 =	vne.s32 v20, $0x0;
	v20 =	vand.u32 $0x3FF0, v34;
	v17 =	vshrl.u32 v17, $0x16  }
0xeb: {  	vm8 =	vmor vm7, vm3;
	v22 =	vxor.u32 v12, v22;
	v37 =	vshrl.u32 v16, $0x8  }
0xec: {  	v16 =	vshrl.u32 v16, $0x16;
	v27 =	vand.u32 $0x3FF0, v40;
	v56 =	vsel vm6, v5, v6  }
0xed: {  	v46 =	vsel vm6, $0x0, v3;
	v10 =	vsel vm6, v10, v31;
	vm6 =	vmor vm9, vm6  }
0xee: {  	vm9 =	vle.f32 v15, $1.000000000e+00;
	v36 =	vsel vm3, v12, v36;
	v63 =	vor.u32 v45, v20  }
0xef: {  	vm12 =	veq.s32 v17, v57;
	v12 =	vor.u32 v61, v52;
	vm3 =	veq.s32 v23, v60  }
0xf0: {  	v15 =	vor.u32 v48, v25;
	v17 =	vor.u32 v13, v55;
	v20 =	vmul.f32 v9, v9  }
0xf1: {  	v13 =	vmul.f32 v32, v32;
	v42 =	vshrl.u32 v22, $0x8;
	v26 =	vand.u32 $0x3FF0, v37  }
0xf2: {  	v22 =	vshrl.u32 v22, $0x16;
	vm10 =	veq.s32 v16, v56;
	vm7 =	vmor vm9, vm2  }
0xf3: {  	v11 =	vor.u32 v47, v27;
	vm9 =	vmor vm5, vm0;
	vm5 =	veq.s32 v19, v58  }
0xf4: {  	vm0 =	vmand vm15, vm4;
	v16 =	vmul.f32 v10, v10;
	v23 =	vor.u32 v1, v63  }
0xf5: {  	v10 =	vmul.f32 v35, v35;
	v24 =	vor.u32 v4, v63;
	v9 =	vmul.f32 v36, v36  }
0xf6: {  	v53 =	vand.u32 $0x3FF0, v42;
	v18 =	vor.u32 v46, v26;
	vm4 =	veq.s32 v22, v59  }
0xf7: {  	[tilespmem:v8+s21+$0x0] =	vst.idx.add.f32.msk vm1, v2;
	v14 =	vor.u32 v62, v53;
	v8 =	vmul.f32 v38, v38  }
0xf8: {  	s31 =	simm.s32 $0x0;
	s0 =	simm.s32 $0x20C0;
	v26 =	vor.u32 v1, v18;
	[tilespmem:v21+s21+$0x0] =	vst.idx.add.f32.msk vm1, v7;
	vm1 =	vmand vm6, vm10;
	v7 =	vmul.f32 v39, v39  }
.LBB2_7:
0xf9: {  	v27 =	vld [tilespmem:s0+$0xFFFFFFC0]  }
0xfa: {  	v29 =	vor.u32 v1, v11;
	v30 =	vor.u32 v4, v11;
	v11 =	vld [tilespmem:s0+$0xFFFFFFD0]  }
0xfb: {  	v31 =	vor.u32 v1, v12;
	v32 =	vor.u32 v4, v12;
	v12 =	vld [tilespmem:s0+$0xFFFFFFE0]  }
0xfc: {  	v33 =	vor.u32 v1, v14;
	v34 =	vor.u32 v4, v14;
	v14 =	vld [tilespmem:s0+$0xFFFFFFF0]  }
0xfd: {  	v35 =	vor.u32 v1, v15;
	v25 =	vor.u32 v4, v15;
	v15 =	vld [tilespmem:s0+$0x0]  }
0xfe: {  	vm6 =	vmand vm14, vm12;
	s30 =	sadd.s32 $0x80, s30;
	v22 =	vor.u32 v1, v17;
	v21 =	vor.u32 v4, v17;
	v17 =	vld [tilespmem:s0+$0x10]  }
0xff: {  	v28 =	vor.u32 v4, v18;
	vm5 =	vmand vm13, vm5;
	v18 =	vld [tilespmem:s30+$0xFFFFFFC0]  }
0x100: {  	vm4 =	vmand vm8, vm4;
	v41 =	vld [tilespmem:s30+$0xFFFFFFF0]  }
0x101: {  	vm3 =	vmand vm7, vm3;
	vm2 =	vmand vm9, vm11;
	v46 =	vld [tilespmem:s30+$0x0];
	v19 =	vshra.s32 v27, $0x1F  }
0x102: {  	v48 =	vld [tilespmem:s30+$0x10];
	vm8 =	vle.f32 v27, $1.000000000e+00;
	v36 =	vshra.s32 v11, $0x1F;
	v40 =	vshra.s32 v12, $0x1F  }
0x103: {  	v51 =	vld [tilespmem:s30+$0x30];
	v42 =	vshra.s32 v14, $0x1F;
	v43 =	vshra.s32 v15, $0x1F;
	v44 =	vsub.f32 $1.000000000e+00, v27  }
0x104: {  	v47 =	vshra.s32 v17, $0x1F;
	v62 =	vsub.f32 $1.000000000e+00, v12;
	v63 =	vsub.f32 $1.000000000e+00, v14;
	[tilespmem:v29+s21+$0x0] =	vst.idx.add.f32.msk vm6, v2  }
0x105: {  	v52 =	vsub.f32 $1.000000000e+00, v15;
	v53 =	vsub.f32 $1.000000000e+00, v17;
	vm11 =	vle.f32 v11, $1.000000000e+00;
	[tilespmem:v31+s21+$0x0] =	vst.idx.add.f32.msk vm5, v2  }
0x106: {  	vm13 =	vle.f32 v15, $1.000000000e+00;
	vm7 =	vne.s32 v18, $0x0;
	v18 =	vor.u32 $0x80000000, v19;
	[tilespmem:v33+s21+$0x0] =	vst.idx.add.f32.msk vm4, v2  }
0x107: {  	v36 =	vor.u32 $0x80000000, v36;
	v40 =	vor.u32 $0x80000000, v40;
	v19 =	vxor.u32 v27, v18;
	v18 =	vld [tilespmem:s0+$0x20]  }
0x108: {  	v42 =	vor.u32 $0x80000000, v42;
	v43 =	vor.u32 $0x80000000, v43;
	v27 =	vsel vm7, v27, v44;
	v44 =	vld [tilespmem:s30+$0x20]  }
0x109: {  	v47 =	vor.u32 $0x80000000, v47;
	vm10 =	vne.s32 v51, $0x0;
	v51 =	vimm.s32 $0x0;
	[tilespmem:v30+s21+$0x0] =	vst.idx.add.f32.msk vm6, v13  }
0x10a: {  	vm8 =	vmor vm8, vm7;
	v37 =	vsel vm7, v5, v6;
	v36 =	vxor.u32 v11, v36;
	[tilespmem:v32+s21+$0x0] =	vst.idx.add.f32.msk vm5, v10  }
0x10b: {  	v58 =	vsel vm7, $0x0, v3;
	v40 =	vxor.u32 v12, v40;
	v42 =	vxor.u32 v14, v42;
	[tilespmem:v34+s21+$0x0] =	vst.idx.add.f32.msk vm4, v9  }
0x10c: {  	v43 =	vxor.u32 v15, v43;
	v61 =	vxor.u32 v17, v47;
	vm7 =	vne.s32 v41, $0x0;
	[tilespmem:v35+s21+$0x0] =	vst.idx.add.f32.msk vm3, v2  }
0x10d: {  	vm6 =	vne.s32 v48, $0x0;
	v38 =	vshrl.u32 v19, $0x16;
	v39 =	vshrl.u32 v19, $0x8;
	v19 =	vld [tilespmem:s0+$0x30]  }
0x10e: {  	v27 =	vmul.f32 v27, v27;
	v55 =	vshrl.u32 v43, $0x8;
	v56 =	vshrl.u32 v61, $0x8;
	[tilespmem:v25+s21+$0x0] =	vst.idx.add.f32.msk vm3, v8  }
0x10f: {  	v13 =	vshrl.u32 v36, $0x16;
	[tilespmem:v22+s21+$0x0] =	vst.idx.add.f32.msk vm2, v2;
	vm9 =	veq.s32 v38, v37;
	v57 =	vand.u32 $0x3FF0, v39  }
0x110: {  	v29 =	vshrl.u32 v40, $0x16;
	v39 =	vld [tilespmem:s30+$0xFFFFFFD0];
	vm8 =	vmand vm8, vm9;
	v37 =	vor.u32 v58, v57  }
0x111: {  	v30 =	vshrl.u32 v43, $0x16;
	v32 =	vshrl.u32 v61, $0x16;
	v38 =	vld [tilespmem:s30+$0xFFFFFFE0];
	v37 =	vor.u32 v1, v37  }
0x112: {  	v25 =	vsel vm7, v5, v6;
	vm3 =	vle.f32 v12, $1.000000000e+00;
	[tilespmem:v23+s21+$0x0] =	vst.idx.add.f32.msk vm0, v2;
	v45 =	vor.u32 $0x4000, v37  }
0x113: {  	v61 =	vsel vm7, v14, v63;
	v23 =	vshrl.u32 v36, $0x8;
	[tilespmem:v26+s21+$0x0] =	vst.idx.add.f32.msk vm1, v2;
	v26 =	vshrl.u32 v42, $0x8  }
0x114: {  	v31 =	vand.u32 $0x3FF0, v55;
	v9 =	vand.u32 $0x3FF0, v56;
	v41 =	vsel vm3, $0xFFFFFFFF, v51;
	[tilespmem:v21+s21+$0x0] =	vst.idx.add.f32.msk vm2, v7  }
0x115: {  	vm3 =	vle.f32 v14, $1.000000000e+00;
	v55 =	vimm.s32 $0x0;
	v56 =	vsel vm7, $0x0, v3;
	[tilespmem:v28+s21+$0x0] =	vst.idx.add.f32.msk vm1, v16  }
0x116: {  	vm2 =	vle.f32 v17, $1.000000000e+00;
	v21 =	vimm.s32 $0x0;
	v49 =	vshra.s32 v18, $0x1F;
	[tilespmem:v37+s21+$0x0] =	vst.idx.add.f32.msk vm8, v2  }
0x117: {  	v50 =	vshra.s32 v19, $0x1F;
	v59 =	vor.u32 $0x80000000, v49;
	[tilespmem:v45+s21+$0x0] =	vst.idx.add.f32.msk vm8, v27;
	vm8 =	vne.s32 v46, $0x0  }
0x118: {  	[tilespmem:$0x1FF60] =	vst v41;
	v60 =	vor.u32 $0x80000000, v50;
	vm1 =	vne.s32 v38, $0x0;
	v7 =	vsel vm8, $0x0, v3  }
0x119: {  	v49 =	vxor.u32 v19, v60;
	v60 =	vsel vm1, v12, v62;
	v12 =	vor.u32 v7, v31;
	v7 =	vld [tilespmem:$0x1FF60]  }
0x11a: {  	[tilespmem:v24+s21+$0x0] =	vst.idx.add.f32.msk vm0, v20;
	v20 =	vshrl.u32 v40, $0x8;
	v23 =	vand.u32 $0x3FF0, v23;
	v26 =	vand.u32 $0x3FF0, v26  }
0x11b: {  	v41 =	vsel vm3, $0xFFFFFFFF, v55;
	v21 =	vsel vm2, $0xFFFFFFFF, v21;
	v57 =	vimm.s32 $0x0  }
0x11c: {  	v10 =	vand.u32 $0x3FF0, v20;
	v20 =	vshrl.u32 v42, $0x16;
	[tilespmem:$0x1FF80] =	vst v21;
	v21 =	vsel vm6, $0x0, v3  }
0x11d: {  	[tilespmem:$0x1FF70] =	vst v41;
	v24 =	vsub.f32 $1.000000000e+00, v18;
	vm9 =	vne.s32 v44, $0x0;
	vm2 =	vle.f32 v18, $1.000000000e+00  }
0x11e: {  	vm12 =	veq.s32 v20, v25;
	v14 =	vor.u32 v21, v9;
	vm14 =	vnez.u8 v7;
	v7 =	vld [tilespmem:$0x1FF70]  }
0x11f: {  	v54 =	vsub.f32 $1.000000000e+00, v19;
	v42 =	vsel vm2, $0xFFFFFFFF, v57;
	v58 =	vsel vm9, $0x0, v3  }
0x120: {  	vm15 =	vle.f32 v19, $1.000000000e+00;
	vm0 =	vne.s32 v39, $0x0;
	v38 =	vsel vm9, v5, v6  }
0x121: {  	v63 =	vsel vm9, v18, v24;
	v34 =	vsel vm0, v5, v6;
	v8 =	vsel vm1, v5, v6  }
0x122: {  	v40 =	vsel vm0, $0x0, v3;
	v22 =	vsel vm1, $0x0, v3;
	v62 =	vsel vm6, v17, v53  }
0x123: {  	v19 =	vsel vm10, v19, v54;
	vm1 =	vmor vm14, vm1;
	vm14 =	vnez.u8 v7;
	v7 =	vld [tilespmem:$0x1FF80]  }
0x124: {  	v37 =	vxor.u32 v18, v59;
	v39 =	vshrl.u32 v49, $0x8;
	v35 =	vshrl.u32 v49, $0x16  }
0x125: {  	v59 =	vsel vm10, $0x0, v3;
	vm2 =	veq.s32 v13, v34;
	v24 =	vor.u32 v40, v23  }
0x126: {  	vm3 =	veq.s32 v29, v8;
	v8 =	vimm.s32 $0x0;
	v18 =	vor.u32 v22, v10  }
0x127: {  	[tilespmem:$0x1FF90] =	vst v42;
	v13 =	vmul.f32 v61, v61;
	v9 =	vmul.f32 v62, v62;
	v27 =	vsub.f32 $1.000000000e+00, v11  }
0x128: {  	v16 =	vshrl.u32 v37, $0x8;
	vm14 =	vmor vm14, vm7;
	vm7 =	vnez.u8 v7;
	v7 =	vld [tilespmem:$0x1FF90]  }
0x129: {  	v33 =	vshrl.u32 v37, $0x16;
	v28 =	vand.u32 $0x3FF0, v39;
	v37 =	vsel vm6, v5, v6  }
0x12a: {  	v39 =	vsel vm10, v5, v6;
	v8 =	vsel vm3, $0xFFFFFFFF, v8;
	v23 =	vor.u32 v1, v24  }
0x12b: {  	v24 =	vor.u32 v4, v24;
	v16 =	vand.u32 $0x3FF0, v16;
	v36 =	vsel vm8, v5, v6  }
0x12c: {  	v46 =	vsel vm8, v15, v52;
	[tilespmem:$0x1FFA0] =	vst v8;
	vm4 =	veq.s32 v32, v37;
	vm3 =	veq.s32 v33, v38  }
0x12d: {  	s31 =	sadd.s32 $0x8, s31;
	vm13 =	vmor vm13, vm8;
	vm8 =	vmor vm7, vm6;
	vm6 =	vnez.u8 v7;
	v7 =	vld [tilespmem:$0x1FFA0]  }
0x12e: {  	p0 =	slt.u32 s31, $0x1F8;
	v17 =	vor.u32 v59, v28;
	v8 =	vmul.f32 v63, v63;
	v27 =	vsel vm0, v11, v27  }
.Ltmp2:
0x12f: {  	v11 =	vor.u32 v56, v26;
	vm5 =	veq.s32 v30, v36;
	v15 =	vor.u32 v58, v16;
	(pc) =	sbr.rel @p0 .LBB2_7-.Ltmp2, $4  }
0x130: {  	vm0 =	vmor vm11, vm0;
	vm11 =	veq.s32 v35, v39;
	v16 =	vmul.f32 v60, v60  }
0x131: {  	v10 =	vmul.f32 v46, v46;
	v26 =	vor.u32 v1, v18;
	vm0 =	vmand vm0, vm2  }
0x132: {  	v20 =	vmul.f32 v27, v27;
	vm7 =	vmor vm6, vm9;
	vm2 =	vnez.u8 v7  }
0x133: {  	s0 =	sadd.s32 $0x80, s0;
	vm9 =	vmor vm15, vm10;
	v7 =	vmul.f32 v19, v19;
	vm1 =	vmand vm1, vm2  }
0x134: {  	_ =	sdelay $0x2  }
0x135: {  	v18 =	vor.u32 v4, v18;
	vm2 =	vmand vm14, vm12  }
0x136: {  	v19 =	vor.u32 v1, v11;
	vm5 =	vmand vm13, vm5  }
0x137: {  	[tilespmem:v23+s21+$0x0] =	vst.idx.add.f32.msk vm0, v2;
	v21 =	vor.u32 v1, v12;
	vm13 =	vmand vm8, vm4  }
0x138: {  	[tilespmem:v26+s21+$0x0] =	vst.idx.add.f32.msk vm1, v2;
	v58 =	vor.u32 v1, v14;
	vm14 =	vmand vm7, vm3  }
0x139: {  	v60 =	vor.u32 v1, v15;
	vm15 =	vmand vm9, vm11;
	[tilespmem:v24+s21+$0x0] =	vst.idx.add.f32.msk vm0, v20  }
0x13a: {  	v62 =	vor.u32 v1, v17;
	[tilespmem:v18+s21+$0x0] =	vst.idx.add.f32.msk vm1, v16  }
0x13b: {  	v56 =	vor.u32 v4, v11;
	[tilespmem:v19+s21+$0x0] =	vst.idx.add.f32.msk vm2, v2  }
0x13c: {  	v57 =	vor.u32 v4, v12;
	[tilespmem:v21+s21+$0x0] =	vst.idx.add.f32.msk vm5, v2  }
0x13d: {  	v59 =	vor.u32 v4, v14;
	[tilespmem:v58+s21+$0x0] =	vst.idx.add.f32.msk vm13, v2  }
0x13e: {  	v61 =	vor.u32 v4, v15;
	[tilespmem:v60+s21+$0x0] =	vst.idx.add.f32.msk vm14, v2  }
0x13f: {  	v63 =	vor.u32 v4, v17;
	[tilespmem:v62+s21+$0x0] =	vst.idx.add.f32.msk vm15, v2  }
0x140: {  	[tilespmem:v56+s21+$0x0] =	vst.idx.add.f32.msk vm2, v13  }
0x141: {  	s28 =	sadd.s32 $0x1, s28;
	[tilespmem:v57+s21+$0x0] =	vst.idx.add.f32.msk vm5, v10  }
0x142: {  	s0 =	sadd.s32 s29, s11;
	p0 =	sne.s32 s28, $0x17;
	[tilespmem:v59+s21+$0x0] =	vst.idx.add.f32.msk vm13, v9  }
.Ltmp3:
0x143: {  	s0 =	sshrl.u32 s0, $0x3;
	[tilespmem:v61+s21+$0x0] =	vst.idx.add.f32.msk vm14, v8;
	(pc) =	sbr.rel @p0 .LBB2_4-.Ltmp3, $4  }
0x144: {  	s31 =	sadd.s32 s2, s0;
	[tilespmem:v63+s21+$0x0] =	vst.idx.add.f32.msk vm15, v7  }
0x145: {  	[tilespmem:s17], [sflag:$0x2] =	stream.linear.gather [hbm4b:s31+s4], $0x2000, $0x38;
	[tilespmem:$0x18080] =	vst v63  }
0x146: {  	s0 =	sadd.s32 s3, s0  }
0x147: {  	[tilespmem:s18], [sflag:$0x4] =	stream.linear.gather [hbm4b:s0+s4], $0x2000, $0x38;
	[tilespmem:$0x18080] =	vst v63  }
0x148: {  	_ =	swait.ge [sflag:s19], $0x2000  }
0x149: {  	[sflag:s19] =	ssyncset.done $0x0  }
0x14a: {  	[sflag:s19] =	ssyncadd.s32 $0xFFFFE000  }
0x14b: {  	_ =	swait.ge [sflag:s20], $0x2000  }
0x14c: {  	[sflag:s20] =	ssyncset.done $0x0  }
0x14d: {  	s0 =	simm.s32 $0x40;
	[sflag:s20] =	ssyncadd.s32 $0xFFFFE000  }
0x14e: {  	s28 =	simm.s32 $0x4040;
	v7 =	vld [tilespmem:s0+$0xFFFFFFC0]  }
0x14f: {  	v8 =	vld [tilespmem:s28+$0xFFFFFFC0]  }
0x150: {  	v9 =	vld [tilespmem:s0+$0xFFFFFFD0]  }
0x151: {  	v10 =	vld [tilespmem:s0+$0xFFFFFFE0]  }
0x152: {  	v11 =	vld [tilespmem:s0+$0xFFFFFFF0]  }
0x153: {  	v13 =	vld [tilespmem:s0+$0x0]  }
0x154: {  	v15 =	vld [tilespmem:s0+$0x20]  }
0x155: {  	v18 =	vld [tilespmem:s0+$0x30]  }
0x156: {  	v25 =	vld [tilespmem:s28+$0xFFFFFFD0]  }
0x157: {  	v26 =	vld [tilespmem:s28+$0xFFFFFFF0]  }
0x158: {  	v27 =	vld [tilespmem:s28+$0x0];
	v12 =	vshra.s32 v7, $0x1F;
	vm0 =	vne.s32 v8, $0x0  }
0x159: {  	v29 =	vld [tilespmem:s28+$0x10];
	vm1 =	vle.f32 v7, $1.000000000e+00;
	v14 =	vshra.s32 v9, $0x1F;
	v20 =	vsub.f32 $1.000000000e+00, v7  }
0x15a: {  	v19 =	vshra.s32 v13, $0x1F;
	v28 =	vsub.f32 $1.000000000e+00, v9;
	v31 =	vsub.f32 $1.000000000e+00, v10  }
0x15b: {  	v23 =	vshra.s32 v15, $0x1F;
	v32 =	vsub.f32 $1.000000000e+00, v11;
	v35 =	vsub.f32 $1.000000000e+00, v13  }
0x15c: {  	v24 =	vshra.s32 v18, $0x1F;
	v38 =	vsub.f32 $1.000000000e+00, v15;
	v39 =	vsub.f32 $1.000000000e+00, v18  }
0x15d: {  	vm7 =	vne.s32 v25, $0x0;
	vm5 =	vne.s32 v26, $0x0;
	vm4 =	vne.s32 v27, $0x0  }
0x15e: {  	vm3 =	vne.s32 v29, $0x0;
	vm8 =	vle.f32 v9, $1.000000000e+00;
	vm9 =	vle.f32 v10, $1.000000000e+00  }
0x15f: {  	vm10 =	vle.f32 v11, $1.000000000e+00;
	vm11 =	vle.f32 v13, $1.000000000e+00;
	v8 =	vor.u32 $0x80000000, v12  }
0x160: {  	vm1 =	vmor vm1, vm0;
	v16 =	vsel vm0, v5, v6;
	v14 =	vor.u32 $0x80000000, v14  }
0x161: {  	v19 =	vor.u32 $0x80000000, v19;
	v23 =	vor.u32 $0x80000000, v23;
	v24 =	vor.u32 $0x80000000, v24  }
0x162: {  	v54 =	vsel vm7, v5, v6;
	v57 =	vsel vm5, v5, v6;
	v58 =	vsel vm4, v5, v6  }
0x163: {  	v59 =	vsel vm3, v5, v6;
	v45 =	vsel vm7, $0x0, v3;
	v47 =	vsel vm5, $0x0, v3  }
0x164: {  	v61 =	vsel vm4, $0x0, v3;
	vm15 =	vmor vm8, vm7;
	v62 =	vsel vm3, $0x0, v3  }
0x165: {  	vm14 =	vmor vm10, vm5;
	vm13 =	vmor vm11, vm4;
	v8 =	vxor.u32 v7, v8  }
0x166: {  	v7 =	vsel vm0, v7, v20;
	v14 =	vxor.u32 v9, v14;
	v19 =	vxor.u32 v13, v19  }
0x167: {  	v23 =	vxor.u32 v15, v23;
	v24 =	vxor.u32 v18, v24;
	v9 =	vsel vm7, v9, v28  }
0x168: {  	v32 =	vsel vm5, v11, v32;
	vm5 =	vle.f32 v18, $1.000000000e+00;
	v35 =	vsel vm4, v13, v35  }
0x169: {  	v33 =	vld [tilespmem:s28+$0x30];
	v17 =	vshrl.u32 v8, $0x16;
	v8 =	vshrl.u32 v8, $0x8;
	v7 =	vmul.f32 v7, v7  }
0x16a: {  	v34 =	vshrl.u32 v14, $0x8;
	v41 =	vshrl.u32 v19, $0x8;
	v25 =	vshrl.u32 v23, $0x8  }
0x16b: {  	v43 =	vshrl.u32 v24, $0x8;
	v14 =	vshrl.u32 v14, $0x16;
	v19 =	vshrl.u32 v19, $0x16  }
0x16c: {  	v30 =	vld [tilespmem:s28+$0x20];
	v23 =	vshrl.u32 v23, $0x16;
	v24 =	vshrl.u32 v24, $0x16;
	vm2 =	veq.s32 v17, v16  }
0x16d: {  	v12 =	vld [tilespmem:s0+$0x10];
	v8 =	vand.u32 $0x3FF0, v8;
	v16 =	vsel vm0, $0x0, v3;
	v17 =	vshra.s32 v11, $0x1F  }
0x16e: {  	vm0 =	vne.s32 v33, $0x0;
	v52 =	vand.u32 $0x3FF0, v41;
	v25 =	vand.u32 $0x3FF0, v25  }
0x16f: {  	v55 =	vand.u32 $0x3FF0, v43;
	vm4 =	veq.s32 v14, v54;
	vm1 =	vmand vm1, vm2  }
0x170: {  	v8 =	vor.u32 v16, v8;
	v16 =	vshra.s32 v10, $0x1F;
	v17 =	vor.u32 $0x80000000, v17  }
0x171: {  	vm2 =	vne.s32 v30, $0x0;
	v44 =	vsel vm0, v5, v6;
	v13 =	vsel vm0, $0x0, v3  }
0x172: {  	v20 =	vld [tilespmem:s28+$0xFFFFFFE0];
	v39 =	vsel vm0, v18, v39;
	v8 =	vor.u32 v1, v8;
	v22 =	vshra.s32 v12, $0x1F  }
0x173: {  	v16 =	vor.u32 $0x80000000, v16;
	v17 =	vxor.u32 v11, v17;
	v36 =	vsub.f32 $1.000000000e+00, v12  }
0x174: {  	v60 =	vsel vm2, v5, v6;
	vm7 =	vle.f32 v12, $1.000000000e+00;
	v48 =	vsel vm2, $0x0, v3  }
0x175: {  	v38 =	vsel vm2, v15, v38;
	vm11 =	veq.s32 v24, v44;
	v21 =	vor.u32 $0x4000, v8  }
0x176: {  	v22 =	vor.u32 $0x80000000, v22;
	v16 =	vxor.u32 v10, v16;
	v40 =	vshrl.u32 v17, $0x8  }
0x177: {  	vm6 =	vne.s32 v20, $0x0;
	v20 =	vand.u32 $0x3FF0, v34;
	v17 =	vshrl.u32 v17, $0x16  }
0x178: {  	vm8 =	vmor vm7, vm3;
	v22 =	vxor.u32 v12, v22;
	v37 =	vshrl.u32 v16, $0x8  }
0x179: {  	v16 =	vshrl.u32 v16, $0x16;
	v27 =	vand.u32 $0x3FF0, v40;
	v56 =	vsel vm6, v5, v6  }
0x17a: {  	v46 =	vsel vm6, $0x0, v3;
	v10 =	vsel vm6, v10, v31;
	vm6 =	vmor vm9, vm6  }
0x17b: {  	vm9 =	vle.f32 v15, $1.000000000e+00;
	v36 =	vsel vm3, v12, v36;
	v63 =	vor.u32 v45, v20  }
0x17c: {  	vm12 =	veq.s32 v17, v57;
	v12 =	vor.u32 v61, v52;
	vm3 =	veq.s32 v23, v60  }
0x17d: {  	v15 =	vor.u32 v48, v25;
	v17 =	vor.u32 v13, v55;
	v20 =	vmul.f32 v9, v9  }
0x17e: {  	v13 =	vmul.f32 v32, v32;
	v42 =	vshrl.u32 v22, $0x8;
	v26 =	vand.u32 $0x3FF0, v37  }
0x17f: {  	v22 =	vshrl.u32 v22, $0x16;
	vm10 =	veq.s32 v16, v56;
	vm7 =	vmor vm9, vm2  }
0x180: {  	v11 =	vor.u32 v47, v27;
	vm9 =	vmor vm5, vm0;
	vm5 =	veq.s32 v19, v58  }
0x181: {  	vm0 =	vmand vm15, vm4;
	v16 =	vmul.f32 v10, v10;
	v23 =	vor.u32 v1, v63  }
0x182: {  	v10 =	vmul.f32 v35, v35;
	v24 =	vor.u32 v4, v63;
	v9 =	vmul.f32 v36, v36  }
0x183: {  	v53 =	vand.u32 $0x3FF0, v42;
	v18 =	vor.u32 v46, v26;
	vm4 =	veq.s32 v22, v59  }
0x184: {  	[tilespmem:v8+s21+$0x0] =	vst.idx.add.f32.msk vm1, v2;
	v14 =	vor.u32 v62, v53;
	v8 =	vmul.f32 v38, v38  }
0x185: {  	s29 =	simm.s32 $0x0;
	s0 =	simm.s32 $0xC0;
	v26 =	vor.u32 v1, v18;
	[tilespmem:v21+s21+$0x0] =	vst.idx.add.f32.msk vm1, v7;
	vm1 =	vmand vm6, vm10;
	v7 =	vmul.f32 v39, v39  }
.LBB2_10:
0x186: {  	v27 =	vld [tilespmem:s0+$0xFFFFFFC0]  }
0x187: {  	v29 =	vor.u32 v1, v11;
	v30 =	vor.u32 v4, v11;
	v11 =	vld [tilespmem:s0+$0xFFFFFFD0]  }
0x188: {  	v31 =	vor.u32 v1, v12;
	v32 =	vor.u32 v4, v12;
	v12 =	vld [tilespmem:s0+$0xFFFFFFE0]  }
0x189: {  	v33 =	vor.u32 v1, v14;
	v34 =	vor.u32 v4, v14;
	v14 =	vld [tilespmem:s0+$0xFFFFFFF0]  }
0x18a: {  	v35 =	vor.u32 v1, v15;
	v25 =	vor.u32 v4, v15;
	v15 =	vld [tilespmem:s0+$0x0]  }
0x18b: {  	vm6 =	vmand vm14, vm12;
	s28 =	sadd.s32 $0x80, s28;
	v22 =	vor.u32 v1, v17;
	v21 =	vor.u32 v4, v17;
	v17 =	vld [tilespmem:s0+$0x10]  }
0x18c: {  	v28 =	vor.u32 v4, v18;
	vm5 =	vmand vm13, vm5;
	v18 =	vld [tilespmem:s28+$0xFFFFFFC0]  }
0x18d: {  	vm4 =	vmand vm8, vm4;
	v41 =	vld [tilespmem:s28+$0xFFFFFFF0]  }
0x18e: {  	vm3 =	vmand vm7, vm3;
	vm2 =	vmand vm9, vm11;
	v46 =	vld [tilespmem:s28+$0x0];
	v19 =	vshra.s32 v27, $0x1F  }
0x18f: {  	v48 =	vld [tilespmem:s28+$0x10];
	vm8 =	vle.f32 v27, $1.000000000e+00;
	v36 =	vshra.s32 v11, $0x1F;
	v40 =	vshra.s32 v12, $0x1F  }
0x190: {  	v51 =	vld [tilespmem:s28+$0x30];
	v42 =	vshra.s32 v14, $0x1F;
	v43 =	vshra.s32 v15, $0x1F;
	v44 =	vsub.f32 $1.000000000e+00, v27  }
0x191: {  	v47 =	vshra.s32 v17, $0x1F;
	v62 =	vsub.f32 $1.000000000e+00, v12;
	v63 =	vsub.f32 $1.000000000e+00, v14;
	[tilespmem:v29+s21+$0x0] =	vst.idx.add.f32.msk vm6, v2  }
0x192: {  	v52 =	vsub.f32 $1.000000000e+00, v15;
	v53 =	vsub.f32 $1.000000000e+00, v17;
	vm11 =	vle.f32 v11, $1.000000000e+00;
	[tilespmem:v31+s21+$0x0] =	vst.idx.add.f32.msk vm5, v2  }
0x193: {  	vm13 =	vle.f32 v15, $1.000000000e+00;
	vm7 =	vne.s32 v18, $0x0;
	v18 =	vor.u32 $0x80000000, v19;
	[tilespmem:v33+s21+$0x0] =	vst.idx.add.f32.msk vm4, v2  }
0x194: {  	v36 =	vor.u32 $0x80000000, v36;
	v40 =	vor.u32 $0x80000000, v40;
	v19 =	vxor.u32 v27, v18;
	v18 =	vld [tilespmem:s0+$0x20]  }
0x195: {  	v42 =	vor.u32 $0x80000000, v42;
	v43 =	vor.u32 $0x80000000, v43;
	v27 =	vsel vm7, v27, v44;
	v44 =	vld [tilespmem:s28+$0x20]  }
0x196: {  	v47 =	vor.u32 $0x80000000, v47;
	vm10 =	vne.s32 v51, $0x0;
	v51 =	vimm.s32 $0x0;
	[tilespmem:v30+s21+$0x0] =	vst.idx.add.f32.msk vm6, v13  }
0x197: {  	vm8 =	vmor vm8, vm7;
	v37 =	vsel vm7, v5, v6;
	v36 =	vxor.u32 v11, v36;
	[tilespmem:v32+s21+$0x0] =	vst.idx.add.f32.msk vm5, v10  }
0x198: {  	v58 =	vsel vm7, $0x0, v3;
	v40 =	vxor.u32 v12, v40;
	v42 =	vxor.u32 v14, v42;
	[tilespmem:v34+s21+$0x0] =	vst.idx.add.f32.msk vm4, v9  }
0x199: {  	v43 =	vxor.u32 v15, v43;
	v61 =	vxor.u32 v17, v47;
	vm7 =	vne.s32 v41, $0x0;
	[tilespmem:v35+s21+$0x0] =	vst.idx.add.f32.msk vm3, v2  }
0x19a: {  	vm6 =	vne.s32 v48, $0x0;
	v38 =	vshrl.u32 v19, $0x16;
	v39 =	vshrl.u32 v19, $0x8;
	v19 =	vld [tilespmem:s0+$0x30]  }
0x19b: {  	v27 =	vmul.f32 v27, v27;
	v55 =	vshrl.u32 v43, $0x8;
	v56 =	vshrl.u32 v61, $0x8;
	[tilespmem:v25+s21+$0x0] =	vst.idx.add.f32.msk vm3, v8  }
0x19c: {  	v13 =	vshrl.u32 v36, $0x16;
	[tilespmem:v22+s21+$0x0] =	vst.idx.add.f32.msk vm2, v2;
	vm9 =	veq.s32 v38, v37;
	v57 =	vand.u32 $0x3FF0, v39  }
0x19d: {  	v29 =	vshrl.u32 v40, $0x16;
	v39 =	vld [tilespmem:s28+$0xFFFFFFD0];
	vm8 =	vmand vm8, vm9;
	v37 =	vor.u32 v58, v57  }
0x19e: {  	v30 =	vshrl.u32 v43, $0x16;
	v32 =	vshrl.u32 v61, $0x16;
	v38 =	vld [tilespmem:s28+$0xFFFFFFE0];
	v37 =	vor.u32 v1, v37  }
0x19f: {  	v25 =	vsel vm7, v5, v6;
	vm3 =	vle.f32 v12, $1.000000000e+00;
	[tilespmem:v23+s21+$0x0] =	vst.idx.add.f32.msk vm0, v2;
	v45 =	vor.u32 $0x4000, v37  }
0x1a0: {  	v61 =	vsel vm7, v14, v63;
	v23 =	vshrl.u32 v36, $0x8;
	[tilespmem:v26+s21+$0x0] =	vst.idx.add.f32.msk vm1, v2;
	v26 =	vshrl.u32 v42, $0x8  }
0x1a1: {  	v31 =	vand.u32 $0x3FF0, v55;
	v9 =	vand.u32 $0x3FF0, v56;
	v41 =	vsel vm3, $0xFFFFFFFF, v51;
	[tilespmem:v21+s21+$0x0] =	vst.idx.add.f32.msk vm2, v7  }
0x1a2: {  	vm3 =	vle.f32 v14, $1.000000000e+00;
	v55 =	vimm.s32 $0x0;
	v56 =	vsel vm7, $0x0, v3;
	[tilespmem:v28+s21+$0x0] =	vst.idx.add.f32.msk vm1, v16  }
0x1a3: {  	vm2 =	vle.f32 v17, $1.000000000e+00;
	v21 =	vimm.s32 $0x0;
	v49 =	vshra.s32 v18, $0x1F;
	[tilespmem:v37+s21+$0x0] =	vst.idx.add.f32.msk vm8, v2  }
0x1a4: {  	v50 =	vshra.s32 v19, $0x1F;
	v59 =	vor.u32 $0x80000000, v49;
	[tilespmem:v45+s21+$0x0] =	vst.idx.add.f32.msk vm8, v27;
	vm8 =	vne.s32 v46, $0x0  }
0x1a5: {  	[tilespmem:$0x1FF10] =	vst v41;
	v60 =	vor.u32 $0x80000000, v50;
	vm1 =	vne.s32 v38, $0x0;
	v7 =	vsel vm8, $0x0, v3  }
0x1a6: {  	v49 =	vxor.u32 v19, v60;
	v60 =	vsel vm1, v12, v62;
	v12 =	vor.u32 v7, v31;
	v7 =	vld [tilespmem:$0x1FF10]  }
0x1a7: {  	[tilespmem:v24+s21+$0x0] =	vst.idx.add.f32.msk vm0, v20;
	v20 =	vshrl.u32 v40, $0x8;
	v23 =	vand.u32 $0x3FF0, v23;
	v26 =	vand.u32 $0x3FF0, v26  }
0x1a8: {  	v41 =	vsel vm3, $0xFFFFFFFF, v55;
	v21 =	vsel vm2, $0xFFFFFFFF, v21;
	v57 =	vimm.s32 $0x0  }
0x1a9: {  	v10 =	vand.u32 $0x3FF0, v20;
	v20 =	vshrl.u32 v42, $0x16;
	[tilespmem:$0x1FF30] =	vst v21;
	v21 =	vsel vm6, $0x0, v3  }
0x1aa: {  	[tilespmem:$0x1FF20] =	vst v41;
	v24 =	vsub.f32 $1.000000000e+00, v18;
	vm9 =	vne.s32 v44, $0x0;
	vm2 =	vle.f32 v18, $1.000000000e+00  }
0x1ab: {  	vm12 =	veq.s32 v20, v25;
	v14 =	vor.u32 v21, v9;
	vm14 =	vnez.u8 v7;
	v7 =	vld [tilespmem:$0x1FF20]  }
0x1ac: {  	v54 =	vsub.f32 $1.000000000e+00, v19;
	v42 =	vsel vm2, $0xFFFFFFFF, v57;
	v58 =	vsel vm9, $0x0, v3  }
0x1ad: {  	vm15 =	vle.f32 v19, $1.000000000e+00;
	vm0 =	vne.s32 v39, $0x0;
	v38 =	vsel vm9, v5, v6  }
0x1ae: {  	v63 =	vsel vm9, v18, v24;
	v34 =	vsel vm0, v5, v6;
	v8 =	vsel vm1, v5, v6  }
0x1af: {  	v40 =	vsel vm0, $0x0, v3;
	v22 =	vsel vm1, $0x0, v3;
	v62 =	vsel vm6, v17, v53  }
0x1b0: {  	v19 =	vsel vm10, v19, v54;
	vm1 =	vmor vm14, vm1;
	vm14 =	vnez.u8 v7;
	v7 =	vld [tilespmem:$0x1FF30]  }
0x1b1: {  	v37 =	vxor.u32 v18, v59;
	v39 =	vshrl.u32 v49, $0x8;
	v35 =	vshrl.u32 v49, $0x16  }
0x1b2: {  	v59 =	vsel vm10, $0x0, v3;
	vm2 =	veq.s32 v13, v34;
	v24 =	vor.u32 v40, v23  }
0x1b3: {  	vm3 =	veq.s32 v29, v8;
	v8 =	vimm.s32 $0x0;
	v18 =	vor.u32 v22, v10  }
0x1b4: {  	[tilespmem:$0x1FF40] =	vst v42;
	v13 =	vmul.f32 v61, v61;
	v9 =	vmul.f32 v62, v62;
	v27 =	vsub.f32 $1.000000000e+00, v11  }
0x1b5: {  	v16 =	vshrl.u32 v37, $0x8;
	vm14 =	vmor vm14, vm7;
	vm7 =	vnez.u8 v7;
	v7 =	vld [tilespmem:$0x1FF40]  }
0x1b6: {  	v33 =	vshrl.u32 v37, $0x16;
	v28 =	vand.u32 $0x3FF0, v39;
	v37 =	vsel vm6, v5, v6  }
0x1b7: {  	v39 =	vsel vm10, v5, v6;
	v8 =	vsel vm3, $0xFFFFFFFF, v8;
	v23 =	vor.u32 v1, v24  }
0x1b8: {  	v24 =	vor.u32 v4, v24;
	v16 =	vand.u32 $0x3FF0, v16;
	v36 =	vsel vm8, v5, v6  }
0x1b9: {  	v46 =	vsel vm8, v15, v52;
	[tilespmem:$0x1FF50] =	vst v8;
	vm4 =	veq.s32 v32, v37;
	vm3 =	veq.s32 v33, v38  }
0x1ba: {  	s29 =	sadd.s32 $0x8, s29;
	vm13 =	vmor vm13, vm8;
	vm8 =	vmor vm7, vm6;
	vm6 =	vnez.u8 v7;
	v7 =	vld [tilespmem:$0x1FF50]  }
0x1bb: {  	p0 =	slt.u32 s29, $0x1F8;
	v17 =	vor.u32 v59, v28;
	v8 =	vmul.f32 v63, v63;
	v27 =	vsel vm0, v11, v27  }
.Ltmp4:
0x1bc: {  	v11 =	vor.u32 v56, v26;
	vm5 =	veq.s32 v30, v36;
	v15 =	vor.u32 v58, v16;
	(pc) =	sbr.rel @p0 .LBB2_10-.Ltmp4, $4  }
0x1bd: {  	vm0 =	vmor vm11, vm0;
	vm11 =	veq.s32 v35, v39;
	v16 =	vmul.f32 v60, v60  }
0x1be: {  	v10 =	vmul.f32 v46, v46;
	v26 =	vor.u32 v1, v18;
	vm0 =	vmand vm0, vm2  }
0x1bf: {  	v20 =	vmul.f32 v27, v27;
	vm7 =	vmor vm6, vm9;
	vm2 =	vnez.u8 v7  }
0x1c0: {  	s0 =	sadd.s32 $0x80, s0;
	vm9 =	vmor vm15, vm10;
	v7 =	vmul.f32 v19, v19;
	vm1 =	vmand vm1, vm2  }
0x1c1: {  	_ =	sdelay $0x2  }
0x1c2: {  	v18 =	vor.u32 v4, v18;
	vm2 =	vmand vm14, vm12  }
0x1c3: {  	v19 =	vor.u32 v1, v11;
	vm5 =	vmand vm13, vm5  }
0x1c4: {  	[tilespmem:v23+s21+$0x0] =	vst.idx.add.f32.msk vm0, v2;
	v21 =	vor.u32 v1, v12  }
0x1c5: {  	v11 =	vor.u32 v4, v11;
	[tilespmem:v26+s21+$0x0] =	vst.idx.add.f32.msk vm1, v2  }
0x1c6: {  	v12 =	vor.u32 v4, v12;
	[tilespmem:v24+s21+$0x0] =	vst.idx.add.f32.msk vm0, v20;
	vm0 =	vmand vm8, vm4  }
0x1c7: {  	v20 =	vor.u32 v1, v14;
	[tilespmem:v18+s21+$0x0] =	vst.idx.add.f32.msk vm1, v16  }
0x1c8: {  	v14 =	vor.u32 v4, v14;
	vm1 =	vmand vm7, vm3;
	[tilespmem:v19+s21+$0x0] =	vst.idx.add.f32.msk vm2, v2  }
0x1c9: {  	v16 =	vor.u32 v1, v15;
	[tilespmem:v21+s21+$0x0] =	vst.idx.add.f32.msk vm5, v2  }
0x1ca: {  	[tilespmem:v11+s21+$0x0] =	vst.idx.add.f32.msk vm2, v13;
	v11 =	vor.u32 v4, v15;
	vm2 =	vmand vm9, vm11  }
0x1cb: {  	v13 =	vor.u32 v1, v17;
	[tilespmem:v12+s21+$0x0] =	vst.idx.add.f32.msk vm5, v10  }
0x1cc: {  	v10 =	vor.u32 v4, v17;
	[tilespmem:v20+s21+$0x0] =	vst.idx.add.f32.msk vm0, v2  }
0x1cd: {  	[tilespmem:v14+s21+$0x0] =	vst.idx.add.f32.msk vm0, v9  }
0x1ce: {  	[tilespmem:v16+s21+$0x0] =	vst.idx.add.f32.msk vm1, v2  }
0x1cf: {  	[tilespmem:v11+s21+$0x0] =	vst.idx.add.f32.msk vm1, v8  }
0x1d0: {  	[tilespmem:v13+s21+$0x0] =	vst.idx.add.f32.msk vm2, v2  }
0x1d1: {  	[tilespmem:v10+s21+$0x0] =	vst.idx.add.f32.msk vm2, v7  }
0x1d2: {  	_ =	swait.ge [sflag:s22], $0x2000  }
0x1d3: {  	[sflag:s22] =	ssyncset.done $0x0  }
0x1d4: {  	[sflag:s22] =	ssyncadd.s32 $0xFFFFE000  }
0x1d5: {  	_ =	swait.ge [sflag:s23], $0x2000  }
0x1d6: {  	[sflag:s23] =	ssyncset.done $0x0  }
0x1d7: {  	s0 =	simm.s32 $0x2040;
	[sflag:s23] =	ssyncadd.s32 $0xFFFFE000  }
0x1d8: {  	s28 =	simm.s32 $0x6040;
	v7 =	vld [tilespmem:s0+$0xFFFFFFC0]  }
0x1d9: {  	v8 =	vld [tilespmem:s28+$0xFFFFFFC0]  }
0x1da: {  	v9 =	vld [tilespmem:s0+$0xFFFFFFD0]  }
0x1db: {  	v10 =	vld [tilespmem:s0+$0xFFFFFFE0]  }
0x1dc: {  	v11 =	vld [tilespmem:s0+$0xFFFFFFF0]  }
0x1dd: {  	v13 =	vld [tilespmem:s0+$0x0]  }
0x1de: {  	v15 =	vld [tilespmem:s0+$0x20]  }
0x1df: {  	v18 =	vld [tilespmem:s0+$0x30]  }
0x1e0: {  	v25 =	vld [tilespmem:s28+$0xFFFFFFD0]  }
0x1e1: {  	v26 =	vld [tilespmem:s28+$0xFFFFFFF0]  }
0x1e2: {  	v27 =	vld [tilespmem:s28+$0x0];
	v12 =	vshra.s32 v7, $0x1F;
	vm0 =	vne.s32 v8, $0x0  }
0x1e3: {  	v29 =	vld [tilespmem:s28+$0x10];
	vm1 =	vle.f32 v7, $1.000000000e+00;
	v14 =	vshra.s32 v9, $0x1F;
	v20 =	vsub.f32 $1.000000000e+00, v7  }
0x1e4: {  	v19 =	vshra.s32 v13, $0x1F;
	v28 =	vsub.f32 $1.000000000e+00, v9;
	v31 =	vsub.f32 $1.000000000e+00, v10  }
0x1e5: {  	v23 =	vshra.s32 v15, $0x1F;
	v32 =	vsub.f32 $1.000000000e+00, v11;
	v35 =	vsub.f32 $1.000000000e+00, v13  }
0x1e6: {  	v24 =	vshra.s32 v18, $0x1F;
	v38 =	vsub.f32 $1.000000000e+00, v15;
	v39 =	vsub.f32 $1.000000000e+00, v18  }
0x1e7: {  	vm7 =	vne.s32 v25, $0x0;
	vm5 =	vne.s32 v26, $0x0;
	vm4 =	vne.s32 v27, $0x0  }
0x1e8: {  	vm3 =	vne.s32 v29, $0x0;
	vm8 =	vle.f32 v9, $1.000000000e+00;
	vm9 =	vle.f32 v10, $1.000000000e+00  }
0x1e9: {  	vm10 =	vle.f32 v11, $1.000000000e+00;
	vm11 =	vle.f32 v13, $1.000000000e+00;
	v8 =	vor.u32 $0x80000000, v12  }
0x1ea: {  	vm1 =	vmor vm1, vm0;
	v16 =	vsel vm0, v5, v6;
	v14 =	vor.u32 $0x80000000, v14  }
0x1eb: {  	v19 =	vor.u32 $0x80000000, v19;
	v23 =	vor.u32 $0x80000000, v23;
	v24 =	vor.u32 $0x80000000, v24  }
0x1ec: {  	v54 =	vsel vm7, v5, v6;
	v57 =	vsel vm5, v5, v6;
	v58 =	vsel vm4, v5, v6  }
0x1ed: {  	v59 =	vsel vm3, v5, v6;
	v45 =	vsel vm7, $0x0, v3;
	v47 =	vsel vm5, $0x0, v3  }
0x1ee: {  	v61 =	vsel vm4, $0x0, v3;
	vm15 =	vmor vm8, vm7;
	v62 =	vsel vm3, $0x0, v3  }
0x1ef: {  	vm14 =	vmor vm10, vm5;
	vm13 =	vmor vm11, vm4;
	v8 =	vxor.u32 v7, v8  }
0x1f0: {  	v7 =	vsel vm0, v7, v20;
	v14 =	vxor.u32 v9, v14;
	v19 =	vxor.u32 v13, v19  }
0x1f1: {  	v23 =	vxor.u32 v15, v23;
	v24 =	vxor.u32 v18, v24;
	v9 =	vsel vm7, v9, v28  }
0x1f2: {  	v32 =	vsel vm5, v11, v32;
	vm5 =	vle.f32 v18, $1.000000000e+00;
	v35 =	vsel vm4, v13, v35  }
0x1f3: {  	v33 =	vld [tilespmem:s28+$0x30];
	v17 =	vshrl.u32 v8, $0x16;
	v8 =	vshrl.u32 v8, $0x8;
	v7 =	vmul.f32 v7, v7  }
0x1f4: {  	v34 =	vshrl.u32 v14, $0x8;
	v41 =	vshrl.u32 v19, $0x8;
	v25 =	vshrl.u32 v23, $0x8  }
0x1f5: {  	v43 =	vshrl.u32 v24, $0x8;
	v14 =	vshrl.u32 v14, $0x16;
	v19 =	vshrl.u32 v19, $0x16  }
0x1f6: {  	v30 =	vld [tilespmem:s28+$0x20];
	v23 =	vshrl.u32 v23, $0x16;
	v24 =	vshrl.u32 v24, $0x16;
	vm2 =	veq.s32 v17, v16  }
0x1f7: {  	v12 =	vld [tilespmem:s0+$0x10];
	v8 =	vand.u32 $0x3FF0, v8;
	v16 =	vsel vm0, $0x0, v3;
	v17 =	vshra.s32 v11, $0x1F  }
0x1f8: {  	vm0 =	vne.s32 v33, $0x0;
	v52 =	vand.u32 $0x3FF0, v41;
	v25 =	vand.u32 $0x3FF0, v25  }
0x1f9: {  	v55 =	vand.u32 $0x3FF0, v43;
	vm4 =	veq.s32 v14, v54;
	vm1 =	vmand vm1, vm2  }
0x1fa: {  	v8 =	vor.u32 v16, v8;
	v16 =	vshra.s32 v10, $0x1F;
	v17 =	vor.u32 $0x80000000, v17  }
0x1fb: {  	vm2 =	vne.s32 v30, $0x0;
	v44 =	vsel vm0, v5, v6;
	v13 =	vsel vm0, $0x0, v3  }
0x1fc: {  	v20 =	vld [tilespmem:s28+$0xFFFFFFE0];
	v39 =	vsel vm0, v18, v39;
	v8 =	vor.u32 v1, v8;
	v22 =	vshra.s32 v12, $0x1F  }
0x1fd: {  	v16 =	vor.u32 $0x80000000, v16;
	v17 =	vxor.u32 v11, v17;
	v36 =	vsub.f32 $1.000000000e+00, v12  }
0x1fe: {  	v60 =	vsel vm2, v5, v6;
	vm7 =	vle.f32 v12, $1.000000000e+00;
	v48 =	vsel vm2, $0x0, v3  }
0x1ff: {  	v38 =	vsel vm2, v15, v38;
	vm11 =	veq.s32 v24, v44;
	v21 =	vor.u32 $0x4000, v8  }
0x200: {  	v22 =	vor.u32 $0x80000000, v22;
	v16 =	vxor.u32 v10, v16;
	v40 =	vshrl.u32 v17, $0x8  }
0x201: {  	vm6 =	vne.s32 v20, $0x0;
	v20 =	vand.u32 $0x3FF0, v34;
	v17 =	vshrl.u32 v17, $0x16  }
0x202: {  	vm8 =	vmor vm7, vm3;
	v22 =	vxor.u32 v12, v22;
	v37 =	vshrl.u32 v16, $0x8  }
0x203: {  	v16 =	vshrl.u32 v16, $0x16;
	v27 =	vand.u32 $0x3FF0, v40;
	v56 =	vsel vm6, v5, v6  }
0x204: {  	v46 =	vsel vm6, $0x0, v3;
	v10 =	vsel vm6, v10, v31;
	vm6 =	vmor vm9, vm6  }
0x205: {  	vm9 =	vle.f32 v15, $1.000000000e+00;
	v36 =	vsel vm3, v12, v36;
	v63 =	vor.u32 v45, v20  }
0x206: {  	vm12 =	veq.s32 v17, v57;
	v12 =	vor.u32 v61, v52;
	vm3 =	veq.s32 v23, v60  }
0x207: {  	v15 =	vor.u32 v48, v25;
	v17 =	vor.u32 v13, v55;
	v20 =	vmul.f32 v9, v9  }
0x208: {  	v13 =	vmul.f32 v32, v32;
	v42 =	vshrl.u32 v22, $0x8;
	v26 =	vand.u32 $0x3FF0, v37  }
0x209: {  	v22 =	vshrl.u32 v22, $0x16;
	vm10 =	veq.s32 v16, v56;
	vm7 =	vmor vm9, vm2  }
0x20a: {  	v11 =	vor.u32 v47, v27;
	vm9 =	vmor vm5, vm0;
	vm5 =	veq.s32 v19, v58  }
0x20b: {  	vm0 =	vmand vm15, vm4;
	v16 =	vmul.f32 v10, v10;
	v23 =	vor.u32 v1, v63  }
0x20c: {  	v10 =	vmul.f32 v35, v35;
	v24 =	vor.u32 v4, v63;
	v9 =	vmul.f32 v36, v36  }
0x20d: {  	v53 =	vand.u32 $0x3FF0, v42;
	v18 =	vor.u32 v46, v26;
	vm4 =	veq.s32 v22, v59  }
0x20e: {  	[tilespmem:v8+s21+$0x0] =	vst.idx.add.f32.msk vm1, v2;
	v14 =	vor.u32 v62, v53;
	v8 =	vmul.f32 v38, v38  }
0x20f: {  	s29 =	simm.s32 $0x0;
	s0 =	simm.s32 $0x20C0;
	v26 =	vor.u32 v1, v18;
	[tilespmem:v21+s21+$0x0] =	vst.idx.add.f32.msk vm1, v7;
	vm1 =	vmand vm6, vm10;
	v7 =	vmul.f32 v39, v39  }
.LBB2_12:
0x210: {  	v27 =	vld [tilespmem:s0+$0xFFFFFFC0]  }
0x211: {  	v29 =	vor.u32 v1, v11;
	v30 =	vor.u32 v4, v11;
	v11 =	vld [tilespmem:s0+$0xFFFFFFD0]  }
0x212: {  	v31 =	vor.u32 v1, v12;
	v32 =	vor.u32 v4, v12;
	v12 =	vld [tilespmem:s0+$0xFFFFFFE0]  }
0x213: {  	v33 =	vor.u32 v1, v14;
	v34 =	vor.u32 v4, v14;
	v14 =	vld [tilespmem:s0+$0xFFFFFFF0]  }
0x214: {  	v35 =	vor.u32 v1, v15;
	v25 =	vor.u32 v4, v15;
	v15 =	vld [tilespmem:s0+$0x0]  }
0x215: {  	vm6 =	vmand vm14, vm12;
	s28 =	sadd.s32 $0x80, s28;
	v22 =	vor.u32 v1, v17;
	v21 =	vor.u32 v4, v17;
	v17 =	vld [tilespmem:s0+$0x10]  }
0x216: {  	v28 =	vor.u32 v4, v18;
	vm5 =	vmand vm13, vm5;
	v18 =	vld [tilespmem:s28+$0xFFFFFFC0]  }
0x217: {  	vm4 =	vmand vm8, vm4;
	v41 =	vld [tilespmem:s28+$0xFFFFFFF0]  }
0x218: {  	vm3 =	vmand vm7, vm3;
	vm2 =	vmand vm9, vm11;
	v46 =	vld [tilespmem:s28+$0x0];
	v19 =	vshra.s32 v27, $0x1F  }
0x219: {  	v48 =	vld [tilespmem:s28+$0x10];
	vm8 =	vle.f32 v27, $1.000000000e+00;
	v36 =	vshra.s32 v11, $0x1F;
	v40 =	vshra.s32 v12, $0x1F  }
0x21a: {  	v51 =	vld [tilespmem:s28+$0x30];
	v42 =	vshra.s32 v14, $0x1F;
	v43 =	vshra.s32 v15, $0x1F;
	v44 =	vsub.f32 $1.000000000e+00, v27  }
0x21b: {  	v47 =	vshra.s32 v17, $0x1F;
	v62 =	vsub.f32 $1.000000000e+00, v12;
	v63 =	vsub.f32 $1.000000000e+00, v14;
	[tilespmem:v29+s21+$0x0] =	vst.idx.add.f32.msk vm6, v2  }
0x21c: {  	v52 =	vsub.f32 $1.000000000e+00, v15;
	v53 =	vsub.f32 $1.000000000e+00, v17;
	vm11 =	vle.f32 v11, $1.000000000e+00;
	[tilespmem:v31+s21+$0x0] =	vst.idx.add.f32.msk vm5, v2  }
0x21d: {  	vm13 =	vle.f32 v15, $1.000000000e+00;
	vm7 =	vne.s32 v18, $0x0;
	v18 =	vor.u32 $0x80000000, v19;
	[tilespmem:v33+s21+$0x0] =	vst.idx.add.f32.msk vm4, v2  }
0x21e: {  	v36 =	vor.u32 $0x80000000, v36;
	v40 =	vor.u32 $0x80000000, v40;
	v19 =	vxor.u32 v27, v18;
	v18 =	vld [tilespmem:s0+$0x20]  }
0x21f: {  	v42 =	vor.u32 $0x80000000, v42;
	v43 =	vor.u32 $0x80000000, v43;
	v27 =	vsel vm7, v27, v44;
	v44 =	vld [tilespmem:s28+$0x20]  }
0x220: {  	v47 =	vor.u32 $0x80000000, v47;
	vm10 =	vne.s32 v51, $0x0;
	v51 =	vimm.s32 $0x0;
	[tilespmem:v30+s21+$0x0] =	vst.idx.add.f32.msk vm6, v13  }
0x221: {  	vm8 =	vmor vm8, vm7;
	v37 =	vsel vm7, v5, v6;
	v36 =	vxor.u32 v11, v36;
	[tilespmem:v32+s21+$0x0] =	vst.idx.add.f32.msk vm5, v10  }
0x222: {  	v58 =	vsel vm7, $0x0, v3;
	v40 =	vxor.u32 v12, v40;
	v42 =	vxor.u32 v14, v42;
	[tilespmem:v34+s21+$0x0] =	vst.idx.add.f32.msk vm4, v9  }
0x223: {  	v43 =	vxor.u32 v15, v43;
	v61 =	vxor.u32 v17, v47;
	vm7 =	vne.s32 v41, $0x0;
	[tilespmem:v35+s21+$0x0] =	vst.idx.add.f32.msk vm3, v2  }
0x224: {  	vm6 =	vne.s32 v48, $0x0;
	v38 =	vshrl.u32 v19, $0x16;
	v39 =	vshrl.u32 v19, $0x8;
	v19 =	vld [tilespmem:s0+$0x30]  }
0x225: {  	v27 =	vmul.f32 v27, v27;
	v55 =	vshrl.u32 v43, $0x8;
	v56 =	vshrl.u32 v61, $0x8;
	[tilespmem:v25+s21+$0x0] =	vst.idx.add.f32.msk vm3, v8  }
0x226: {  	v13 =	vshrl.u32 v36, $0x16;
	[tilespmem:v22+s21+$0x0] =	vst.idx.add.f32.msk vm2, v2;
	vm9 =	veq.s32 v38, v37;
	v57 =	vand.u32 $0x3FF0, v39  }
0x227: {  	v29 =	vshrl.u32 v40, $0x16;
	v39 =	vld [tilespmem:s28+$0xFFFFFFD0];
	vm8 =	vmand vm8, vm9;
	v37 =	vor.u32 v58, v57  }
0x228: {  	v30 =	vshrl.u32 v43, $0x16;
	v32 =	vshrl.u32 v61, $0x16;
	v38 =	vld [tilespmem:s28+$0xFFFFFFE0];
	v37 =	vor.u32 v1, v37  }
0x229: {  	v25 =	vsel vm7, v5, v6;
	vm3 =	vle.f32 v12, $1.000000000e+00;
	[tilespmem:v23+s21+$0x0] =	vst.idx.add.f32.msk vm0, v2;
	v45 =	vor.u32 $0x4000, v37  }
0x22a: {  	v61 =	vsel vm7, v14, v63;
	v23 =	vshrl.u32 v36, $0x8;
	[tilespmem:v26+s21+$0x0] =	vst.idx.add.f32.msk vm1, v2;
	v26 =	vshrl.u32 v42, $0x8  }
0x22b: {  	v31 =	vand.u32 $0x3FF0, v55;
	v9 =	vand.u32 $0x3FF0, v56;
	v41 =	vsel vm3, $0xFFFFFFFF, v51;
	[tilespmem:v21+s21+$0x0] =	vst.idx.add.f32.msk vm2, v7  }
0x22c: {  	vm3 =	vle.f32 v14, $1.000000000e+00;
	v55 =	vimm.s32 $0x0;
	v56 =	vsel vm7, $0x0, v3;
	[tilespmem:v28+s21+$0x0] =	vst.idx.add.f32.msk vm1, v16  }
0x22d: {  	vm2 =	vle.f32 v17, $1.000000000e+00;
	v21 =	vimm.s32 $0x0;
	v49 =	vshra.s32 v18, $0x1F;
	[tilespmem:v37+s21+$0x0] =	vst.idx.add.f32.msk vm8, v2  }
0x22e: {  	v50 =	vshra.s32 v19, $0x1F;
	v59 =	vor.u32 $0x80000000, v49;
	[tilespmem:v45+s21+$0x0] =	vst.idx.add.f32.msk vm8, v27;
	vm8 =	vne.s32 v46, $0x0  }
0x22f: {  	[tilespmem:$0x1FEC0] =	vst v41;
	v60 =	vor.u32 $0x80000000, v50;
	vm1 =	vne.s32 v38, $0x0;
	v7 =	vsel vm8, $0x0, v3  }
0x230: {  	v49 =	vxor.u32 v19, v60;
	v60 =	vsel vm1, v12, v62;
	v12 =	vor.u32 v7, v31;
	v7 =	vld [tilespmem:$0x1FEC0]  }
0x231: {  	[tilespmem:v24+s21+$0x0] =	vst.idx.add.f32.msk vm0, v20;
	v20 =	vshrl.u32 v40, $0x8;
	v23 =	vand.u32 $0x3FF0, v23;
	v26 =	vand.u32 $0x3FF0, v26  }
0x232: {  	v41 =	vsel vm3, $0xFFFFFFFF, v55;
	v21 =	vsel vm2, $0xFFFFFFFF, v21;
	v57 =	vimm.s32 $0x0  }
0x233: {  	v10 =	vand.u32 $0x3FF0, v20;
	v20 =	vshrl.u32 v42, $0x16;
	[tilespmem:$0x1FEE0] =	vst v21;
	v21 =	vsel vm6, $0x0, v3  }
0x234: {  	[tilespmem:$0x1FED0] =	vst v41;
	v24 =	vsub.f32 $1.000000000e+00, v18;
	vm9 =	vne.s32 v44, $0x0;
	vm2 =	vle.f32 v18, $1.000000000e+00  }
0x235: {  	vm12 =	veq.s32 v20, v25;
	v14 =	vor.u32 v21, v9;
	vm14 =	vnez.u8 v7;
	v7 =	vld [tilespmem:$0x1FED0]  }
0x236: {  	v54 =	vsub.f32 $1.000000000e+00, v19;
	v42 =	vsel vm2, $0xFFFFFFFF, v57;
	v58 =	vsel vm9, $0x0, v3  }
0x237: {  	vm15 =	vle.f32 v19, $1.000000000e+00;
	vm0 =	vne.s32 v39, $0x0;
	v38 =	vsel vm9, v5, v6  }
0x238: {  	v63 =	vsel vm9, v18, v24;
	v34 =	vsel vm0, v5, v6;
	v8 =	vsel vm1, v5, v6  }
0x239: {  	v40 =	vsel vm0, $0x0, v3;
	v22 =	vsel vm1, $0x0, v3;
	v62 =	vsel vm6, v17, v53  }
0x23a: {  	v19 =	vsel vm10, v19, v54;
	vm1 =	vmor vm14, vm1;
	vm14 =	vnez.u8 v7;
	v7 =	vld [tilespmem:$0x1FEE0]  }
0x23b: {  	v37 =	vxor.u32 v18, v59;
	v39 =	vshrl.u32 v49, $0x8;
	v35 =	vshrl.u32 v49, $0x16  }
0x23c: {  	v59 =	vsel vm10, $0x0, v3;
	vm2 =	veq.s32 v13, v34;
	v24 =	vor.u32 v40, v23  }
0x23d: {  	vm3 =	veq.s32 v29, v8;
	v8 =	vimm.s32 $0x0;
	v18 =	vor.u32 v22, v10  }
0x23e: {  	[tilespmem:$0x1FEF0] =	vst v42;
	v13 =	vmul.f32 v61, v61;
	v9 =	vmul.f32 v62, v62;
	v27 =	vsub.f32 $1.000000000e+00, v11  }
0x23f: {  	v16 =	vshrl.u32 v37, $0x8;
	vm14 =	vmor vm14, vm7;
	vm7 =	vnez.u8 v7;
	v7 =	vld [tilespmem:$0x1FEF0]  }
0x240: {  	v33 =	vshrl.u32 v37, $0x16;
	v28 =	vand.u32 $0x3FF0, v39;
	v37 =	vsel vm6, v5, v6  }
0x241: {  	v39 =	vsel vm10, v5, v6;
	v8 =	vsel vm3, $0xFFFFFFFF, v8;
	v23 =	vor.u32 v1, v24  }
0x242: {  	v24 =	vor.u32 v4, v24;
	v16 =	vand.u32 $0x3FF0, v16;
	v36 =	vsel vm8, v5, v6  }
0x243: {  	v46 =	vsel vm8, v15, v52;
	[tilespmem:$0x1FF00] =	vst v8;
	vm4 =	veq.s32 v32, v37;
	vm3 =	veq.s32 v33, v38  }
0x244: {  	s29 =	sadd.s32 $0x8, s29;
	vm13 =	vmor vm13, vm8;
	vm8 =	vmor vm7, vm6;
	vm6 =	vnez.u8 v7;
	v7 =	vld [tilespmem:$0x1FF00]  }
0x245: {  	p0 =	slt.u32 s29, $0x1F8;
	v17 =	vor.u32 v59, v28;
	v8 =	vmul.f32 v63, v63;
	v27 =	vsel vm0, v11, v27  }
.Ltmp5:
0x246: {  	v11 =	vor.u32 v56, v26;
	vm5 =	veq.s32 v30, v36;
	v15 =	vor.u32 v58, v16;
	(pc) =	sbr.rel @p0 .LBB2_12-.Ltmp5, $4  }
0x247: {  	vm0 =	vmor vm11, vm0;
	vm11 =	veq.s32 v35, v39;
	v16 =	vmul.f32 v60, v60  }
0x248: {  	v10 =	vmul.f32 v46, v46;
	v26 =	vor.u32 v1, v18;
	vm0 =	vmand vm0, vm2  }
0x249: {  	v20 =	vmul.f32 v27, v27;
	vm7 =	vmor vm6, vm9;
	vm2 =	vnez.u8 v7  }
0x24a: {  	s0 =	sadd.s32 $0x80, s0;
	vm9 =	vmor vm15, vm10;
	v7 =	vmul.f32 v19, v19;
	vm1 =	vmand vm1, vm2  }
0x24b: {  	_ =	sdelay $0x2  }
0x24c: {  	v5 =	vor.u32 v4, v18;
	vm2 =	vmand vm14, vm12  }
0x24d: {  	v6 =	vor.u32 v1, v11;
	vm5 =	vmand vm13, vm5  }
0x24e: {  	[tilespmem:v23+s21+$0x0] =	vst.idx.add.f32.msk vm0, v2;
	v59 =	vor.u32 v1, v12;
	vm13 =	vmand vm8, vm4  }
0x24f: {  	[tilespmem:v26+s21+$0x0] =	vst.idx.add.f32.msk vm1, v2;
	v19 =	vor.u32 v1, v14;
	vm15 =	vmand vm9, vm11  }
0x250: {  	v62 =	vor.u32 v1, v17;
	[tilespmem:v24+s21+$0x0] =	vst.idx.add.f32.msk vm0, v20  }
0x251: {  	v58 =	vor.u32 v4, v11;
	[tilespmem:v5+s21+$0x0] =	vst.idx.add.f32.msk vm1, v16  }
0x252: {  	v60 =	vor.u32 v4, v12;
	[tilespmem:v6+s21+$0x0] =	vst.idx.add.f32.msk vm2, v2  }
0x253: {  	v63 =	vor.u32 v4, v17;
	[tilespmem:v59+s21+$0x0] =	vst.idx.add.f32.msk vm5, v2  }
0x254: {  	vm14 =	vmand vm7, vm3;
	v5 =	vor.u32 v4, v14;
	[tilespmem:v19+s21+$0x0] =	vst.idx.add.f32.msk vm13, v2  }
0x255: {  	v6 =	vor.u32 v1, v15;
	[tilespmem:v62+s21+$0x0] =	vst.idx.add.f32.msk vm15, v2  }
0x256: {  	v61 =	vor.u32 v4, v15;
	[tilespmem:v58+s21+$0x0] =	vst.idx.add.f32.msk vm2, v13  }
0x257: {  	[tilespmem:v60+s21+$0x0] =	vst.idx.add.f32.msk vm5, v10  }
0x258: {  	[tilespmem:v63+s21+$0x0] =	vst.idx.add.f32.msk vm15, v7  }
0x259: {  	s26 =	sadd.s32 $0x1, s26;
	[tilespmem:v5+s21+$0x0] =	vst.idx.add.f32.msk vm13, v9  }
0x25a: {  	p0 =	sne.s32 s26, s13;
	[tilespmem:v6+s21+$0x0] =	vst.idx.add.f32.msk vm14, v2  }
.Ltmp6:
0x25b: {  	[tilespmem:v61+s21+$0x0] =	vst.idx.add.f32.msk vm14, v8;
	(pc) =	sbr.rel @p0 .LBB2_1-.Ltmp6, $4  }
0x25c: {  	[hbm4b:s12+s24] =	stream.strided.scatter [tilespmem:s21], [sflag:$0x5], $0x10000, s25, s24, $0x38;
	[tilespmem:$0x18080] =	vst v63  }
0x25d: {  	_ =	swait.ge [sflag:s15], $0x10000  }
0x25e: {  	[sflag:s15] =	ssyncset.done $0x0  }
0x25f: {  	[sflag:s15] =	ssyncadd.s32 $0xFFFF0000  }
0x260: {  	_ =	sfence.sel $0x180000  }
0x261: {  	[bflag:$0x0] =	sbarrier.arrive $0xFFFF  }
0x262: {  	_ =	strace $0x9000004D  }
0x263: {  	[bflag:$0x2] =	sbarrier.arrive $0xFFFF  }
0x264: {  	p0 =	sne.s32 s1, $0x0;
	s0 =	rddreg [dreg:$0x2]  }
0x265: {  	s0 =	sadd.s32 @!p0 $0x100000, s0  }
0x266: {  	[sflag:s0] =	ssyncadd.tile.s32 @!p0 $0x1;
	_ =	shalt  }
.Lfunc_end2:
_tile_overlayer_lowered:
.L_overlay_start_2:
0x267: {  	(tag) =	ssettag $0x2  }
0x268: {  	s0 =	rddreg [dreg:$0x0];
	s2 =	stileid.u32  }
0x269: {  	s1 =	rddreg [dreg:$0x1];
	p0 =	sne.s32 s2, $0x0  }
0x26a: {  	s3 =	rddreg [dreg:$0x2];
	[bflag:$0x3] =	sbarrier.arrive $0xFFFF;
	s2 =	simm.s32 @!p0 $0x1C05  }
0x26b: {  	[timem:s3], [sflag:s2] =	dma.local @!p0 [hbm:s0], s1  }
0x26c: {  	s0 =	simm.s32 @!p0 $0x5  }
0x26d: {  	_ =	swait.ge @!p0 [sflag:s0], s1  }
0x26e: {  	s1 =	ssub.s32 @!p0 $0x0, s1;
	[sflag:s0] =	ssyncset.done @!p0 $0x0  }
0x26f: {  	[sflag:s0] =	ssyncadd.s32 @!p0 s1  }
0x270: {  	[bflag:$0x3] =	sbarrier.arrive $0xFFFF  }
0x271: {  	_ =	shalt  }

// kernel: sparse-core-data-format-call.cloned.1.call-start
scs
called_computation_lowered:
.L_overlay_start_0:
0x0: {  	s2 =	sld [smem:$0x3FD9]  }
0x1: {  	s3 =	sld [smem:$0x3FFE];
	_ =	sdelay $0x1  }
0x2: {  	s1 =	srdreg.scid  }
0x3: {  	s0 =	sand.u32 $0x1, s1  }
0x4: {  	s18 =	sshll.u32 s0, $0xA;
	s2 =	sadd.s32 s3, s2  }
0x5: {  	s2 =	sadd.s32 s2, s18  }
0x6: {  	[smem:$0x3FC6] =	sst s2  }
0x7: {  	_ = 	snop  }
0x8: {  	s2 =	sld [smem:$0x3FC9];
	(tm) =	ssettm $0x1  }
0x9: {  	s19 =	sld [smem:$0x3FFB];
	_ =	sdelay $0x3  }
0xa: {  	_ =	strace s19  }
0xb: {  	s3 =	sld [smem:$0x3FFC];
	_ =	sdelay $0x3  }
0xc: {  	_ =	strace s3  }
0xd: {  	s3 =	sld [smem:$0x3FFD];
	_ =	sdelay $0x3  }
0xe: {  	_ =	strace s3  }
0xf: {  	_ =	strace $0x8FFFFFFF  }
0x10: {  	s20 =	sld [smem:$0x3FDB];
	_ =	sdelay $0x1  }
0x11: {  	s4 =	simm.s32 $_scs_section_size  }
0x12: {  	s5 =	simm.s32 $_size__tile_overlayer_lowered;
	s6 =	simm.s32 $_tile_overlayer_lowered  }
0x13: {  	s23 =	simm.s32 $0x1BFF;
	s22 =	sshll.u32 s6, $0x1;
	s3 =	sadd.s32 s4, s20  }
0x14: {  	s7 =	simm.s32 $0x0;
	s21 =	sshll.u32 s5, $0x1;
	s5 =	sadd.s32 s22, s3  }
0x15: {  	[timem:s7], [sflag:s23] =	dma.local [hbm:s5], s21  }
0x16: {  	_ =	swait.ge [sflag:s23], s21  }
0x17: {  	s4 =	ssub.s32 $0x0, s21;
	[sflag:s23] =	ssyncset.done $0x0  }
0x18: {  	[sflag:s23] =	ssyncadd.s32 s4;
	_ =	sdelay $0x1  }
0x19: {  	s24 =	simm.s32 $0x1B8B  }
0x1a: {  	_ =	swait.ge [sflag:s24], $0x1  }
0x1b: {  	[sflag:s24] =	ssyncset.done $0x0  }
0x1c: {  	s26 =	simm.s32 $0x1B8E;
	s25 =	sld [smem:$0x3FFE];
	[sflag:s24] =	ssyncadd.s32 $0xFFFFFFFF  }
0x1d: {  	s27 =	simm.s32 $execute0_lowered;
	[smem:$0x3FD2] =	sst s26  }
0x1e: {  	s5 =	sshll.u32 s27, $0x1;
	_ =	strace $0x80000046;
	[dreg:$0x1] =	wrdreg $0xFFFFFFFF  }
0x1f: {  	s28 =	simm.s32 $_size_execute0_lowered;
	s3 =	sadd.s32 s3, s5;
	[dreg:$0x0] =	wrdreg $0x0  }
0x20: {  	s5 =	sshll.u32 s28, $0x1;
	[dreg:$0x2] =	wrdreg s3  }
0x21: {  	[dreg:$0x3] =	wrdreg s5  }
0x22: {  	[dreg:$0x4] =	wrdreg $0xC0  }
0x23: {  	_ =	task [dreg:s7], $0x5FFFF  }
0x24: {  	[dreg:$0x1] =	wrdreg $0xFFFFFFFF  }
0x25: {  	[dreg:$0x0] =	wrdreg $0x60  }
0x26: {  	[dreg:$0x2] =	wrdreg s2  }
0x27: {  	[dreg:$0x3] =	wrdreg s25  }
0x28: {  	[dreg:$0x4] =	wrdreg $0x9  }
0x29: {  	_ =	task.clear_ibuf [dreg:s7], $0x5FFFF;
	_ =	strace $0x90000046  }
0x2a: {  	s29 =	simm.s32 $0x9;
	_ =	strace $0x80000048  }
0x2b: {  	_ =	swait.ge [sflag:s29], $0x1  }
0x2c: {  	[sflag:s29] =	ssyncadd.s32 $0xFFFFFFFF  }
0x2d: {  	_ =	strace $0x90000048  }
0x2e: {  	_ =	sfence  }
0x2f: {  	s30 =	sld [smem:$0x0];
	_ =	sdelay $0x2  }
0x30: {  	s31 =	sshll.u32 s1, $0xD;
	s1 =	sshrl.u32 s1, $0x2  }
0x31: {  	s3 =	sand.u32 $0x4000, s31;
	s1 =	sadd.s32 s1, s30  }
0x32: {  	s0 =	sor.u32 s3, s0;
	s1 =	sshll.u32 s1, $0x11  }
0x33: {  	s0 =	sor.u32 s1, s0  }
0x34: {  	s0 =	sadd.s32 $0x8F2B, s0  }
0x35: {  	[sflag:s0] =	ssyncadd.remote.s32 $0x1  }
0x36: {  	_ =	sfence.sel $0xFFFF  }
0x37: {  	[dreg:$0x0] =	wrdreg $0xFFFFFFFF;
	(pc) =	sbr.abs _section_cstart, $3  }
0x38: {  	[dreg:$0x1] =	wrdreg $0xFFFFFFFF  }
0x39: {  	_ =	task.clear_ibuf [dreg:s7], $0x2FFFF;
	_ =	strace $0x9FFFFFFF  }
0x3a: {  	(tm) =	ssettm $0x7FFFFFFF  }
0x3b: {  	_ =	shalt  }
tec
execute0_lowered:
.L_overlay_start_1:
0x0: {  	(tag) =	ssettag $0x1  }
0x1: {  	s0 =	srdreg.scid  }
0x2: {  	s1 =	sshll.u32 s0, $0x4  }
0x3: {  	s2 =	rddreg [dreg:$0x0];
	s0 =	stileid.u32;
	s1 =	sand.u32 $0x10, s1  }
0x4: {  	s4 =	rddreg [dreg:$0x1];
	s1 =	sor.u32 s0, s1  }
0x5: {  	s7 =	simm.s32 $0x1;
	s8 =	simm.s32 $0x2;
	s3 =	sshll.u32 s1, $0x2  }
0x6: {  	s9 =	simm.s32 $0x0;
	s12 =	simm.s32 $0x0;
	s6 =	ssub.s32 $0xC00, s3  }
.Ltmp0:
0x7: {  	s11 =	simm.s32 $0x0;
	s5 =	sand.u32 $0x7C, s6;
	(pc) =	sbr.rel .LBB1_1-.Ltmp0, $4  }
0x8: {  	s1 =	rddreg [dreg:$0x2];
	_ =	strace $0x80000047;
	p0 =	sne.s32 s5, $0x0  }
0x9: {  	s6 =	sshrl.u32 s6, $0x7;
	s5 =	simm.s32 $0x1;
	s7 =	simm.s32 @!p0 $0x0  }
0xa: {  	s10 =	smov.u32 s3;
	[sflag:s5] =	ssyncpa.u1 $0x0;
	s6 =	sadd.s32 s7, s6  }
0xb: {  	[sflag:s8] =	ssyncpa.u1 $0x0;
	s8 =	simm.s32 $0x0;
	s7 =	sadd.s32 $0x1, s6  }
.LBB1_9:
0xc: {  	s14 =	sadd.s32 $0x80, s10  }
0xd: {  	p1 =	sgt.s32 s14, $0xBFF  }
0xe: {  	s14 =	smov.u32 @p1 s3;
	p1 =	sne.s32 s11, s7  }
.Ltmp1:
0xf: {  	p0 =	slt.u32 s11, $0x2;
	(pc) =	sbr.rel @!p1 .LBB1_10-.Ltmp1, $4  }
0x10: {  	s13 =	simm.s32 @!p0 $0x2  }
0x11: {  	s15 =	sadd.s32 $0x1, s11;
	_ =	swait.ge @!p0 [sflag:s13], $0x4000  }
0x12: {  	s12 =	smov.u32 s10;
	s9 =	sadd.s32 $0x4000, s9;
	[sflag:s13] =	ssyncset.done @!p0 $0x0  }
0x13: {  	s11 =	smov.u32 s15;
	s10 =	smov.u32 s14;
	[sflag:s13] =	ssyncadd.s32 @!p0 $0xFFFFC000  }
.LBB1_1:
0x14: {  	p0 =	sge.u32 s11, s6  }
0x15: {  	s13 =	sxor.u32 @!p0 $0xFFFFFFFF, s11  }
0x16: {  	s31 =	sadd.s32 $0xFFFFFFFF, s11;
	s14 =	sshll.u32 @!p0 s10, $0x9;
	s13 =	sshll.u32 @!p0 s13, $0xE  }
0x17: {  	s15 =	simm.s32 @!p0 $0x0;
	s14 =	sadd.s32 @!p0 s2, s14;
	s13 =	sand.u32 @!p0 $0x4000, s13  }
0x18: {  	[tilespmem:s13], [sflag:$0x1] =	stream.linear.gather @!p0 [hbm4b:s14+s15], $0x4000, $0x38;
	[tilespmem:$0x10000] =	vst v63  }
0x19: {  	p0 =	sge.u32 s31, s6  }
.Ltmp2:
0x1a: {  	_ = 	snop;
	(pc) =	sbr.rel @p0 .LBB1_9-.Ltmp2, $1  }
0x1b: {  	_ =	sdelay $0x3  }
0x1c: {  	s14 =	sand.u32 $0x4000, s9  }
0x1d: {  	_ =	swait.ge [sflag:s5], $0x4000;
	s15 =	sshll.u32 s11, $0xE;
	s16 =	simm.s32 $0x0  }
0x1e: {  	s13 =	sor.u32 $0x40, s14;
	[sflag:s5] =	ssyncset.done $0x0;
	s15 =	sand.u32 $0x4000, s15  }
0x1f: {  	s14 =	sor.u32 $0x8040, s14;
	[sflag:s5] =	ssyncadd.s32 $0xFFFFC000;
	s15 =	sor.u32 $0x8000, s15  }
.LBB1_3:
0x20: {  	s17 =	smov.u32 s14;
	s18 =	smov.u32 s13;
	s19 =	simm.s32 $0x0  }
.LBB1_4:
0x21: {  	v0 =	vmov s17;
	v2 =	vld [tilespmem:s18+$0x30]  }
0x22: {  	v4 =	vld [tilespmem:s18+$0xFFFFFFD0]  }
0x23: {  	v6 =	vld [tilespmem:s18+$0xFFFFFFE0]  }
0x24: {  	v7 =	vld [tilespmem:s18+$0xFFFFFFF0]  }
0x25: {  	s20 =	simm.s32 $0x0;
	v1 =	vld [tilespmem:s18+$0x0]  }
0x26: {  	v3 =	vld [tilespmem:s18+$0x10];
	[tilespmem:v0+s20+$0x30 ss:$0x1] =	vst.idx.msk $0xffff, v2  }
0x27: {  	v5 =	vld [tilespmem:s18+$0x20];
	[tilespmem:v0+s20+$0xFFFFFFD0 ss:$0x1] =	vst.idx.msk $0xffff, v4  }
0x28: {  	s21 =	sadd.s32 $0x80, s18;
	v2 =	vld [tilespmem:s18+$0xFFFFFFC0];
	[tilespmem:v0+s20+$0xFFFFFFE0 ss:$0x1] =	vst.idx.msk $0xffff, v6  }
0x29: {  	s22 =	simm.s32 $0x800;
	s23 =	simm.s32 $0x1000;
	v4 =	vld [tilespmem:s21+$0x30];
	[tilespmem:v0+s20+$0xFFFFFFF0 ss:$0x1] =	vst.idx.msk $0xffff, v7  }
.LBB1_5:
0x2a: {  	p0 =	sne.s32 s23, $0x3800;
	v6 =	vld [tilespmem:s21+$0xFFFFFFD0];
	[tilespmem:v0+s20+$0x0 ss:$0x1] =	vst.idx.msk $0xffff, v1  }
0x2b: {  	v7 =	vld [tilespmem:s21+$0xFFFFFFE0];
	[tilespmem:v0+s20+$0x10 ss:$0x1] =	vst.idx.msk $0xffff, v3  }
0x2c: {  	v8 =	vld [tilespmem:s21+$0xFFFFFFF0];
	[tilespmem:v0+s20+$0x20 ss:$0x1] =	vst.idx.msk $0xffff, v5  }
.Ltmp3:
0x2d: {  	v1 =	vld [tilespmem:s21+$0x0];
	[tilespmem:v0+s20+$0xFFFFFFC0 ss:$0x1] =	vst.idx.msk $0xffff, v2;
	s20 =	sshra.s32 s22, $0x2;
	s22 =	smov.u32 s23;
	(pc) =	sbr.rel @p0 .LBB1_5-.Ltmp3, $4  }
0x2e: {  	v3 =	vld [tilespmem:s21+$0x10];
	[tilespmem:v0+s20+$0x30 ss:$0x1] =	vst.idx.msk $0xffff, v4  }
0x2f: {  	[tilespmem:v0+s20+$0xFFFFFFD0 ss:$0x1] =	vst.idx.msk $0xffff, v6;
	v5 =	vld [tilespmem:s21+$0x20]  }
0x30: {  	v2 =	vld [tilespmem:s21+$0xFFFFFFC0];
	[tilespmem:v0+s20+$0xFFFFFFE0 ss:$0x1] =	vst.idx.msk $0xffff, v7;
	s21 =	sadd.s32 $0x80, s21  }
0x31: {  	s23 =	sadd.s32 $0x800, s23;
	v4 =	vld [tilespmem:s21+$0x30];
	[tilespmem:v0+s20+$0xFFFFFFF0 ss:$0x1] =	vst.idx.msk $0xffff, v8  }
0x32: {  	_ =	sdelay $0x3  }
0x33: {  	v6 =	vld [tilespmem:s21+$0xFFFFFFD0];
	[tilespmem:v0+s20+$0x0 ss:$0x1] =	vst.idx.msk $0xffff, v1  }
0x34: {  	v58 =	vld [tilespmem:s21+$0xFFFFFFE0];
	[tilespmem:v0+s20+$0x10 ss:$0x1] =	vst.idx.msk $0xffff, v3  }
0x35: {  	v59 =	vld [tilespmem:s21+$0xFFFFFFF0];
	[tilespmem:v0+s20+$0x20 ss:$0x1] =	vst.idx.msk $0xffff, v5  }
0x36: {  	s22 =	sshra.s32 s22, $0x2;
	v60 =	vld [tilespmem:s21+$0x0];
	[tilespmem:v0+s20+$0xFFFFFFC0 ss:$0x1] =	vst.idx.msk $0xffff, v2  }
0x37: {  	v61 =	vld [tilespmem:s21+$0x10];
	[tilespmem:v0+s22+$0x30 ss:$0x1] =	vst.idx.msk $0xffff, v4  }
0x38: {  	v62 =	vld [tilespmem:s21+$0x20];
	s19 =	sadd.s32 $0x1, s19;
	[tilespmem:v0+s22+$0xFFFFFFD0 ss:$0x1] =	vst.idx.msk $0xffff, v6  }
0x39: {  	v63 =	vld [tilespmem:s21+$0xFFFFFFC0];
	p0 =	sne.s32 s19, $0x4;
	[tilespmem:v0+s22+$0xFFFFFFE0 ss:$0x1] =	vst.idx.msk $0xffff, v58  }
.Ltmp4:
0x3a: {  	[tilespmem:v0+s22+$0xFFFFFFF0 ss:$0x1] =	vst.idx.msk $0xffff, v59;
	(pc) =	sbr.rel @p0 .LBB1_4-.Ltmp4, $4  }
0x3b: {  	[tilespmem:v0+s22+$0x0 ss:$0x1] =	vst.idx.msk $0xffff, v60  }
0x3c: {  	[tilespmem:v0+s22+$0x10 ss:$0x1] =	vst.idx.msk $0xffff, v61  }
0x3d: {  	[tilespmem:v0+s22+$0x20 ss:$0x1] =	vst.idx.msk $0xffff, v62  }
0x3e: {  	s18 =	sadd.s32 $0x400, s18;
	s17 =	sadd.s32 $0x80, s17;
	[tilespmem:v0+s22+$0xFFFFFFC0 ss:$0x1] =	vst.idx.msk $0xffff, v63  }
0x3f: {  	s16 =	sadd.s32 $0x1, s16  }
0x40: {  	p0 =	sne.s32 s16, $0x4  }
.Ltmp5:
0x41: {  	_ = 	snop;
	(pc) =	sbr.rel @p0 .LBB1_3-.Ltmp5, $2  }
0x42: {  	_ =	sdelay $0x2  }
0x43: {  	s13 =	sadd.s32 $0x1000, s13;
	s14 =	sadd.s32 $0x1000, s14  }
.Ltmp6:
0x44: {  	(pc) =	sbr.rel .LBB1_9-.Ltmp6, $4  }
0x45: {  	_ = 	snop  }
0x46: {  	s12 =	sshll.u32 s12, $0x9  }
0x47: {  	s12 =	sadd.s32 s4, s12  }
0x48: {  	[hbm4b:s12+s8] =	stream.linear.scatter [tilespmem:s15], [sflag:$0x2], $0x4000, $0x38;
	[tilespmem:$0x10000] =	vst v63  }
.LBB1_10:
0x49: {  	_ =	sfence.sel $0x180000  }
0x4a: {  	s2 =	simm.s32 $0x1;
	[bflag:$0x0] =	sbarrier.arrive $0xFFFF  }
0x4b: {  	s31 =	simm.s32 $0x2;
	[sflag:s2] =	ssyncpa.u1 $0x1  }
0x4c: {  	[sflag:s31] =	ssyncpa.u1 $0x1  }
0x4d: {  	p0 =	sne.s32 s0, $0x0;
	_ =	strace $0x90000047  }
0x4e: {  	s0 =	sadd.s32 @!p0 $0x100000, s1;
	[bflag:$0x2] =	sbarrier.arrive $0xFFFF  }
0x4f: {  	[sflag:s0] =	ssyncadd.tile.s32 @!p0 $0x1;
	_ =	shalt  }
.Lfunc_end1:
_tile_overlayer_lowered:
.L_overlay_start_2:
0x50: {  	(tag) =	ssettag $0x2  }
0x51: {  	s0 =	rddreg [dreg:$0x0];
	s2 =	stileid.u32  }
0x52: {  	s1 =	rddreg [dreg:$0x1];
	p0 =	sne.s32 s2, $0x0  }
0x53: {  	s3 =	rddreg [dreg:$0x2];
	[bflag:$0x3] =	sbarrier.arrive $0xFFFF;
	s2 =	simm.s32 @!p0 $0x1C01  }
0x54: {  	[timem:s3], [sflag:s2] =	dma.local @!p0 [hbm:s0], s1  }
0x55: {  	s0 =	simm.s32 @!p0 $0x1  }
0x56: {  	_ =	swait.ge @!p0 [sflag:s0], s1  }
0x57: {  	s1 =	ssub.s32 @!p0 $0x0, s1;
	[sflag:s0] =	ssyncset.done @!p0 $0x0  }
0x58: {  	[sflag:s0] =	ssyncadd.s32 @!p0 s1  }
0x59: {  	[bflag:$0x3] =	sbarrier.arrive $0xFFFF  }
0x5a: {  	_ =	shalt  }

</sc_bundles>
